<compile_context>
chip_gen: v7x
topology: tpu7x:2x2x1
jax: 0.10.2.dev20260603
libtpu: 0.0.44.dev20260713+nightly
codegen_flags: <defaults>
</compile_context>

<pallas_src>
import jax
import jax.numpy as jnp
from jax import lax
from jax.experimental import pallas as pl
from jax.experimental.pallas import tpu as pltpu
from jax.experimental.pallas import tpu_sc as plsc

_B, _T = 4096, 50
_D = 64
_G = 128
_NB = 5
_LA = 3

_info = plsc.get_sparse_core_info()
_NC, _NS = _info.num_cores, _info.num_subcores
_NW = _NC * _NS
_N = _B * _T * 2
_NG = _N // _G
_GPW = _NG // _NW


def _gather_body(table_hbm, idx_hbm, out_hbm, idx_v, rows_v, *sems):
    gsem, wsem = sems[:_NB], sems[_NB:]
    wid = lax.axis_index("s") * _NC + lax.axis_index("c")
    gbase = wid * _GPW
    pltpu.sync_copy(idx_hbm.at[pl.ds(gbase, _GPW)], idx_v)

    def gfire(j, b):
        pltpu.async_copy(table_hbm.at[idx_v.at[j]], rows_v.at[b], gsem[b])

    def gwait(b):
        pltpu.make_async_copy(
            table_hbm.at[idx_v.at[0]], rows_v.at[b], gsem[b]).wait()

    def wfire(j, b):
        h = gbase + j
        t = h // (2 * _B // _G)
        r = h % (2 * _B // _G)
        row0 = t * _B + (r // 2) * _G
        col0 = (r % 2) * _D
        pltpu.async_copy(
            rows_v.at[b],
            out_hbm.at[pl.ds(row0, _G), pl.ds(col0, _D)],
            wsem[b])

    def wwait(b):
        pltpu.make_async_copy(
            rows_v.at[b],
            out_hbm.at[pl.ds(0, _G), pl.ds(0, _D)],
            wsem[b]).wait()

    for j in range(_LA):
        gfire(j, j % _NB)

    def step(j, b, fire_next, wait_wb):
        gwait(b)
        wfire(j, b)
        if fire_next:
            bb = (b + _LA) % _NB
            if wait_wb:
                wwait(bb)
            gfire(j + _LA, bb)

    for b in range(_NB):
        step(b, b, True, b >= _NB - _LA)

    def body(i, carry):
        for b in range(_NB):
            step(_NB * i + b, b, True, True)
        return carry

    lax.fori_loop(1, _GPW // _NB - 1, body, 0)

    for b in range(_NB):
        j = _GPW - _NB + b
        step(j, b, j + _LA < _GPW, True)

    for b in range(_NB):
        wwait(b)


_V = 100000
_TW = 8192


def _tr_body(x_ref, o_ref):
    b3 = x_ref[...].T.reshape(_TW // 2, 2, _D)
    o_ref[...] = jnp.concatenate([b3[:, p, :] for p in range(2)], axis=1)


def _transpose_tc(wnat):
    return pl.pallas_call(
        _tr_body,
        grid=(pl.cdiv(_V, _TW),),
        in_specs=[pl.BlockSpec((_D, _TW), lambda g: (0, g))],
        out_specs=pl.BlockSpec((_TW // 2, 2 * _D), lambda g: (g, 0)),
        out_shape=jax.ShapeDtypeStruct((_V // 2, 2 * _D), jnp.float32),
    )(wnat)


@jax.jit
def _dual_embed(table, idx):
    run = pl.kernel(
        _gather_body,
        out_type=jax.ShapeDtypeStruct((_T * _B, 2 * _D), jnp.float32),
        mesh=plsc.VectorSubcoreMesh(core_axis_name="c", subcore_axis_name="s"),
        scratch_types=[
            pltpu.VMEM((_GPW, _G), jnp.int32),
            pltpu.VMEM((_NB, _G, _D), jnp.float32),
        ] + [pltpu.SemaphoreType.DMA] * (2 * _NB),
        compiler_params=pltpu.CompilerParams(
            use_tc_tiling_on_sc=False, needs_layout_passes=False),
    )
    return run(table, idx)


def kernel(token, embedding_weight):
    idx = (token.astype(jnp.int32)
           .reshape(32, 128, _T, 2).transpose(2, 0, 3, 1).reshape(_NG, _G))
    table_lin = _transpose_tc(embedding_weight.T).reshape(_V, _D)
    out = _dual_embed(table_lin, idx)
    return out.reshape(_T, _B, 2 * _D).transpose(1, 0, 2)

# --- scband reference (transcript-rebuilt; emitter-appended) ---
"""Pipeline reference for scband-dual-codebook-embedding-40484361732450 (READ-ONLY COPY).

The authoritative reference and input builder live on the scoring server;
editing this copy changes nothing except your own understanding.
"""

import jax, jax.numpy as jnp
import numpy as np

VOCAB_SIZE = 100000
INPUT_SIZE = 128
EMBED_DIM = INPUT_SIZE // 2
B, T = 4096, 50


def setup_inputs(seed: int = 0) -> dict:
    key = jax.random.key(seed)
    k_tok, k_emb = jax.random.split(key)
    token = jax.random.randint(k_tok, (B, T, 2), 0, VOCAB_SIZE, dtype=jnp.int64 if jax.config.jax_enable_x64 else jnp.int32)
    # nn.Embedding default init: N(0, 1)
    embedding_weight = jax.random.normal(k_emb, (VOCAB_SIZE, EMBED_DIM), dtype=jnp.float32)
    return {"token": token, "embedding_weight": embedding_weight}


def reference(token, embedding_weight):
    embed1 = jnp.take(embedding_weight, token[..., 0], axis=0)
    embed2 = jnp.take(embedding_weight, token[..., 1], axis=0)
    return jnp.concatenate([embed1, embed2], axis=-1)

if __name__ == "__main__":
    import jax
    _d = setup_inputs()
    print(jax.jit(kernel)(*tuple(_d.values())))

</pallas_src>

<mosaic_0001>
#map = affine_map<(d0, d1) -> (0, 0)>
module attributes {stable_mosaic.version = 14 : i64} {
  func.func @_gather_body(%arg0: i32, %arg1: i32, %arg2: memref<100000x64xf32, #tpu.memory_space<hbm>>, %arg3: memref<3200x128xi32, #tpu.memory_space<hbm>>, %arg4: memref<204800x128xf32, #tpu.memory_space<hbm>>, %arg5: memref<100x128xi32, #tpu.memory_space<vmem>>, %arg6: memref<5x128x64xf32, #tpu.memory_space<vmem>>, %arg7: memref<!tpu.dma_semaphore, #tpu.memory_space<semaphore_mem>>, %arg8: memref<!tpu.dma_semaphore, #tpu.memory_space<semaphore_mem>>, %arg9: memref<!tpu.dma_semaphore, #tpu.memory_space<semaphore_mem>>, %arg10: memref<!tpu.dma_semaphore, #tpu.memory_space<semaphore_mem>>, %arg11: memref<!tpu.dma_semaphore, #tpu.memory_space<semaphore_mem>>, %arg12: memref<!tpu.dma_semaphore, #tpu.memory_space<semaphore_mem>>, %arg13: memref<!tpu.dma_semaphore, #tpu.memory_space<semaphore_mem>>, %arg14: memref<!tpu.dma_semaphore, #tpu.memory_space<semaphore_mem>>, %arg15: memref<!tpu.dma_semaphore, #tpu.memory_space<semaphore_mem>>, %arg16: memref<!tpu.dma_semaphore, #tpu.memory_space<semaphore_mem>>) attributes {dimension_semantics = [#tpu.dimension_semantics<core_parallel>, #tpu.dimension_semantics<subcore_parallel>], iteration_bounds = array<i64: 2, 16>, scalar_prefetch = 0 : i64, scratch_operands = 12 : i64, tpu.core_type = #tpu.core_type<sc_vector_subcore>, window_params = [{transform_indices = #map}, {transform_indices = #map}, {transform_indices = #map}]} {
    %mul3A = arith.constant 2 : i32
    %mul3A_0 = arith.muli %arg1, %mul3A : i32
    %add3A = arith.addi %mul3A_0, %arg0 : i32
    %mul3A_1 = arith.constant 100 : i32
    %mul3A_2 = arith.muli %add3A, %mul3A_1 : i32
    "tpu.region"() ({
      %run_scoped3A = tpu.sem_alloc : memref<!tpu.dma_semaphore, #tpu.memory_space<semaphore_mem>>
      %dma_start3A_1386 = arith.constant 0 : i32
      %dma_start3A_1387 = tpu.memref_slice %arg3[%mul3A_2, %dma_start3A_1386] : memref<3200x128xi32, #tpu.memory_space<hbm>> -> memref<100x128xi32, #tpu.memory_space<hbm>>
      %dma_start3A_1388 = arith.constant 0 : i32
      %dma_start3A_1389 = tpu.memref_slice %arg3[%mul3A_2, %dma_start3A_1388] : memref<3200x128xi32, #tpu.memory_space<hbm>> -> memref<100x128xi32, #tpu.memory_space<hbm>>
      tpu.enqueue_dma source(%dma_start3A_1389 : memref<100x128xi32, #tpu.memory_space<hbm>>) target(%arg5 : memref<100x128xi32, #tpu.memory_space<vmem>>) target_semaphore(%run_scoped3A : memref<!tpu.dma_semaphore, #tpu.memory_space<semaphore_mem>>)
      %dma_wait3A_1390 = arith.constant 0 : i32
      %dma_wait3A_1391 = tpu.memref_slice %arg3[%mul3A_2, %dma_wait3A_1390] : memref<3200x128xi32, #tpu.memory_space<hbm>> -> memref<100x128xi32, #tpu.memory_space<hbm>>
      %dma_wait3A_1392 = arith.constant 0 : i32
      %dma_wait3A_1393 = tpu.memref_slice %arg3[%mul3A_2, %dma_wait3A_1392] : memref<3200x128xi32, #tpu.memory_space<hbm>> -> memref<100x128xi32, #tpu.memory_space<hbm>>
      tpu.wait_dma2 semaphore(%run_scoped3A : memref<!tpu.dma_semaphore, #tpu.memory_space<semaphore_mem>>) src(%dma_wait3A_1393 : memref<100x128xi32, #tpu.memory_space<hbm>>) dst(%arg5 : memref<100x128xi32, #tpu.memory_space<vmem>>)
      tpu.yield
    }) : () -> ()
    %dma_start3A = arith.constant 0 : i32
    %dma_start3A_3 = arith.constant 0 : i32
    %dma_start3A_4 = arith.constant 0 : i32
    %dma_start3A_5 = arith.constant 0 : i32
    %dma_start3A_6 = tpu.memref_slice %arg6[%dma_start3A_3, %dma_start3A_4, %dma_start3A_5] : memref<5x128x64xf32, #tpu.memory_space<vmem>> -> memref<1x128x64xf32, #tpu.memory_space<vmem>>
    %dma_start3A_7 = tpu.memref_squeeze %dma_start3A_6 : memref<1x128x64xf32, #tpu.memory_space<vmem>> -> memref<128x64xf32, #tpu.memory_space<vmem>>
    %dma_start3A_8 = arith.constant 0 : i32
    %dma_start3A_9 = tpu.memref_slice %arg5[%dma_start3A, %dma_start3A_8] : memref<100x128xi32, #tpu.memory_space<vmem>> -> memref<1x128xi32, #tpu.memory_space<vmem>>
    %dma_start3A_10 = tpu.memref_squeeze %dma_start3A_9 : memref<1x128xi32, #tpu.memory_space<vmem>> -> memref<128xi32, #tpu.memory_space<vmem>>
    %dma_start3A_11 = arith.constant 0 : i32
    %dma_start3A_12 = arith.constant 0 : i32
    %dma_start3A_13 = tpu.memref_slice %arg2[%dma_start3A_11, %dma_start3A_12] : memref<100000x64xf32, #tpu.memory_space<hbm>> -> memref<100000x64xf32, #tpu.memory_space<hbm>>
    tpu.enqueue_indirect_dma source(%dma_start3A_13 : memref<100000x64xf32, #tpu.memory_space<hbm>>) target(%dma_start3A_7 : memref<128x64xf32, #tpu.memory_space<vmem>>) offsets(%dma_start3A_10 : memref<128xi32, #tpu.memory_space<vmem>>) semaphore(%arg7 : memref<!tpu.dma_semaphore, #tpu.memory_space<semaphore_mem>>)
    %dma_start3A_14 = arith.constant 1 : i32
    %dma_start3A_15 = arith.constant 1 : i32
    %dma_start3A_16 = arith.constant 0 : i32
    %dma_start3A_17 = arith.constant 0 : i32
    %dma_start3A_18 = tpu.memref_slice %arg6[%dma_start3A_15, %dma_start3A_16, %dma_start3A_17] : memref<5x128x64xf32, #tpu.memory_space<vmem>> -> memref<1x128x64xf32, #tpu.memory_space<vmem>>
    %dma_start3A_19 = tpu.memref_squeeze %dma_start3A_18 : memref<1x128x64xf32, #tpu.memory_space<vmem>> -> memref<128x64xf32, #tpu.memory_space<vmem>>
    %dma_start3A_20 = arith.constant 0 : i32
    %dma_start3A_21 = tpu.memref_slice %arg5[%dma_start3A_14, %dma_start3A_20] : memref<100x128xi32, #tpu.memory_space<vmem>> -> memref<1x128xi32, #tpu.memory_space<vmem>>
    %dma_start3A_22 = tpu.memref_squeeze %dma_start3A_21 : memref<1x128xi32, #tpu.memory_space<vmem>> -> memref<128xi32, #tpu.memory_space<vmem>>
    %dma_start3A_23 = arith.constant 0 : i32
    %dma_start3A_24 = arith.constant 0 : i32
    %dma_start3A_25 = tpu.memref_slice %arg2[%dma_start3A_23, %dma_start3A_24] : memref<100000x64xf32, #tpu.memory_space<hbm>> -> memref<100000x64xf32, #tpu.memory_space<hbm>>
    tpu.enqueue_indirect_dma source(%dma_start3A_25 : memref<100000x64xf32, #tpu.memory_space<hbm>>) target(%dma_start3A_19 : memref<128x64xf32, #tpu.memory_space<vmem>>) offsets(%dma_start3A_22 : memref<128xi32, #tpu.memory_space<vmem>>) semaphore(%arg8 : memref<!tpu.dma_semaphore, #tpu.memory_space<semaphore_mem>>)
    %dma_start3A_26 = arith.constant 2 : i32
    %dma_start3A_27 = arith.constant 2 : i32
    %dma_start3A_28 = arith.constant 0 : i32
    %dma_start3A_29 = arith.constant 0 : i32
    %dma_start3A_30 = tpu.memref_slice %arg6[%dma_start3A_27, %dma_start3A_28, %dma_start3A_29] : memref<5x128x64xf32, #tpu.memory_space<vmem>> -> memref<1x128x64xf32, #tpu.memory_space<vmem>>
    %dma_start3A_31 = tpu.memref_squeeze %dma_start3A_30 : memref<1x128x64xf32, #tpu.memory_space<vmem>> -> memref<128x64xf32, #tpu.memory_space<vmem>>
    %dma_start3A_32 = arith.constant 0 : i32
    %dma_start3A_33 = tpu.memref_slice %arg5[%dma_start3A_26, %dma_start3A_32] : memref<100x128xi32, #tpu.memory_space<vmem>> -> memref<1x128xi32, #tpu.memory_space<vmem>>
    %dma_start3A_34 = tpu.memref_squeeze %dma_start3A_33 : memref<1x128xi32, #tpu.memory_space<vmem>> -> memref<128xi32, #tpu.memory_space<vmem>>
    %dma_start3A_35 = arith.constant 0 : i32
    %dma_start3A_36 = arith.constant 0 : i32
    %dma_start3A_37 = tpu.memref_slice %arg2[%dma_start3A_35, %dma_start3A_36] : memref<100000x64xf32, #tpu.memory_space<hbm>> -> memref<100000x64xf32, #tpu.memory_space<hbm>>
    tpu.enqueue_indirect_dma source(%dma_start3A_37 : memref<100000x64xf32, #tpu.memory_space<hbm>>) target(%dma_start3A_31 : memref<128x64xf32, #tpu.memory_space<vmem>>) offsets(%dma_start3A_34 : memref<128xi32, #tpu.memory_space<vmem>>) semaphore(%arg9 : memref<!tpu.dma_semaphore, #tpu.memory_space<semaphore_mem>>)
    %dma_wait3A = arith.constant 0 : i32
    %dma_wait3A_38 = arith.constant 0 : i32
    %dma_wait3A_39 = arith.constant 0 : i32
    %dma_wait3A_40 = arith.constant 0 : i32
    %dma_wait3A_41 = tpu.memref_slice %arg6[%dma_wait3A_38, %dma_wait3A_39, %dma_wait3A_40] : memref<5x128x64xf32, #tpu.memory_space<vmem>> -> memref<1x128x64xf32, #tpu.memory_space<vmem>>
    %dma_wait3A_42 = tpu.memref_squeeze %dma_wait3A_41 : memref<1x128x64xf32, #tpu.memory_space<vmem>> -> memref<128x64xf32, #tpu.memory_space<vmem>>
    %dma_wait3A_43 = arith.constant 0 : i32
    %dma_wait3A_44 = tpu.memref_slice %arg5[%dma_wait3A, %dma_wait3A_43] : memref<100x128xi32, #tpu.memory_space<vmem>> -> memref<1x128xi32, #tpu.memory_space<vmem>>
    %dma_wait3A_45 = tpu.memref_squeeze %dma_wait3A_44 : memref<1x128xi32, #tpu.memory_space<vmem>> -> memref<128xi32, #tpu.memory_space<vmem>>
    %dma_wait3A_46 = arith.constant 0 : i32
    %dma_wait3A_47 = arith.constant 0 : i32
    %dma_wait3A_48 = tpu.memref_slice %arg2[%dma_wait3A_46, %dma_wait3A_47] : memref<100000x64xf32, #tpu.memory_space<hbm>> -> memref<100000x64xf32, #tpu.memory_space<hbm>>
    tpu.wait_indirect_dma semaphore(%arg7 : memref<!tpu.dma_semaphore, #tpu.memory_space<semaphore_mem>>) src(%dma_wait3A_48 : memref<100000x64xf32, #tpu.memory_space<hbm>>) dst(%dma_wait3A_42 : memref<128x64xf32, #tpu.memory_space<vmem>>)
    %add3A_49 = arith.constant 0 : i32
    %add3A_50 = arith.addi %mul3A_2, %add3A_49 : i32
    %jit3A = arith.constant 64 : i32
    %div3A = arith.divsi %add3A_50, %jit3A : i32
    %sign3A = arith.constant 0 : i32
    %sign3A_51 = arith.cmpi sgt, %add3A_50, %sign3A : i32
    %sign3A_52 = arith.extui %sign3A_51 : i1 to i32
    %sign3A_53 = arith.constant 0 : i32
    %sign3A_54 = arith.cmpi slt, %add3A_50, %sign3A_53 : i32
    %sign3A_55 = arith.extui %sign3A_54 : i1 to i32
    %sign3A_56 = arith.subi %sign3A_52, %sign3A_55 : i32
    %sign3A_57 = arith.constant 0 : i32
    %sign3A_58 = arith.cmpi sgt, %jit3A, %sign3A_57 : i32
    %sign3A_59 = arith.extui %sign3A_58 : i1 to i32
    %sign3A_60 = arith.constant 0 : i32
    %sign3A_61 = arith.cmpi slt, %jit3A, %sign3A_60 : i32
    %sign3A_62 = arith.extui %sign3A_61 : i1 to i32
    %sign3A_63 = arith.subi %sign3A_59, %sign3A_62 : i32
    %ne3A = arith.cmpi ne, %sign3A_56, %sign3A_63 : i32
    %rem3A = arith.remsi %add3A_50, %jit3A : i32
    %ne3A_64 = arith.constant 0 : i32
    %ne3A_65 = arith.cmpi ne, %rem3A, %ne3A_64 : i32
    %and3A = arith.andi %ne3A, %ne3A_65 : i1
    %sub3A = arith.constant 1 : i32
    %sub3A_66 = arith.subi %div3A, %sub3A : i32
    %select_n3A = arith.select %and3A, %sub3A_66, %div3A : i32
    %jit3A_67 = arith.constant 64 : i32
    %eq3A = arith.constant 0 : i32
    %eq3A_68 = arith.cmpi eq, %jit3A_67, %eq3A : i32
    %jit3A_69 = arith.constant 1 : i32
    %select_n3A_70 = arith.select %eq3A_68, %jit3A_69, %jit3A_67 : i32
    %rem3A_71 = arith.remsi %add3A_50, %select_n3A_70 : i32
    %ne3A_72 = arith.constant 0 : i32
    %ne3A_73 = arith.cmpi ne, %rem3A_71, %ne3A_72 : i32
    %lt3A = arith.constant 0 : i32
    %lt3A_74 = arith.cmpi slt, %rem3A_71, %lt3A : i32
    %lt3A_75 = arith.constant 0 : i32
    %lt3A_76 = arith.cmpi slt, %select_n3A_70, %lt3A_75 : i32
    %ne3A_77 = arith.xori %lt3A_74, %lt3A_76 : i1
    %and3A_78 = arith.andi %ne3A_77, %ne3A_73 : i1
    %add3A_79 = arith.addi %rem3A_71, %select_n3A_70 : i32
    %select_n3A_80 = arith.select %and3A_78, %add3A_79, %rem3A_71 : i32
    %mul3A_81 = arith.constant 4096 : i32
    %mul3A_82 = arith.muli %select_n3A, %mul3A_81 : i32
    %jit3A_83 = arith.constant 2 : i32
    %div3A_84 = arith.divsi %select_n3A_80, %jit3A_83 : i32
    %sign3A_85 = arith.constant 0 : i32
    %sign3A_86 = arith.cmpi sgt, %select_n3A_80, %sign3A_85 : i32
    %sign3A_87 = arith.extui %sign3A_86 : i1 to i32
    %sign3A_88 = arith.constant 0 : i32
    %sign3A_89 = arith.cmpi slt, %select_n3A_80, %sign3A_88 : i32
    %sign3A_90 = arith.extui %sign3A_89 : i1 to i32
    %sign3A_91 = arith.subi %sign3A_87, %sign3A_90 : i32
    %sign3A_92 = arith.constant 0 : i32
    %sign3A_93 = arith.cmpi sgt, %jit3A_83, %sign3A_92 : i32
    %sign3A_94 = arith.extui %sign3A_93 : i1 to i32
    %sign3A_95 = arith.constant 0 : i32
    %sign3A_96 = arith.cmpi slt, %jit3A_83, %sign3A_95 : i32
    %sign3A_97 = arith.extui %sign3A_96 : i1 to i32
    %sign3A_98 = arith.subi %sign3A_94, %sign3A_97 : i32
    %ne3A_99 = arith.cmpi ne, %sign3A_91, %sign3A_98 : i32
    %rem3A_100 = arith.remsi %select_n3A_80, %jit3A_83 : i32
    %ne3A_101 = arith.constant 0 : i32
    %ne3A_102 = arith.cmpi ne, %rem3A_100, %ne3A_101 : i32
    %and3A_103 = arith.andi %ne3A_99, %ne3A_102 : i1
    %sub3A_104 = arith.constant 1 : i32
    %sub3A_105 = arith.subi %div3A_84, %sub3A_104 : i32
    %select_n3A_106 = arith.select %and3A_103, %sub3A_105, %div3A_84 : i32
    %mul3A_107 = arith.constant 128 : i32
    %mul3A_108 = arith.muli %select_n3A_106, %mul3A_107 : i32
    %add3A_109 = arith.addi %mul3A_82, %mul3A_108 : i32
    %jit3A_110 = arith.constant 2 : i32
    %eq3A_111 = arith.constant 0 : i32
    %eq3A_112 = arith.cmpi eq, %jit3A_110, %eq3A_111 : i32
    %jit3A_113 = arith.constant 1 : i32
    %select_n3A_114 = arith.select %eq3A_112, %jit3A_113, %jit3A_110 : i32
    %rem3A_115 = arith.remsi %select_n3A_80, %select_n3A_114 : i32
    %ne3A_116 = arith.constant 0 : i32
    %ne3A_117 = arith.cmpi ne, %rem3A_115, %ne3A_116 : i32
    %lt3A_118 = arith.constant 0 : i32
    %lt3A_119 = arith.cmpi slt, %rem3A_115, %lt3A_118 : i32
    %lt3A_120 = arith.constant 0 : i32
    %lt3A_121 = arith.cmpi slt, %select_n3A_114, %lt3A_120 : i32
    %ne3A_122 = arith.xori %lt3A_119, %lt3A_121 : i1
    %and3A_123 = arith.andi %ne3A_122, %ne3A_117 : i1
    %add3A_124 = arith.addi %rem3A_115, %select_n3A_114 : i32
    %select_n3A_125 = arith.select %and3A_123, %add3A_124, %rem3A_115 : i32
    %mul3A_126 = arith.constant 64 : i32
    %mul3A_127 = arith.muli %select_n3A_125, %mul3A_126 : i32
    %dma_start3A_128 = arith.constant 0 : i32
    %dma_start3A_129 = arith.constant 0 : i32
    %dma_start3A_130 = arith.constant 0 : i32
    %dma_start3A_131 = tpu.memref_slice %arg6[%dma_start3A_128, %dma_start3A_129, %dma_start3A_130] : memref<5x128x64xf32, #tpu.memory_space<vmem>> -> memref<1x128x64xf32, #tpu.memory_space<vmem>>
    %dma_start3A_132 = tpu.memref_squeeze %dma_start3A_131 : memref<1x128x64xf32, #tpu.memory_space<vmem>> -> memref<128x64xf32, #tpu.memory_space<vmem>>
    %dma_start3A_133 = tpu.memref_slice %arg4[%add3A_109, %mul3A_127] : memref<204800x128xf32, #tpu.memory_space<hbm>> -> memref<128x64xf32, #tpu.memory_space<hbm>>
    %dma_start3A_134 = tpu.memref_slice %arg4[%add3A_109, %mul3A_127] : memref<204800x128xf32, #tpu.memory_space<hbm>> -> memref<128x64xf32, #tpu.memory_space<hbm>>
    %dma_start3A_135 = arith.constant 0 : i32
    %dma_start3A_136 = arith.constant 0 : i32
    %dma_start3A_137 = tpu.memref_slice %arg6[%dma_start3A_128, %dma_start3A_135, %dma_start3A_136] : memref<5x128x64xf32, #tpu.memory_space<vmem>> -> memref<1x128x64xf32, #tpu.memory_space<vmem>>
    %dma_start3A_138 = tpu.memref_squeeze %dma_start3A_137 : memref<1x128x64xf32, #tpu.memory_space<vmem>> -> memref<128x64xf32, #tpu.memory_space<vmem>>
    tpu.enqueue_dma source(%dma_start3A_138 : memref<128x64xf32, #tpu.memory_space<vmem>>) target(%dma_start3A_134 : memref<128x64xf32, #tpu.memory_space<hbm>>) target_semaphore(%arg12 : memref<!tpu.dma_semaphore, #tpu.memory_space<semaphore_mem>>)
    %dma_start3A_139 = arith.constant 3 : i32
    %dma_start3A_140 = arith.constant 3 : i32
    %dma_start3A_141 = arith.constant 0 : i32
    %dma_start3A_142 = arith.constant 0 : i32
    %dma_start3A_143 = tpu.memref_slice %arg6[%dma_start3A_140, %dma_start3A_141, %dma_start3A_142] : memref<5x128x64xf32, #tpu.memory_space<vmem>> -> memref<1x128x64xf32, #tpu.memory_space<vmem>>
    %dma_start3A_144 = tpu.memref_squeeze %dma_start3A_143 : memref<1x128x64xf32, #tpu.memory_space<vmem>> -> memref<128x64xf32, #tpu.memory_space<vmem>>
    %dma_start3A_145 = arith.constant 0 : i32
    %dma_start3A_146 = tpu.memref_slice %arg5[%dma_start3A_139, %dma_start3A_145] : memref<100x128xi32, #tpu.memory_space<vmem>> -> memref<1x128xi32, #tpu.memory_space<vmem>>
    %dma_start3A_147 = tpu.memref_squeeze %dma_start3A_146 : memref<1x128xi32, #tpu.memory_space<vmem>> -> memref<128xi32, #tpu.memory_space<vmem>>
    %dma_start3A_148 = arith.constant 0 : i32
    %dma_start3A_149 = arith.constant 0 : i32
    %dma_start3A_150 = tpu.memref_slice %arg2[%dma_start3A_148, %dma_start3A_149] : memref<100000x64xf32, #tpu.memory_space<hbm>> -> memref<100000x64xf32, #tpu.memory_space<hbm>>
    tpu.enqueue_indirect_dma source(%dma_start3A_150 : memref<100000x64xf32, #tpu.memory_space<hbm>>) target(%dma_start3A_144 : memref<128x64xf32, #tpu.memory_space<vmem>>) offsets(%dma_start3A_147 : memref<128xi32, #tpu.memory_space<vmem>>) semaphore(%arg10 : memref<!tpu.dma_semaphore, #tpu.memory_space<semaphore_mem>>)
    %dma_wait3A_151 = arith.constant 0 : i32
    %dma_wait3A_152 = arith.constant 1 : i32
    %dma_wait3A_153 = arith.constant 0 : i32
    %dma_wait3A_154 = arith.constant 0 : i32
    %dma_wait3A_155 = tpu.memref_slice %arg6[%dma_wait3A_152, %dma_wait3A_153, %dma_wait3A_154] : memref<5x128x64xf32, #tpu.memory_space<vmem>> -> memref<1x128x64xf32, #tpu.memory_space<vmem>>
    %dma_wait3A_156 = tpu.memref_squeeze %dma_wait3A_155 : memref<1x128x64xf32, #tpu.memory_space<vmem>> -> memref<128x64xf32, #tpu.memory_space<vmem>>
    %dma_wait3A_157 = arith.constant 0 : i32
    %dma_wait3A_158 = tpu.memref_slice %arg5[%dma_wait3A_151, %dma_wait3A_157] : memref<100x128xi32, #tpu.memory_space<vmem>> -> memref<1x128xi32, #tpu.memory_space<vmem>>
    %dma_wait3A_159 = tpu.memref_squeeze %dma_wait3A_158 : memref<1x128xi32, #tpu.memory_space<vmem>> -> memref<128xi32, #tpu.memory_space<vmem>>
    %dma_wait3A_160 = arith.constant 0 : i32
    %dma_wait3A_161 = arith.constant 0 : i32
    %dma_wait3A_162 = tpu.memref_slice %arg2[%dma_wait3A_160, %dma_wait3A_161] : memref<100000x64xf32, #tpu.memory_space<hbm>> -> memref<100000x64xf32, #tpu.memory_space<hbm>>
    tpu.wait_indirect_dma semaphore(%arg8 : memref<!tpu.dma_semaphore, #tpu.memory_space<semaphore_mem>>) src(%dma_wait3A_162 : memref<100000x64xf32, #tpu.memory_space<hbm>>) dst(%dma_wait3A_156 : memref<128x64xf32, #tpu.memory_space<vmem>>)
    %add3A_163 = arith.constant 1 : i32
    %add3A_164 = arith.addi %mul3A_2, %add3A_163 : i32
    %jit3A_165 = arith.constant 64 : i32
    %div3A_166 = arith.divsi %add3A_164, %jit3A_165 : i32
    %sign3A_167 = arith.constant 0 : i32
    %sign3A_168 = arith.cmpi sgt, %add3A_164, %sign3A_167 : i32
    %sign3A_169 = arith.extui %sign3A_168 : i1 to i32
    %sign3A_170 = arith.constant 0 : i32
    %sign3A_171 = arith.cmpi slt, %add3A_164, %sign3A_170 : i32
    %sign3A_172 = arith.extui %sign3A_171 : i1 to i32
    %sign3A_173 = arith.subi %sign3A_169, %sign3A_172 : i32
    %sign3A_174 = arith.constant 0 : i32
    %sign3A_175 = arith.cmpi sgt, %jit3A_165, %sign3A_174 : i32
    %sign3A_176 = arith.extui %sign3A_175 : i1 to i32
    %sign3A_177 = arith.constant 0 : i32
    %sign3A_178 = arith.cmpi slt, %jit3A_165, %sign3A_177 : i32
    %sign3A_179 = arith.extui %sign3A_178 : i1 to i32
    %sign3A_180 = arith.subi %sign3A_176, %sign3A_179 : i32
    %ne3A_181 = arith.cmpi ne, %sign3A_173, %sign3A_180 : i32
    %rem3A_182 = arith.remsi %add3A_164, %jit3A_165 : i32
    %ne3A_183 = arith.constant 0 : i32
    %ne3A_184 = arith.cmpi ne, %rem3A_182, %ne3A_183 : i32
    %and3A_185 = arith.andi %ne3A_181, %ne3A_184 : i1
    %sub3A_186 = arith.constant 1 : i32
    %sub3A_187 = arith.subi %div3A_166, %sub3A_186 : i32
    %select_n3A_188 = arith.select %and3A_185, %sub3A_187, %div3A_166 : i32
    %jit3A_189 = arith.constant 64 : i32
    %eq3A_190 = arith.constant 0 : i32
    %eq3A_191 = arith.cmpi eq, %jit3A_189, %eq3A_190 : i32
    %jit3A_192 = arith.constant 1 : i32
    %select_n3A_193 = arith.select %eq3A_191, %jit3A_192, %jit3A_189 : i32
    %rem3A_194 = arith.remsi %add3A_164, %select_n3A_193 : i32
    %ne3A_195 = arith.constant 0 : i32
    %ne3A_196 = arith.cmpi ne, %rem3A_194, %ne3A_195 : i32
    %lt3A_197 = arith.constant 0 : i32
    %lt3A_198 = arith.cmpi slt, %rem3A_194, %lt3A_197 : i32
    %lt3A_199 = arith.constant 0 : i32
    %lt3A_200 = arith.cmpi slt, %select_n3A_193, %lt3A_199 : i32
    %ne3A_201 = arith.xori %lt3A_198, %lt3A_200 : i1
    %and3A_202 = arith.andi %ne3A_201, %ne3A_196 : i1
    %add3A_203 = arith.addi %rem3A_194, %select_n3A_193 : i32
    %select_n3A_204 = arith.select %and3A_202, %add3A_203, %rem3A_194 : i32
    %mul3A_205 = arith.constant 4096 : i32
    %mul3A_206 = arith.muli %select_n3A_188, %mul3A_205 : i32
    %jit3A_207 = arith.constant 2 : i32
    %div3A_208 = arith.divsi %select_n3A_204, %jit3A_207 : i32
    %sign3A_209 = arith.constant 0 : i32
    %sign3A_210 = arith.cmpi sgt, %select_n3A_204, %sign3A_209 : i32
    %sign3A_211 = arith.extui %sign3A_210 : i1 to i32
    %sign3A_212 = arith.constant 0 : i32
    %sign3A_213 = arith.cmpi slt, %select_n3A_204, %sign3A_212 : i32
    %sign3A_214 = arith.extui %sign3A_213 : i1 to i32
    %sign3A_215 = arith.subi %sign3A_211, %sign3A_214 : i32
    %sign3A_216 = arith.constant 0 : i32
    %sign3A_217 = arith.cmpi sgt, %jit3A_207, %sign3A_216 : i32
    %sign3A_218 = arith.extui %sign3A_217 : i1 to i32
    %sign3A_219 = arith.constant 0 : i32
    %sign3A_220 = arith.cmpi slt, %jit3A_207, %sign3A_219 : i32
    %sign3A_221 = arith.extui %sign3A_220 : i1 to i32
    %sign3A_222 = arith.subi %sign3A_218, %sign3A_221 : i32
    %ne3A_223 = arith.cmpi ne, %sign3A_215, %sign3A_222 : i32
    %rem3A_224 = arith.remsi %select_n3A_204, %jit3A_207 : i32
    %ne3A_225 = arith.constant 0 : i32
    %ne3A_226 = arith.cmpi ne, %rem3A_224, %ne3A_225 : i32
    %and3A_227 = arith.andi %ne3A_223, %ne3A_226 : i1
    %sub3A_228 = arith.constant 1 : i32
    %sub3A_229 = arith.subi %div3A_208, %sub3A_228 : i32
    %select_n3A_230 = arith.select %and3A_227, %sub3A_229, %div3A_208 : i32
    %mul3A_231 = arith.constant 128 : i32
    %mul3A_232 = arith.muli %select_n3A_230, %mul3A_231 : i32
    %add3A_233 = arith.addi %mul3A_206, %mul3A_232 : i32
    %jit3A_234 = arith.constant 2 : i32
    %eq3A_235 = arith.constant 0 : i32
    %eq3A_236 = arith.cmpi eq, %jit3A_234, %eq3A_235 : i32
    %jit3A_237 = arith.constant 1 : i32
    %select_n3A_238 = arith.select %eq3A_236, %jit3A_237, %jit3A_234 : i32
    %rem3A_239 = arith.remsi %select_n3A_204, %select_n3A_238 : i32
    %ne3A_240 = arith.constant 0 : i32
    %ne3A_241 = arith.cmpi ne, %rem3A_239, %ne3A_240 : i32
    %lt3A_242 = arith.constant 0 : i32
    %lt3A_243 = arith.cmpi slt, %rem3A_239, %lt3A_242 : i32
    %lt3A_244 = arith.constant 0 : i32
    %lt3A_245 = arith.cmpi slt, %select_n3A_238, %lt3A_244 : i32
    %ne3A_246 = arith.xori %lt3A_243, %lt3A_245 : i1
    %and3A_247 = arith.andi %ne3A_246, %ne3A_241 : i1
    %add3A_248 = arith.addi %rem3A_239, %select_n3A_238 : i32
    %select_n3A_249 = arith.select %and3A_247, %add3A_248, %rem3A_239 : i32
    %mul3A_250 = arith.constant 64 : i32
    %mul3A_251 = arith.muli %select_n3A_249, %mul3A_250 : i32
    %dma_start3A_252 = arith.constant 1 : i32
    %dma_start3A_253 = arith.constant 0 : i32
    %dma_start3A_254 = arith.constant 0 : i32
    %dma_start3A_255 = tpu.memref_slice %arg6[%dma_start3A_252, %dma_start3A_253, %dma_start3A_254] : memref<5x128x64xf32, #tpu.memory_space<vmem>> -> memref<1x128x64xf32, #tpu.memory_space<vmem>>
    %dma_start3A_256 = tpu.memref_squeeze %dma_start3A_255 : memref<1x128x64xf32, #tpu.memory_space<vmem>> -> memref<128x64xf32, #tpu.memory_space<vmem>>
    %dma_start3A_257 = tpu.memref_slice %arg4[%add3A_233, %mul3A_251] : memref<204800x128xf32, #tpu.memory_space<hbm>> -> memref<128x64xf32, #tpu.memory_space<hbm>>
    %dma_start3A_258 = tpu.memref_slice %arg4[%add3A_233, %mul3A_251] : memref<204800x128xf32, #tpu.memory_space<hbm>> -> memref<128x64xf32, #tpu.memory_space<hbm>>
    %dma_start3A_259 = arith.constant 0 : i32
    %dma_start3A_260 = arith.constant 0 : i32
    %dma_start3A_261 = tpu.memref_slice %arg6[%dma_start3A_252, %dma_start3A_259, %dma_start3A_260] : memref<5x128x64xf32, #tpu.memory_space<vmem>> -> memref<1x128x64xf32, #tpu.memory_space<vmem>>
    %dma_start3A_262 = tpu.memref_squeeze %dma_start3A_261 : memref<1x128x64xf32, #tpu.memory_space<vmem>> -> memref<128x64xf32, #tpu.memory_space<vmem>>
    tpu.enqueue_dma source(%dma_start3A_262 : memref<128x64xf32, #tpu.memory_space<vmem>>) target(%dma_start3A_258 : memref<128x64xf32, #tpu.memory_space<hbm>>) target_semaphore(%arg13 : memref<!tpu.dma_semaphore, #tpu.memory_space<semaphore_mem>>)
    %dma_start3A_263 = arith.constant 4 : i32
    %dma_start3A_264 = arith.constant 4 : i32
    %dma_start3A_265 = arith.constant 0 : i32
    %dma_start3A_266 = arith.constant 0 : i32
    %dma_start3A_267 = tpu.memref_slice %arg6[%dma_start3A_264, %dma_start3A_265, %dma_start3A_266] : memref<5x128x64xf32, #tpu.memory_space<vmem>> -> memref<1x128x64xf32, #tpu.memory_space<vmem>>
    %dma_start3A_268 = tpu.memref_squeeze %dma_start3A_267 : memref<1x128x64xf32, #tpu.memory_space<vmem>> -> memref<128x64xf32, #tpu.memory_space<vmem>>
    %dma_start3A_269 = arith.constant 0 : i32
    %dma_start3A_270 = tpu.memref_slice %arg5[%dma_start3A_263, %dma_start3A_269] : memref<100x128xi32, #tpu.memory_space<vmem>> -> memref<1x128xi32, #tpu.memory_space<vmem>>
    %dma_start3A_271 = tpu.memref_squeeze %dma_start3A_270 : memref<1x128xi32, #tpu.memory_space<vmem>> -> memref<128xi32, #tpu.memory_space<vmem>>
    %dma_start3A_272 = arith.constant 0 : i32
    %dma_start3A_273 = arith.constant 0 : i32
    %dma_start3A_274 = tpu.memref_slice %arg2[%dma_start3A_272, %dma_start3A_273] : memref<100000x64xf32, #tpu.memory_space<hbm>> -> memref<100000x64xf32, #tpu.memory_space<hbm>>
    tpu.enqueue_indirect_dma source(%dma_start3A_274 : memref<100000x64xf32, #tpu.memory_space<hbm>>) target(%dma_start3A_268 : memref<128x64xf32, #tpu.memory_space<vmem>>) offsets(%dma_start3A_271 : memref<128xi32, #tpu.memory_space<vmem>>) semaphore(%arg11 : memref<!tpu.dma_semaphore, #tpu.memory_space<semaphore_mem>>)
    %dma_wait3A_275 = arith.constant 0 : i32
    %dma_wait3A_276 = arith.constant 2 : i32
    %dma_wait3A_277 = arith.constant 0 : i32
    %dma_wait3A_278 = arith.constant 0 : i32
    %dma_wait3A_279 = tpu.memref_slice %arg6[%dma_wait3A_276, %dma_wait3A_277, %dma_wait3A_278] : memref<5x128x64xf32, #tpu.memory_space<vmem>> -> memref<1x128x64xf32, #tpu.memory_space<vmem>>
    %dma_wait3A_280 = tpu.memref_squeeze %dma_wait3A_279 : memref<1x128x64xf32, #tpu.memory_space<vmem>> -> memref<128x64xf32, #tpu.memory_space<vmem>>
    %dma_wait3A_281 = arith.constant 0 : i32
    %dma_wait3A_282 = tpu.memref_slice %arg5[%dma_wait3A_275, %dma_wait3A_281] : memref<100x128xi32, #tpu.memory_space<vmem>> -> memref<1x128xi32, #tpu.memory_space<vmem>>
    %dma_wait3A_283 = tpu.memref_squeeze %dma_wait3A_282 : memref<1x128xi32, #tpu.memory_space<vmem>> -> memref<128xi32, #tpu.memory_space<vmem>>
    %dma_wait3A_284 = arith.constant 0 : i32
    %dma_wait3A_285 = arith.constant 0 : i32
    %dma_wait3A_286 = tpu.memref_slice %arg2[%dma_wait3A_284, %dma_wait3A_285] : memref<100000x64xf32, #tpu.memory_space<hbm>> -> memref<100000x64xf32, #tpu.memory_space<hbm>>
    tpu.wait_indirect_dma semaphore(%arg9 : memref<!tpu.dma_semaphore, #tpu.memory_space<semaphore_mem>>) src(%dma_wait3A_286 : memref<100000x64xf32, #tpu.memory_space<hbm>>) dst(%dma_wait3A_280 : memref<128x64xf32, #tpu.memory_space<vmem>>)
    %add3A_287 = arith.constant 2 : i32
    %add3A_288 = arith.addi %mul3A_2, %add3A_287 : i32
    %jit3A_289 = arith.constant 64 : i32
    %div3A_290 = arith.divsi %add3A_288, %jit3A_289 : i32
    %sign3A_291 = arith.constant 0 : i32
    %sign3A_292 = arith.cmpi sgt, %add3A_288, %sign3A_291 : i32
    %sign3A_293 = arith.extui %sign3A_292 : i1 to i32
    %sign3A_294 = arith.constant 0 : i32
    %sign3A_295 = arith.cmpi slt, %add3A_288, %sign3A_294 : i32
    %sign3A_296 = arith.extui %sign3A_295 : i1 to i32
    %sign3A_297 = arith.subi %sign3A_293, %sign3A_296 : i32
    %sign3A_298 = arith.constant 0 : i32
    %sign3A_299 = arith.cmpi sgt, %jit3A_289, %sign3A_298 : i32
    %sign3A_300 = arith.extui %sign3A_299 : i1 to i32
    %sign3A_301 = arith.constant 0 : i32
    %sign3A_302 = arith.cmpi slt, %jit3A_289, %sign3A_301 : i32
    %sign3A_303 = arith.extui %sign3A_302 : i1 to i32
    %sign3A_304 = arith.subi %sign3A_300, %sign3A_303 : i32
    %ne3A_305 = arith.cmpi ne, %sign3A_297, %sign3A_304 : i32
    %rem3A_306 = arith.remsi %add3A_288, %jit3A_289 : i32
    %ne3A_307 = arith.constant 0 : i32
    %ne3A_308 = arith.cmpi ne, %rem3A_306, %ne3A_307 : i32
    %and3A_309 = arith.andi %ne3A_305, %ne3A_308 : i1
    %sub3A_310 = arith.constant 1 : i32
    %sub3A_311 = arith.subi %div3A_290, %sub3A_310 : i32
    %select_n3A_312 = arith.select %and3A_309, %sub3A_311, %div3A_290 : i32
    %jit3A_313 = arith.constant 64 : i32
    %eq3A_314 = arith.constant 0 : i32
    %eq3A_315 = arith.cmpi eq, %jit3A_313, %eq3A_314 : i32
    %jit3A_316 = arith.constant 1 : i32
    %select_n3A_317 = arith.select %eq3A_315, %jit3A_316, %jit3A_313 : i32
    %rem3A_318 = arith.remsi %add3A_288, %select_n3A_317 : i32
    %ne3A_319 = arith.constant 0 : i32
    %ne3A_320 = arith.cmpi ne, %rem3A_318, %ne3A_319 : i32
    %lt3A_321 = arith.constant 0 : i32
    %lt3A_322 = arith.cmpi slt, %rem3A_318, %lt3A_321 : i32
    %lt3A_323 = arith.constant 0 : i32
    %lt3A_324 = arith.cmpi slt, %select_n3A_317, %lt3A_323 : i32
    %ne3A_325 = arith.xori %lt3A_322, %lt3A_324 : i1
    %and3A_326 = arith.andi %ne3A_325, %ne3A_320 : i1
    %add3A_327 = arith.addi %rem3A_318, %select_n3A_317 : i32
    %select_n3A_328 = arith.select %and3A_326, %add3A_327, %rem3A_318 : i32
    %mul3A_329 = arith.constant 4096 : i32
    %mul3A_330 = arith.muli %select_n3A_312, %mul3A_329 : i32
    %jit3A_331 = arith.constant 2 : i32
    %div3A_332 = arith.divsi %select_n3A_328, %jit3A_331 : i32
    %sign3A_333 = arith.constant 0 : i32
    %sign3A_334 = arith.cmpi sgt, %select_n3A_328, %sign3A_333 : i32
    %sign3A_335 = arith.extui %sign3A_334 : i1 to i32
    %sign3A_336 = arith.constant 0 : i32
    %sign3A_337 = arith.cmpi slt, %select_n3A_328, %sign3A_336 : i32
    %sign3A_338 = arith.extui %sign3A_337 : i1 to i32
    %sign3A_339 = arith.subi %sign3A_335, %sign3A_338 : i32
    %sign3A_340 = arith.constant 0 : i32
    %sign3A_341 = arith.cmpi sgt, %jit3A_331, %sign3A_340 : i32
    %sign3A_342 = arith.extui %sign3A_341 : i1 to i32
    %sign3A_343 = arith.constant 0 : i32
    %sign3A_344 = arith.cmpi slt, %jit3A_331, %sign3A_343 : i32
    %sign3A_345 = arith.extui %sign3A_344 : i1 to i32
    %sign3A_346 = arith.subi %sign3A_342, %sign3A_345 : i32
    %ne3A_347 = arith.cmpi ne, %sign3A_339, %sign3A_346 : i32
    %rem3A_348 = arith.remsi %select_n3A_328, %jit3A_331 : i32
    %ne3A_349 = arith.constant 0 : i32
    %ne3A_350 = arith.cmpi ne, %rem3A_348, %ne3A_349 : i32
    %and3A_351 = arith.andi %ne3A_347, %ne3A_350 : i1
    %sub3A_352 = arith.constant 1 : i32
    %sub3A_353 = arith.subi %div3A_332, %sub3A_352 : i32
    %select_n3A_354 = arith.select %and3A_351, %sub3A_353, %div3A_332 : i32
    %mul3A_355 = arith.constant 128 : i32
    %mul3A_356 = arith.muli %select_n3A_354, %mul3A_355 : i32
    %add3A_357 = arith.addi %mul3A_330, %mul3A_356 : i32
    %jit3A_358 = arith.constant 2 : i32
    %eq3A_359 = arith.constant 0 : i32
    %eq3A_360 = arith.cmpi eq, %jit3A_358, %eq3A_359 : i32
    %jit3A_361 = arith.constant 1 : i32
    %select_n3A_362 = arith.select %eq3A_360, %jit3A_361, %jit3A_358 : i32
    %rem3A_363 = arith.remsi %select_n3A_328, %select_n3A_362 : i32
    %ne3A_364 = arith.constant 0 : i32
    %ne3A_365 = arith.cmpi ne, %rem3A_363, %ne3A_364 : i32
    %lt3A_366 = arith.constant 0 : i32
    %lt3A_367 = arith.cmpi slt, %rem3A_363, %lt3A_366 : i32
    %lt3A_368 = arith.constant 0 : i32
    %lt3A_369 = arith.cmpi slt, %select_n3A_362, %lt3A_368 : i32
    %ne3A_370 = arith.xori %lt3A_367, %lt3A_369 : i1
    %and3A_371 = arith.andi %ne3A_370, %ne3A_365 : i1
    %add3A_372 = arith.addi %rem3A_363, %select_n3A_362 : i32
    %select_n3A_373 = arith.select %and3A_371, %add3A_372, %rem3A_363 : i32
    %mul3A_374 = arith.constant 64 : i32
    %mul3A_375 = arith.muli %select_n3A_373, %mul3A_374 : i32
    %dma_start3A_376 = arith.constant 2 : i32
    %dma_start3A_377 = arith.constant 0 : i32
    %dma_start3A_378 = arith.constant 0 : i32
    %dma_start3A_379 = tpu.memref_slice %arg6[%dma_start3A_376, %dma_start3A_377, %dma_start3A_378] : memref<5x128x64xf32, #tpu.memory_space<vmem>> -> memref<1x128x64xf32, #tpu.memory_space<vmem>>
    %dma_start3A_380 = tpu.memref_squeeze %dma_start3A_379 : memref<1x128x64xf32, #tpu.memory_space<vmem>> -> memref<128x64xf32, #tpu.memory_space<vmem>>
    %dma_start3A_381 = tpu.memref_slice %arg4[%add3A_357, %mul3A_375] : memref<204800x128xf32, #tpu.memory_space<hbm>> -> memref<128x64xf32, #tpu.memory_space<hbm>>
    %dma_start3A_382 = tpu.memref_slice %arg4[%add3A_357, %mul3A_375] : memref<204800x128xf32, #tpu.memory_space<hbm>> -> memref<128x64xf32, #tpu.memory_space<hbm>>
    %dma_start3A_383 = arith.constant 0 : i32
    %dma_start3A_384 = arith.constant 0 : i32
    %dma_start3A_385 = tpu.memref_slice %arg6[%dma_start3A_376, %dma_start3A_383, %dma_start3A_384] : memref<5x128x64xf32, #tpu.memory_space<vmem>> -> memref<1x128x64xf32, #tpu.memory_space<vmem>>
    %dma_start3A_386 = tpu.memref_squeeze %dma_start3A_385 : memref<1x128x64xf32, #tpu.memory_space<vmem>> -> memref<128x64xf32, #tpu.memory_space<vmem>>
    tpu.enqueue_dma source(%dma_start3A_386 : memref<128x64xf32, #tpu.memory_space<vmem>>) target(%dma_start3A_382 : memref<128x64xf32, #tpu.memory_space<hbm>>) target_semaphore(%arg14 : memref<!tpu.dma_semaphore, #tpu.memory_space<semaphore_mem>>)
    %dma_wait3A_387 = arith.constant 0 : i32
    %dma_wait3A_388 = arith.constant 0 : i32
    %dma_wait3A_389 = arith.constant 0 : i32
    %dma_wait3A_390 = tpu.memref_slice %arg6[%dma_wait3A_387, %dma_wait3A_388, %dma_wait3A_389] : memref<5x128x64xf32, #tpu.memory_space<vmem>> -> memref<1x128x64xf32, #tpu.memory_space<vmem>>
    %dma_wait3A_391 = tpu.memref_squeeze %dma_wait3A_390 : memref<1x128x64xf32, #tpu.memory_space<vmem>> -> memref<128x64xf32, #tpu.memory_space<vmem>>
    %dma_wait3A_392 = arith.constant 0 : i32
    %dma_wait3A_393 = arith.constant 0 : i32
    %dma_wait3A_394 = tpu.memref_slice %arg4[%dma_wait3A_392, %dma_wait3A_393] : memref<204800x128xf32, #tpu.memory_space<hbm>> -> memref<128x64xf32, #tpu.memory_space<hbm>>
    %dma_wait3A_395 = arith.constant 0 : i32
    %dma_wait3A_396 = arith.constant 0 : i32
    %dma_wait3A_397 = tpu.memref_slice %arg4[%dma_wait3A_395, %dma_wait3A_396] : memref<204800x128xf32, #tpu.memory_space<hbm>> -> memref<128x64xf32, #tpu.memory_space<hbm>>
    %dma_wait3A_398 = arith.constant 0 : i32
    %dma_wait3A_399 = arith.constant 0 : i32
    %dma_wait3A_400 = tpu.memref_slice %arg6[%dma_wait3A_387, %dma_wait3A_398, %dma_wait3A_399] : memref<5x128x64xf32, #tpu.memory_space<vmem>> -> memref<1x128x64xf32, #tpu.memory_space<vmem>>
    %dma_wait3A_401 = tpu.memref_squeeze %dma_wait3A_400 : memref<1x128x64xf32, #tpu.memory_space<vmem>> -> memref<128x64xf32, #tpu.memory_space<vmem>>
    tpu.wait_dma2 semaphore(%arg12 : memref<!tpu.dma_semaphore, #tpu.memory_space<semaphore_mem>>) src(%dma_wait3A_401 : memref<128x64xf32, #tpu.memory_space<vmem>>) dst(%dma_wait3A_397 : memref<128x64xf32, #tpu.memory_space<hbm>>)
    %dma_start3A_402 = arith.constant 5 : i32
    %dma_start3A_403 = arith.constant 0 : i32
    %dma_start3A_404 = arith.constant 0 : i32
    %dma_start3A_405 = arith.constant 0 : i32
    %dma_start3A_406 = tpu.memref_slice %arg6[%dma_start3A_403, %dma_start3A_404, %dma_start3A_405] : memref<5x128x64xf32, #tpu.memory_space<vmem>> -> memref<1x128x64xf32, #tpu.memory_space<vmem>>
    %dma_start3A_407 = tpu.memref_squeeze %dma_start3A_406 : memref<1x128x64xf32, #tpu.memory_space<vmem>> -> memref<128x64xf32, #tpu.memory_space<vmem>>
    %dma_start3A_408 = arith.constant 0 : i32
    %dma_start3A_409 = tpu.memref_slice %arg5[%dma_start3A_402, %dma_start3A_408] : memref<100x128xi32, #tpu.memory_space<vmem>> -> memref<1x128xi32, #tpu.memory_space<vmem>>
    %dma_start3A_410 = tpu.memref_squeeze %dma_start3A_409 : memref<1x128xi32, #tpu.memory_space<vmem>> -> memref<128xi32, #tpu.memory_space<vmem>>
    %dma_start3A_411 = arith.constant 0 : i32
    %dma_start3A_412 = arith.constant 0 : i32
    %dma_start3A_413 = tpu.memref_slice %arg2[%dma_start3A_411, %dma_start3A_412] : memref<100000x64xf32, #tpu.memory_space<hbm>> -> memref<100000x64xf32, #tpu.memory_space<hbm>>
    tpu.enqueue_indirect_dma source(%dma_start3A_413 : memref<100000x64xf32, #tpu.memory_space<hbm>>) target(%dma_start3A_407 : memref<128x64xf32, #tpu.memory_space<vmem>>) offsets(%dma_start3A_410 : memref<128xi32, #tpu.memory_space<vmem>>) semaphore(%arg7 : memref<!tpu.dma_semaphore, #tpu.memory_space<semaphore_mem>>)
    %dma_wait3A_414 = arith.constant 0 : i32
    %dma_wait3A_415 = arith.constant 3 : i32
    %dma_wait3A_416 = arith.constant 0 : i32
    %dma_wait3A_417 = arith.constant 0 : i32
    %dma_wait3A_418 = tpu.memref_slice %arg6[%dma_wait3A_415, %dma_wait3A_416, %dma_wait3A_417] : memref<5x128x64xf32, #tpu.memory_space<vmem>> -> memref<1x128x64xf32, #tpu.memory_space<vmem>>
    %dma_wait3A_419 = tpu.memref_squeeze %dma_wait3A_418 : memref<1x128x64xf32, #tpu.memory_space<vmem>> -> memref<128x64xf32, #tpu.memory_space<vmem>>
    %dma_wait3A_420 = arith.constant 0 : i32
    %dma_wait3A_421 = tpu.memref_slice %arg5[%dma_wait3A_414, %dma_wait3A_420] : memref<100x128xi32, #tpu.memory_space<vmem>> -> memref<1x128xi32, #tpu.memory_space<vmem>>
    %dma_wait3A_422 = tpu.memref_squeeze %dma_wait3A_421 : memref<1x128xi32, #tpu.memory_space<vmem>> -> memref<128xi32, #tpu.memory_space<vmem>>
    %dma_wait3A_423 = arith.constant 0 : i32
    %dma_wait3A_424 = arith.constant 0 : i32
    %dma_wait3A_425 = tpu.memref_slice %arg2[%dma_wait3A_423, %dma_wait3A_424] : memref<100000x64xf32, #tpu.memory_space<hbm>> -> memref<100000x64xf32, #tpu.memory_space<hbm>>
    tpu.wait_indirect_dma semaphore(%arg10 : memref<!tpu.dma_semaphore, #tpu.memory_space<semaphore_mem>>) src(%dma_wait3A_425 : memref<100000x64xf32, #tpu.memory_space<hbm>>) dst(%dma_wait3A_419 : memref<128x64xf32, #tpu.memory_space<vmem>>)
    %add3A_426 = arith.constant 3 : i32
    %add3A_427 = arith.addi %mul3A_2, %add3A_426 : i32
    %jit3A_428 = arith.constant 64 : i32
    %div3A_429 = arith.divsi %add3A_427, %jit3A_428 : i32
    %sign3A_430 = arith.constant 0 : i32
    %sign3A_431 = arith.cmpi sgt, %add3A_427, %sign3A_430 : i32
    %sign3A_432 = arith.extui %sign3A_431 : i1 to i32
    %sign3A_433 = arith.constant 0 : i32
    %sign3A_434 = arith.cmpi slt, %add3A_427, %sign3A_433 : i32
    %sign3A_435 = arith.extui %sign3A_434 : i1 to i32
    %sign3A_436 = arith.subi %sign3A_432, %sign3A_435 : i32
    %sign3A_437 = arith.constant 0 : i32
    %sign3A_438 = arith.cmpi sgt, %jit3A_428, %sign3A_437 : i32
    %sign3A_439 = arith.extui %sign3A_438 : i1 to i32
    %sign3A_440 = arith.constant 0 : i32
    %sign3A_441 = arith.cmpi slt, %jit3A_428, %sign3A_440 : i32
    %sign3A_442 = arith.extui %sign3A_441 : i1 to i32
    %sign3A_443 = arith.subi %sign3A_439, %sign3A_442 : i32
    %ne3A_444 = arith.cmpi ne, %sign3A_436, %sign3A_443 : i32
    %rem3A_445 = arith.remsi %add3A_427, %jit3A_428 : i32
    %ne3A_446 = arith.constant 0 : i32
    %ne3A_447 = arith.cmpi ne, %rem3A_445, %ne3A_446 : i32
    %and3A_448 = arith.andi %ne3A_444, %ne3A_447 : i1
    %sub3A_449 = arith.constant 1 : i32
    %sub3A_450 = arith.subi %div3A_429, %sub3A_449 : i32
    %select_n3A_451 = arith.select %and3A_448, %sub3A_450, %div3A_429 : i32
    %jit3A_452 = arith.constant 64 : i32
    %eq3A_453 = arith.constant 0 : i32
    %eq3A_454 = arith.cmpi eq, %jit3A_452, %eq3A_453 : i32
    %jit3A_455 = arith.constant 1 : i32
    %select_n3A_456 = arith.select %eq3A_454, %jit3A_455, %jit3A_452 : i32
    %rem3A_457 = arith.remsi %add3A_427, %select_n3A_456 : i32
    %ne3A_458 = arith.constant 0 : i32
    %ne3A_459 = arith.cmpi ne, %rem3A_457, %ne3A_458 : i32
    %lt3A_460 = arith.constant 0 : i32
    %lt3A_461 = arith.cmpi slt, %rem3A_457, %lt3A_460 : i32
    %lt3A_462 = arith.constant 0 : i32
    %lt3A_463 = arith.cmpi slt, %select_n3A_456, %lt3A_462 : i32
    %ne3A_464 = arith.xori %lt3A_461, %lt3A_463 : i1
    %and3A_465 = arith.andi %ne3A_464, %ne3A_459 : i1
    %add3A_466 = arith.addi %rem3A_457, %select_n3A_456 : i32
    %select_n3A_467 = arith.select %and3A_465, %add3A_466, %rem3A_457 : i32
    %mul3A_468 = arith.constant 4096 : i32
    %mul3A_469 = arith.muli %select_n3A_451, %mul3A_468 : i32
    %jit3A_470 = arith.constant 2 : i32
    %div3A_471 = arith.divsi %select_n3A_467, %jit3A_470 : i32
    %sign3A_472 = arith.constant 0 : i32
    %sign3A_473 = arith.cmpi sgt, %select_n3A_467, %sign3A_472 : i32
    %sign3A_474 = arith.extui %sign3A_473 : i1 to i32
    %sign3A_475 = arith.constant 0 : i32
    %sign3A_476 = arith.cmpi slt, %select_n3A_467, %sign3A_475 : i32
    %sign3A_477 = arith.extui %sign3A_476 : i1 to i32
    %sign3A_478 = arith.subi %sign3A_474, %sign3A_477 : i32
    %sign3A_479 = arith.constant 0 : i32
    %sign3A_480 = arith.cmpi sgt, %jit3A_470, %sign3A_479 : i32
    %sign3A_481 = arith.extui %sign3A_480 : i1 to i32
    %sign3A_482 = arith.constant 0 : i32
    %sign3A_483 = arith.cmpi slt, %jit3A_470, %sign3A_482 : i32
    %sign3A_484 = arith.extui %sign3A_483 : i1 to i32
    %sign3A_485 = arith.subi %sign3A_481, %sign3A_484 : i32
    %ne3A_486 = arith.cmpi ne, %sign3A_478, %sign3A_485 : i32
    %rem3A_487 = arith.remsi %select_n3A_467, %jit3A_470 : i32
    %ne3A_488 = arith.constant 0 : i32
    %ne3A_489 = arith.cmpi ne, %rem3A_487, %ne3A_488 : i32
    %and3A_490 = arith.andi %ne3A_486, %ne3A_489 : i1
    %sub3A_491 = arith.constant 1 : i32
    %sub3A_492 = arith.subi %div3A_471, %sub3A_491 : i32
    %select_n3A_493 = arith.select %and3A_490, %sub3A_492, %div3A_471 : i32
    %mul3A_494 = arith.constant 128 : i32
    %mul3A_495 = arith.muli %select_n3A_493, %mul3A_494 : i32
    %add3A_496 = arith.addi %mul3A_469, %mul3A_495 : i32
    %jit3A_497 = arith.constant 2 : i32
    %eq3A_498 = arith.constant 0 : i32
    %eq3A_499 = arith.cmpi eq, %jit3A_497, %eq3A_498 : i32
    %jit3A_500 = arith.constant 1 : i32
    %select_n3A_501 = arith.select %eq3A_499, %jit3A_500, %jit3A_497 : i32
    %rem3A_502 = arith.remsi %select_n3A_467, %select_n3A_501 : i32
    %ne3A_503 = arith.constant 0 : i32
    %ne3A_504 = arith.cmpi ne, %rem3A_502, %ne3A_503 : i32
    %lt3A_505 = arith.constant 0 : i32
    %lt3A_506 = arith.cmpi slt, %rem3A_502, %lt3A_505 : i32
    %lt3A_507 = arith.constant 0 : i32
    %lt3A_508 = arith.cmpi slt, %select_n3A_501, %lt3A_507 : i32
    %ne3A_509 = arith.xori %lt3A_506, %lt3A_508 : i1
    %and3A_510 = arith.andi %ne3A_509, %ne3A_504 : i1
    %add3A_511 = arith.addi %rem3A_502, %select_n3A_501 : i32
    %select_n3A_512 = arith.select %and3A_510, %add3A_511, %rem3A_502 : i32
    %mul3A_513 = arith.constant 64 : i32
    %mul3A_514 = arith.muli %select_n3A_512, %mul3A_513 : i32
    %dma_start3A_515 = arith.constant 3 : i32
    %dma_start3A_516 = arith.constant 0 : i32
    %dma_start3A_517 = arith.constant 0 : i32
    %dma_start3A_518 = tpu.memref_slice %arg6[%dma_start3A_515, %dma_start3A_516, %dma_start3A_517] : memref<5x128x64xf32, #tpu.memory_space<vmem>> -> memref<1x128x64xf32, #tpu.memory_space<vmem>>
    %dma_start3A_519 = tpu.memref_squeeze %dma_start3A_518 : memref<1x128x64xf32, #tpu.memory_space<vmem>> -> memref<128x64xf32, #tpu.memory_space<vmem>>
    %dma_start3A_520 = tpu.memref_slice %arg4[%add3A_496, %mul3A_514] : memref<204800x128xf32, #tpu.memory_space<hbm>> -> memref<128x64xf32, #tpu.memory_space<hbm>>
    %dma_start3A_521 = tpu.memref_slice %arg4[%add3A_496, %mul3A_514] : memref<204800x128xf32, #tpu.memory_space<hbm>> -> memref<128x64xf32, #tpu.memory_space<hbm>>
    %dma_start3A_522 = arith.constant 0 : i32
    %dma_start3A_523 = arith.constant 0 : i32
    %dma_start3A_524 = tpu.memref_slice %arg6[%dma_start3A_515, %dma_start3A_522, %dma_start3A_523] : memref<5x128x64xf32, #tpu.memory_space<vmem>> -> memref<1x128x64xf32, #tpu.memory_space<vmem>>
    %dma_start3A_525 = tpu.memref_squeeze %dma_start3A_524 : memref<1x128x64xf32, #tpu.memory_space<vmem>> -> memref<128x64xf32, #tpu.memory_space<vmem>>
    tpu.enqueue_dma source(%dma_start3A_525 : memref<128x64xf32, #tpu.memory_space<vmem>>) target(%dma_start3A_521 : memref<128x64xf32, #tpu.memory_space<hbm>>) target_semaphore(%arg15 : memref<!tpu.dma_semaphore, #tpu.memory_space<semaphore_mem>>)
    %dma_wait3A_526 = arith.constant 1 : i32
    %dma_wait3A_527 = arith.constant 0 : i32
    %dma_wait3A_528 = arith.constant 0 : i32
    %dma_wait3A_529 = tpu.memref_slice %arg6[%dma_wait3A_526, %dma_wait3A_527, %dma_wait3A_528] : memref<5x128x64xf32, #tpu.memory_space<vmem>> -> memref<1x128x64xf32, #tpu.memory_space<vmem>>
    %dma_wait3A_530 = tpu.memref_squeeze %dma_wait3A_529 : memref<1x128x64xf32, #tpu.memory_space<vmem>> -> memref<128x64xf32, #tpu.memory_space<vmem>>
    %dma_wait3A_531 = arith.constant 0 : i32
    %dma_wait3A_532 = arith.constant 0 : i32
    %dma_wait3A_533 = tpu.memref_slice %arg4[%dma_wait3A_531, %dma_wait3A_532] : memref<204800x128xf32, #tpu.memory_space<hbm>> -> memref<128x64xf32, #tpu.memory_space<hbm>>
    %dma_wait3A_534 = arith.constant 0 : i32
    %dma_wait3A_535 = arith.constant 0 : i32
    %dma_wait3A_536 = tpu.memref_slice %arg4[%dma_wait3A_534, %dma_wait3A_535] : memref<204800x128xf32, #tpu.memory_space<hbm>> -> memref<128x64xf32, #tpu.memory_space<hbm>>
    %dma_wait3A_537 = arith.constant 0 : i32
    %dma_wait3A_538 = arith.constant 0 : i32
    %dma_wait3A_539 = tpu.memref_slice %arg6[%dma_wait3A_526, %dma_wait3A_537, %dma_wait3A_538] : memref<5x128x64xf32, #tpu.memory_space<vmem>> -> memref<1x128x64xf32, #tpu.memory_space<vmem>>
    %dma_wait3A_540 = tpu.memref_squeeze %dma_wait3A_539 : memref<1x128x64xf32, #tpu.memory_space<vmem>> -> memref<128x64xf32, #tpu.memory_space<vmem>>
    tpu.wait_dma2 semaphore(%arg13 : memref<!tpu.dma_semaphore, #tpu.memory_space<semaphore_mem>>) src(%dma_wait3A_540 : memref<128x64xf32, #tpu.memory_space<vmem>>) dst(%dma_wait3A_536 : memref<128x64xf32, #tpu.memory_space<hbm>>)
    %dma_start3A_541 = arith.constant 6 : i32
    %dma_start3A_542 = arith.constant 1 : i32
    %dma_start3A_543 = arith.constant 0 : i32
    %dma_start3A_544 = arith.constant 0 : i32
    %dma_start3A_545 = tpu.memref_slice %arg6[%dma_start3A_542, %dma_start3A_543, %dma_start3A_544] : memref<5x128x64xf32, #tpu.memory_space<vmem>> -> memref<1x128x64xf32, #tpu.memory_space<vmem>>
    %dma_start3A_546 = tpu.memref_squeeze %dma_start3A_545 : memref<1x128x64xf32, #tpu.memory_space<vmem>> -> memref<128x64xf32, #tpu.memory_space<vmem>>
    %dma_start3A_547 = arith.constant 0 : i32
    %dma_start3A_548 = tpu.memref_slice %arg5[%dma_start3A_541, %dma_start3A_547] : memref<100x128xi32, #tpu.memory_space<vmem>> -> memref<1x128xi32, #tpu.memory_space<vmem>>
    %dma_start3A_549 = tpu.memref_squeeze %dma_start3A_548 : memref<1x128xi32, #tpu.memory_space<vmem>> -> memref<128xi32, #tpu.memory_space<vmem>>
    %dma_start3A_550 = arith.constant 0 : i32
    %dma_start3A_551 = arith.constant 0 : i32
    %dma_start3A_552 = tpu.memref_slice %arg2[%dma_start3A_550, %dma_start3A_551] : memref<100000x64xf32, #tpu.memory_space<hbm>> -> memref<100000x64xf32, #tpu.memory_space<hbm>>
    tpu.enqueue_indirect_dma source(%dma_start3A_552 : memref<100000x64xf32, #tpu.memory_space<hbm>>) target(%dma_start3A_546 : memref<128x64xf32, #tpu.memory_space<vmem>>) offsets(%dma_start3A_549 : memref<128xi32, #tpu.memory_space<vmem>>) semaphore(%arg8 : memref<!tpu.dma_semaphore, #tpu.memory_space<semaphore_mem>>)
    %dma_wait3A_553 = arith.constant 0 : i32
    %dma_wait3A_554 = arith.constant 4 : i32
    %dma_wait3A_555 = arith.constant 0 : i32
    %dma_wait3A_556 = arith.constant 0 : i32
    %dma_wait3A_557 = tpu.memref_slice %arg6[%dma_wait3A_554, %dma_wait3A_555, %dma_wait3A_556] : memref<5x128x64xf32, #tpu.memory_space<vmem>> -> memref<1x128x64xf32, #tpu.memory_space<vmem>>
    %dma_wait3A_558 = tpu.memref_squeeze %dma_wait3A_557 : memref<1x128x64xf32, #tpu.memory_space<vmem>> -> memref<128x64xf32, #tpu.memory_space<vmem>>
    %dma_wait3A_559 = arith.constant 0 : i32
    %dma_wait3A_560 = tpu.memref_slice %arg5[%dma_wait3A_553, %dma_wait3A_559] : memref<100x128xi32, #tpu.memory_space<vmem>> -> memref<1x128xi32, #tpu.memory_space<vmem>>
    %dma_wait3A_561 = tpu.memref_squeeze %dma_wait3A_560 : memref<1x128xi32, #tpu.memory_space<vmem>> -> memref<128xi32, #tpu.memory_space<vmem>>
    %dma_wait3A_562 = arith.constant 0 : i32
    %dma_wait3A_563 = arith.constant 0 : i32
    %dma_wait3A_564 = tpu.memref_slice %arg2[%dma_wait3A_562, %dma_wait3A_563] : memref<100000x64xf32, #tpu.memory_space<hbm>> -> memref<100000x64xf32, #tpu.memory_space<hbm>>
    tpu.wait_indirect_dma semaphore(%arg11 : memref<!tpu.dma_semaphore, #tpu.memory_space<semaphore_mem>>) src(%dma_wait3A_564 : memref<100000x64xf32, #tpu.memory_space<hbm>>) dst(%dma_wait3A_558 : memref<128x64xf32, #tpu.memory_space<vmem>>)
    %add3A_565 = arith.constant 4 : i32
    %add3A_566 = arith.addi %mul3A_2, %add3A_565 : i32
    %jit3A_567 = arith.constant 64 : i32
    %div3A_568 = arith.divsi %add3A_566, %jit3A_567 : i32
    %sign3A_569 = arith.constant 0 : i32
    %sign3A_570 = arith.cmpi sgt, %add3A_566, %sign3A_569 : i32
    %sign3A_571 = arith.extui %sign3A_570 : i1 to i32
    %sign3A_572 = arith.constant 0 : i32
    %sign3A_573 = arith.cmpi slt, %add3A_566, %sign3A_572 : i32
    %sign3A_574 = arith.extui %sign3A_573 : i1 to i32
    %sign3A_575 = arith.subi %sign3A_571, %sign3A_574 : i32
    %sign3A_576 = arith.constant 0 : i32
    %sign3A_577 = arith.cmpi sgt, %jit3A_567, %sign3A_576 : i32
    %sign3A_578 = arith.extui %sign3A_577 : i1 to i32
    %sign3A_579 = arith.constant 0 : i32
    %sign3A_580 = arith.cmpi slt, %jit3A_567, %sign3A_579 : i32
    %sign3A_581 = arith.extui %sign3A_580 : i1 to i32
    %sign3A_582 = arith.subi %sign3A_578, %sign3A_581 : i32
    %ne3A_583 = arith.cmpi ne, %sign3A_575, %sign3A_582 : i32
    %rem3A_584 = arith.remsi %add3A_566, %jit3A_567 : i32
    %ne3A_585 = arith.constant 0 : i32
    %ne3A_586 = arith.cmpi ne, %rem3A_584, %ne3A_585 : i32
    %and3A_587 = arith.andi %ne3A_583, %ne3A_586 : i1
    %sub3A_588 = arith.constant 1 : i32
    %sub3A_589 = arith.subi %div3A_568, %sub3A_588 : i32
    %select_n3A_590 = arith.select %and3A_587, %sub3A_589, %div3A_568 : i32
    %jit3A_591 = arith.constant 64 : i32
    %eq3A_592 = arith.constant 0 : i32
    %eq3A_593 = arith.cmpi eq, %jit3A_591, %eq3A_592 : i32
    %jit3A_594 = arith.constant 1 : i32
    %select_n3A_595 = arith.select %eq3A_593, %jit3A_594, %jit3A_591 : i32
    %rem3A_596 = arith.remsi %add3A_566, %select_n3A_595 : i32
    %ne3A_597 = arith.constant 0 : i32
    %ne3A_598 = arith.cmpi ne, %rem3A_596, %ne3A_597 : i32
    %lt3A_599 = arith.constant 0 : i32
    %lt3A_600 = arith.cmpi slt, %rem3A_596, %lt3A_599 : i32
    %lt3A_601 = arith.constant 0 : i32
    %lt3A_602 = arith.cmpi slt, %select_n3A_595, %lt3A_601 : i32
    %ne3A_603 = arith.xori %lt3A_600, %lt3A_602 : i1
    %and3A_604 = arith.andi %ne3A_603, %ne3A_598 : i1
    %add3A_605 = arith.addi %rem3A_596, %select_n3A_595 : i32
    %select_n3A_606 = arith.select %and3A_604, %add3A_605, %rem3A_596 : i32
    %mul3A_607 = arith.constant 4096 : i32
    %mul3A_608 = arith.muli %select_n3A_590, %mul3A_607 : i32
    %jit3A_609 = arith.constant 2 : i32
    %div3A_610 = arith.divsi %select_n3A_606, %jit3A_609 : i32
    %sign3A_611 = arith.constant 0 : i32
    %sign3A_612 = arith.cmpi sgt, %select_n3A_606, %sign3A_611 : i32
    %sign3A_613 = arith.extui %sign3A_612 : i1 to i32
    %sign3A_614 = arith.constant 0 : i32
    %sign3A_615 = arith.cmpi slt, %select_n3A_606, %sign3A_614 : i32
    %sign3A_616 = arith.extui %sign3A_615 : i1 to i32
    %sign3A_617 = arith.subi %sign3A_613, %sign3A_616 : i32
    %sign3A_618 = arith.constant 0 : i32
    %sign3A_619 = arith.cmpi sgt, %jit3A_609, %sign3A_618 : i32
    %sign3A_620 = arith.extui %sign3A_619 : i1 to i32
    %sign3A_621 = arith.constant 0 : i32
    %sign3A_622 = arith.cmpi slt, %jit3A_609, %sign3A_621 : i32
    %sign3A_623 = arith.extui %sign3A_622 : i1 to i32
    %sign3A_624 = arith.subi %sign3A_620, %sign3A_623 : i32
    %ne3A_625 = arith.cmpi ne, %sign3A_617, %sign3A_624 : i32
    %rem3A_626 = arith.remsi %select_n3A_606, %jit3A_609 : i32
    %ne3A_627 = arith.constant 0 : i32
    %ne3A_628 = arith.cmpi ne, %rem3A_626, %ne3A_627 : i32
    %and3A_629 = arith.andi %ne3A_625, %ne3A_628 : i1
    %sub3A_630 = arith.constant 1 : i32
    %sub3A_631 = arith.subi %div3A_610, %sub3A_630 : i32
    %select_n3A_632 = arith.select %and3A_629, %sub3A_631, %div3A_610 : i32
    %mul3A_633 = arith.constant 128 : i32
    %mul3A_634 = arith.muli %select_n3A_632, %mul3A_633 : i32
    %add3A_635 = arith.addi %mul3A_608, %mul3A_634 : i32
    %jit3A_636 = arith.constant 2 : i32
    %eq3A_637 = arith.constant 0 : i32
    %eq3A_638 = arith.cmpi eq, %jit3A_636, %eq3A_637 : i32
    %jit3A_639 = arith.constant 1 : i32
    %select_n3A_640 = arith.select %eq3A_638, %jit3A_639, %jit3A_636 : i32
    %rem3A_641 = arith.remsi %select_n3A_606, %select_n3A_640 : i32
    %ne3A_642 = arith.constant 0 : i32
    %ne3A_643 = arith.cmpi ne, %rem3A_641, %ne3A_642 : i32
    %lt3A_644 = arith.constant 0 : i32
    %lt3A_645 = arith.cmpi slt, %rem3A_641, %lt3A_644 : i32
    %lt3A_646 = arith.constant 0 : i32
    %lt3A_647 = arith.cmpi slt, %select_n3A_640, %lt3A_646 : i32
    %ne3A_648 = arith.xori %lt3A_645, %lt3A_647 : i1
    %and3A_649 = arith.andi %ne3A_648, %ne3A_643 : i1
    %add3A_650 = arith.addi %rem3A_641, %select_n3A_640 : i32
    %select_n3A_651 = arith.select %and3A_649, %add3A_650, %rem3A_641 : i32
    %mul3A_652 = arith.constant 64 : i32
    %mul3A_653 = arith.muli %select_n3A_651, %mul3A_652 : i32
    %dma_start3A_654 = arith.constant 4 : i32
    %dma_start3A_655 = arith.constant 0 : i32
    %dma_start3A_656 = arith.constant 0 : i32
    %dma_start3A_657 = tpu.memref_slice %arg6[%dma_start3A_654, %dma_start3A_655, %dma_start3A_656] : memref<5x128x64xf32, #tpu.memory_space<vmem>> -> memref<1x128x64xf32, #tpu.memory_space<vmem>>
    %dma_start3A_658 = tpu.memref_squeeze %dma_start3A_657 : memref<1x128x64xf32, #tpu.memory_space<vmem>> -> memref<128x64xf32, #tpu.memory_space<vmem>>
    %dma_start3A_659 = tpu.memref_slice %arg4[%add3A_635, %mul3A_653] : memref<204800x128xf32, #tpu.memory_space<hbm>> -> memref<128x64xf32, #tpu.memory_space<hbm>>
    %dma_start3A_660 = tpu.memref_slice %arg4[%add3A_635, %mul3A_653] : memref<204800x128xf32, #tpu.memory_space<hbm>> -> memref<128x64xf32, #tpu.memory_space<hbm>>
    %dma_start3A_661 = arith.constant 0 : i32
    %dma_start3A_662 = arith.constant 0 : i32
    %dma_start3A_663 = tpu.memref_slice %arg6[%dma_start3A_654, %dma_start3A_661, %dma_start3A_662] : memref<5x128x64xf32, #tpu.memory_space<vmem>> -> memref<1x128x64xf32, #tpu.memory_space<vmem>>
    %dma_start3A_664 = tpu.memref_squeeze %dma_start3A_663 : memref<1x128x64xf32, #tpu.memory_space<vmem>> -> memref<128x64xf32, #tpu.memory_space<vmem>>
    tpu.enqueue_dma source(%dma_start3A_664 : memref<128x64xf32, #tpu.memory_space<vmem>>) target(%dma_start3A_660 : memref<128x64xf32, #tpu.memory_space<hbm>>) target_semaphore(%arg16 : memref<!tpu.dma_semaphore, #tpu.memory_space<semaphore_mem>>)
    %dma_wait3A_665 = arith.constant 2 : i32
    %dma_wait3A_666 = arith.constant 0 : i32
    %dma_wait3A_667 = arith.constant 0 : i32
    %dma_wait3A_668 = tpu.memref_slice %arg6[%dma_wait3A_665, %dma_wait3A_666, %dma_wait3A_667] : memref<5x128x64xf32, #tpu.memory_space<vmem>> -> memref<1x128x64xf32, #tpu.memory_space<vmem>>
    %dma_wait3A_669 = tpu.memref_squeeze %dma_wait3A_668 : memref<1x128x64xf32, #tpu.memory_space<vmem>> -> memref<128x64xf32, #tpu.memory_space<vmem>>
    %dma_wait3A_670 = arith.constant 0 : i32
    %dma_wait3A_671 = arith.constant 0 : i32
    %dma_wait3A_672 = tpu.memref_slice %arg4[%dma_wait3A_670, %dma_wait3A_671] : memref<204800x128xf32, #tpu.memory_space<hbm>> -> memref<128x64xf32, #tpu.memory_space<hbm>>
    %dma_wait3A_673 = arith.constant 0 : i32
    %dma_wait3A_674 = arith.constant 0 : i32
    %dma_wait3A_675 = tpu.memref_slice %arg4[%dma_wait3A_673, %dma_wait3A_674] : memref<204800x128xf32, #tpu.memory_space<hbm>> -> memref<128x64xf32, #tpu.memory_space<hbm>>
    %dma_wait3A_676 = arith.constant 0 : i32
    %dma_wait3A_677 = arith.constant 0 : i32
    %dma_wait3A_678 = tpu.memref_slice %arg6[%dma_wait3A_665, %dma_wait3A_676, %dma_wait3A_677] : memref<5x128x64xf32, #tpu.memory_space<vmem>> -> memref<1x128x64xf32, #tpu.memory_space<vmem>>
    %dma_wait3A_679 = tpu.memref_squeeze %dma_wait3A_678 : memref<1x128x64xf32, #tpu.memory_space<vmem>> -> memref<128x64xf32, #tpu.memory_space<vmem>>
    tpu.wait_dma2 semaphore(%arg14 : memref<!tpu.dma_semaphore, #tpu.memory_space<semaphore_mem>>) src(%dma_wait3A_679 : memref<128x64xf32, #tpu.memory_space<vmem>>) dst(%dma_wait3A_675 : memref<128x64xf32, #tpu.memory_space<hbm>>)
    %dma_start3A_680 = arith.constant 7 : i32
    %dma_start3A_681 = arith.constant 2 : i32
    %dma_start3A_682 = arith.constant 0 : i32
    %dma_start3A_683 = arith.constant 0 : i32
    %dma_start3A_684 = tpu.memref_slice %arg6[%dma_start3A_681, %dma_start3A_682, %dma_start3A_683] : memref<5x128x64xf32, #tpu.memory_space<vmem>> -> memref<1x128x64xf32, #tpu.memory_space<vmem>>
    %dma_start3A_685 = tpu.memref_squeeze %dma_start3A_684 : memref<1x128x64xf32, #tpu.memory_space<vmem>> -> memref<128x64xf32, #tpu.memory_space<vmem>>
    %dma_start3A_686 = arith.constant 0 : i32
    %dma_start3A_687 = tpu.memref_slice %arg5[%dma_start3A_680, %dma_start3A_686] : memref<100x128xi32, #tpu.memory_space<vmem>> -> memref<1x128xi32, #tpu.memory_space<vmem>>
    %dma_start3A_688 = tpu.memref_squeeze %dma_start3A_687 : memref<1x128xi32, #tpu.memory_space<vmem>> -> memref<128xi32, #tpu.memory_space<vmem>>
    %dma_start3A_689 = arith.constant 0 : i32
    %dma_start3A_690 = arith.constant 0 : i32
    %dma_start3A_691 = tpu.memref_slice %arg2[%dma_start3A_689, %dma_start3A_690] : memref<100000x64xf32, #tpu.memory_space<hbm>> -> memref<100000x64xf32, #tpu.memory_space<hbm>>
    tpu.enqueue_indirect_dma source(%dma_start3A_691 : memref<100000x64xf32, #tpu.memory_space<hbm>>) target(%dma_start3A_685 : memref<128x64xf32, #tpu.memory_space<vmem>>) offsets(%dma_start3A_688 : memref<128xi32, #tpu.memory_space<vmem>>) semaphore(%arg9 : memref<!tpu.dma_semaphore, #tpu.memory_space<semaphore_mem>>)
    %scan3A = arith.constant 0 : i32
    %scan3A_692 = arith.constant 1 : i32
    %scan3A_693 = arith.constant 18 : i32
    %scan3A_694 = arith.addi %scan3A_692, %scan3A_693 : i32
    %scan3A_695 = arith.constant 1 : i32
    scf.for %scan3A_1386 = %scan3A_692 to %scan3A_694 step %scan3A_695  : i32 {
      %mul3A_1387 = arith.constant 5 : i32
      %mul3A_1388 = arith.muli %mul3A_1387, %scan3A_1386 : i32
      %add3A_1389 = arith.constant 0 : i32
      %add3A_1390 = arith.addi %mul3A_1388, %add3A_1389 : i32
      %dma_wait3A_1391 = arith.constant 0 : i32
      %dma_wait3A_1392 = arith.constant 0 : i32
      %dma_wait3A_1393 = arith.constant 0 : i32
      %dma_wait3A_1394 = arith.constant 0 : i32
      %dma_wait3A_1395 = tpu.memref_slice %arg6[%dma_wait3A_1392, %dma_wait3A_1393, %dma_wait3A_1394] : memref<5x128x64xf32, #tpu.memory_space<vmem>> -> memref<1x128x64xf32, #tpu.memory_space<vmem>>
      %dma_wait3A_1396 = tpu.memref_squeeze %dma_wait3A_1395 : memref<1x128x64xf32, #tpu.memory_space<vmem>> -> memref<128x64xf32, #tpu.memory_space<vmem>>
      %dma_wait3A_1397 = arith.constant 0 : i32
      %dma_wait3A_1398 = tpu.memref_slice %arg5[%dma_wait3A_1391, %dma_wait3A_1397] : memref<100x128xi32, #tpu.memory_space<vmem>> -> memref<1x128xi32, #tpu.memory_space<vmem>>
      %dma_wait3A_1399 = tpu.memref_squeeze %dma_wait3A_1398 : memref<1x128xi32, #tpu.memory_space<vmem>> -> memref<128xi32, #tpu.memory_space<vmem>>
      %dma_wait3A_1400 = arith.constant 0 : i32
      %dma_wait3A_1401 = arith.constant 0 : i32
      %dma_wait3A_1402 = tpu.memref_slice %arg2[%dma_wait3A_1400, %dma_wait3A_1401] : memref<100000x64xf32, #tpu.memory_space<hbm>> -> memref<100000x64xf32, #tpu.memory_space<hbm>>
      tpu.wait_indirect_dma semaphore(%arg7 : memref<!tpu.dma_semaphore, #tpu.memory_space<semaphore_mem>>) src(%dma_wait3A_1402 : memref<100000x64xf32, #tpu.memory_space<hbm>>) dst(%dma_wait3A_1396 : memref<128x64xf32, #tpu.memory_space<vmem>>)
      %add3A_1403 = arith.addi %mul3A_2, %add3A_1390 : i32
      %jit3A_1404 = arith.constant 64 : i32
      %div3A_1405 = arith.divsi %add3A_1403, %jit3A_1404 : i32
      %sign3A_1406 = arith.constant 0 : i32
      %sign3A_1407 = arith.cmpi sgt, %add3A_1403, %sign3A_1406 : i32
      %sign3A_1408 = arith.extui %sign3A_1407 : i1 to i32
      %sign3A_1409 = arith.constant 0 : i32
      %sign3A_1410 = arith.cmpi slt, %add3A_1403, %sign3A_1409 : i32
      %sign3A_1411 = arith.extui %sign3A_1410 : i1 to i32
      %sign3A_1412 = arith.subi %sign3A_1408, %sign3A_1411 : i32
      %sign3A_1413 = arith.constant 0 : i32
      %sign3A_1414 = arith.cmpi sgt, %jit3A_1404, %sign3A_1413 : i32
      %sign3A_1415 = arith.extui %sign3A_1414 : i1 to i32
      %sign3A_1416 = arith.constant 0 : i32
      %sign3A_1417 = arith.cmpi slt, %jit3A_1404, %sign3A_1416 : i32
      %sign3A_1418 = arith.extui %sign3A_1417 : i1 to i32
      %sign3A_1419 = arith.subi %sign3A_1415, %sign3A_1418 : i32
      %ne3A_1420 = arith.cmpi ne, %sign3A_1412, %sign3A_1419 : i32
      %rem3A_1421 = arith.remsi %add3A_1403, %jit3A_1404 : i32
      %ne3A_1422 = arith.constant 0 : i32
      %ne3A_1423 = arith.cmpi ne, %rem3A_1421, %ne3A_1422 : i32
      %and3A_1424 = arith.andi %ne3A_1420, %ne3A_1423 : i1
      %sub3A_1425 = arith.constant 1 : i32
      %sub3A_1426 = arith.subi %div3A_1405, %sub3A_1425 : i32
      %select_n3A_1427 = arith.select %and3A_1424, %sub3A_1426, %div3A_1405 : i32
      %jit3A_1428 = arith.constant 64 : i32
      %eq3A_1429 = arith.constant 0 : i32
      %eq3A_1430 = arith.cmpi eq, %jit3A_1428, %eq3A_1429 : i32
      %jit3A_1431 = arith.constant 1 : i32
      %select_n3A_1432 = arith.select %eq3A_1430, %jit3A_1431, %jit3A_1428 : i32
      %rem3A_1433 = arith.remsi %add3A_1403, %select_n3A_1432 : i32
      %ne3A_1434 = arith.constant 0 : i32
      %ne3A_1435 = arith.cmpi ne, %rem3A_1433, %ne3A_1434 : i32
      %lt3A_1436 = arith.constant 0 : i32
      %lt3A_1437 = arith.cmpi slt, %rem3A_1433, %lt3A_1436 : i32
      %lt3A_1438 = arith.constant 0 : i32
      %lt3A_1439 = arith.cmpi slt, %select_n3A_1432, %lt3A_1438 : i32
      %ne3A_1440 = arith.xori %lt3A_1437, %lt3A_1439 : i1
      %and3A_1441 = arith.andi %ne3A_1440, %ne3A_1435 : i1
      %add3A_1442 = arith.addi %rem3A_1433, %select_n3A_1432 : i32
      %select_n3A_1443 = arith.select %and3A_1441, %add3A_1442, %rem3A_1433 : i32
      %mul3A_1444 = arith.constant 4096 : i32
      %mul3A_1445 = arith.muli %select_n3A_1427, %mul3A_1444 : i32
      %jit3A_1446 = arith.constant 2 : i32
      %div3A_1447 = arith.divsi %select_n3A_1443, %jit3A_1446 : i32
      %sign3A_1448 = arith.constant 0 : i32
      %sign3A_1449 = arith.cmpi sgt, %select_n3A_1443, %sign3A_1448 : i32
      %sign3A_1450 = arith.extui %sign3A_1449 : i1 to i32
      %sign3A_1451 = arith.constant 0 : i32
      %sign3A_1452 = arith.cmpi slt, %select_n3A_1443, %sign3A_1451 : i32
      %sign3A_1453 = arith.extui %sign3A_1452 : i1 to i32
      %sign3A_1454 = arith.subi %sign3A_1450, %sign3A_1453 : i32
      %sign3A_1455 = arith.constant 0 : i32
      %sign3A_1456 = arith.cmpi sgt, %jit3A_1446, %sign3A_1455 : i32
      %sign3A_1457 = arith.extui %sign3A_1456 : i1 to i32
      %sign3A_1458 = arith.constant 0 : i32
      %sign3A_1459 = arith.cmpi slt, %jit3A_1446, %sign3A_1458 : i32
      %sign3A_1460 = arith.extui %sign3A_1459 : i1 to i32
      %sign3A_1461 = arith.subi %sign3A_1457, %sign3A_1460 : i32
      %ne3A_1462 = arith.cmpi ne, %sign3A_1454, %sign3A_1461 : i32
      %rem3A_1463 = arith.remsi %select_n3A_1443, %jit3A_1446 : i32
      %ne3A_1464 = arith.constant 0 : i32
      %ne3A_1465 = arith.cmpi ne, %rem3A_1463, %ne3A_1464 : i32
      %and3A_1466 = arith.andi %ne3A_1462, %ne3A_1465 : i1
      %sub3A_1467 = arith.constant 1 : i32
      %sub3A_1468 = arith.subi %div3A_1447, %sub3A_1467 : i32
      %select_n3A_1469 = arith.select %and3A_1466, %sub3A_1468, %div3A_1447 : i32
      %mul3A_1470 = arith.constant 128 : i32
      %mul3A_1471 = arith.muli %select_n3A_1469, %mul3A_1470 : i32
      %add3A_1472 = arith.addi %mul3A_1445, %mul3A_1471 : i32
      %jit3A_1473 = arith.constant 2 : i32
      %eq3A_1474 = arith.constant 0 : i32
      %eq3A_1475 = arith.cmpi eq, %jit3A_1473, %eq3A_1474 : i32
      %jit3A_1476 = arith.constant 1 : i32
      %select_n3A_1477 = arith.select %eq3A_1475, %jit3A_1476, %jit3A_1473 : i32
      %rem3A_1478 = arith.remsi %select_n3A_1443, %select_n3A_1477 : i32
      %ne3A_1479 = arith.constant 0 : i32
      %ne3A_1480 = arith.cmpi ne, %rem3A_1478, %ne3A_1479 : i32
      %lt3A_1481 = arith.constant 0 : i32
      %lt3A_1482 = arith.cmpi slt, %rem3A_1478, %lt3A_1481 : i32
      %lt3A_1483 = arith.constant 0 : i32
      %lt3A_1484 = arith.cmpi slt, %select_n3A_1477, %lt3A_1483 : i32
      %ne3A_1485 = arith.xori %lt3A_1482, %lt3A_1484 : i1
      %and3A_1486 = arith.andi %ne3A_1485, %ne3A_1480 : i1
      %add3A_1487 = arith.addi %rem3A_1478, %select_n3A_1477 : i32
      %select_n3A_1488 = arith.select %and3A_1486, %add3A_1487, %rem3A_1478 : i32
      %mul3A_1489 = arith.constant 64 : i32
      %mul3A_1490 = arith.muli %select_n3A_1488, %mul3A_1489 : i32
      %dma_start3A_1491 = arith.constant 0 : i32
      %dma_start3A_1492 = arith.constant 0 : i32
      %dma_start3A_1493 = arith.constant 0 : i32
      %dma_start3A_1494 = tpu.memref_slice %arg6[%dma_start3A_1491, %dma_start3A_1492, %dma_start3A_1493] : memref<5x128x64xf32, #tpu.memory_space<vmem>> -> memref<1x128x64xf32, #tpu.memory_space<vmem>>
      %dma_start3A_1495 = tpu.memref_squeeze %dma_start3A_1494 : memref<1x128x64xf32, #tpu.memory_space<vmem>> -> memref<128x64xf32, #tpu.memory_space<vmem>>
      %dma_start3A_1496 = tpu.memref_slice %arg4[%add3A_1472, %mul3A_1490] : memref<204800x128xf32, #tpu.memory_space<hbm>> -> memref<128x64xf32, #tpu.memory_space<hbm>>
      %dma_start3A_1497 = tpu.memref_slice %arg4[%add3A_1472, %mul3A_1490] : memref<204800x128xf32, #tpu.memory_space<hbm>> -> memref<128x64xf32, #tpu.memory_space<hbm>>
      %dma_start3A_1498 = arith.constant 0 : i32
      %dma_start3A_1499 = arith.constant 0 : i32
      %dma_start3A_1500 = tpu.memref_slice %arg6[%dma_start3A_1491, %dma_start3A_1498, %dma_start3A_1499] : memref<5x128x64xf32, #tpu.memory_space<vmem>> -> memref<1x128x64xf32, #tpu.memory_space<vmem>>
      %dma_start3A_1501 = tpu.memref_squeeze %dma_start3A_1500 : memref<1x128x64xf32, #tpu.memory_space<vmem>> -> memref<128x64xf32, #tpu.memory_space<vmem>>
      tpu.enqueue_dma source(%dma_start3A_1501 : memref<128x64xf32, #tpu.memory_space<vmem>>) target(%dma_start3A_1497 : memref<128x64xf32, #tpu.memory_space<hbm>>) target_semaphore(%arg12 : memref<!tpu.dma_semaphore, #tpu.memory_space<semaphore_mem>>)
      %dma_wait3A_1502 = arith.constant 3 : i32
      %dma_wait3A_1503 = arith.constant 0 : i32
      %dma_wait3A_1504 = arith.constant 0 : i32
      %dma_wait3A_1505 = tpu.memref_slice %arg6[%dma_wait3A_1502, %dma_wait3A_1503, %dma_wait3A_1504] : memref<5x128x64xf32, #tpu.memory_space<vmem>> -> memref<1x128x64xf32, #tpu.memory_space<vmem>>
      %dma_wait3A_1506 = tpu.memref_squeeze %dma_wait3A_1505 : memref<1x128x64xf32, #tpu.memory_space<vmem>> -> memref<128x64xf32, #tpu.memory_space<vmem>>
      %dma_wait3A_1507 = arith.constant 0 : i32
      %dma_wait3A_1508 = arith.constant 0 : i32
      %dma_wait3A_1509 = tpu.memref_slice %arg4[%dma_wait3A_1507, %dma_wait3A_1508] : memref<204800x128xf32, #tpu.memory_space<hbm>> -> memref<128x64xf32, #tpu.memory_space<hbm>>
      %dma_wait3A_1510 = arith.constant 0 : i32
      %dma_wait3A_1511 = arith.constant 0 : i32
      %dma_wait3A_1512 = tpu.memref_slice %arg4[%dma_wait3A_1510, %dma_wait3A_1511] : memref<204800x128xf32, #tpu.memory_space<hbm>> -> memref<128x64xf32, #tpu.memory_space<hbm>>
      %dma_wait3A_1513 = arith.constant 0 : i32
      %dma_wait3A_1514 = arith.constant 0 : i32
      %dma_wait3A_1515 = tpu.memref_slice %arg6[%dma_wait3A_1502, %dma_wait3A_1513, %dma_wait3A_1514] : memref<5x128x64xf32, #tpu.memory_space<vmem>> -> memref<1x128x64xf32, #tpu.memory_space<vmem>>
      %dma_wait3A_1516 = tpu.memref_squeeze %dma_wait3A_1515 : memref<1x128x64xf32, #tpu.memory_space<vmem>> -> memref<128x64xf32, #tpu.memory_space<vmem>>
      tpu.wait_dma2 semaphore(%arg15 : memref<!tpu.dma_semaphore, #tpu.memory_space<semaphore_mem>>) src(%dma_wait3A_1516 : memref<128x64xf32, #tpu.memory_space<vmem>>) dst(%dma_wait3A_1512 : memref<128x64xf32, #tpu.memory_space<hbm>>)
      %add3A_1517 = arith.constant 3 : i32
      %add3A_1518 = arith.addi %add3A_1390, %add3A_1517 : i32
      %dma_start3A_1519 = arith.constant 3 : i32
      %dma_start3A_1520 = arith.constant 0 : i32
      %dma_start3A_1521 = arith.constant 0 : i32
      %dma_start3A_1522 = tpu.memref_slice %arg6[%dma_start3A_1519, %dma_start3A_1520, %dma_start3A_1521] : memref<5x128x64xf32, #tpu.memory_space<vmem>> -> memref<1x128x64xf32, #tpu.memory_space<vmem>>
      %dma_start3A_1523 = tpu.memref_squeeze %dma_start3A_1522 : memref<1x128x64xf32, #tpu.memory_space<vmem>> -> memref<128x64xf32, #tpu.memory_space<vmem>>
      %dma_start3A_1524 = arith.constant 0 : i32
      %dma_start3A_1525 = tpu.memref_slice %arg5[%add3A_1518, %dma_start3A_1524] : memref<100x128xi32, #tpu.memory_space<vmem>> -> memref<1x128xi32, #tpu.memory_space<vmem>>
      %dma_start3A_1526 = tpu.memref_squeeze %dma_start3A_1525 : memref<1x128xi32, #tpu.memory_space<vmem>> -> memref<128xi32, #tpu.memory_space<vmem>>
      %dma_start3A_1527 = arith.constant 0 : i32
      %dma_start3A_1528 = arith.constant 0 : i32
      %dma_start3A_1529 = tpu.memref_slice %arg2[%dma_start3A_1527, %dma_start3A_1528] : memref<100000x64xf32, #tpu.memory_space<hbm>> -> memref<100000x64xf32, #tpu.memory_space<hbm>>
      tpu.enqueue_indirect_dma source(%dma_start3A_1529 : memref<100000x64xf32, #tpu.memory_space<hbm>>) target(%dma_start3A_1523 : memref<128x64xf32, #tpu.memory_space<vmem>>) offsets(%dma_start3A_1526 : memref<128xi32, #tpu.memory_space<vmem>>) semaphore(%arg10 : memref<!tpu.dma_semaphore, #tpu.memory_space<semaphore_mem>>)
      %mul3A_1530 = arith.constant 5 : i32
      %mul3A_1531 = arith.muli %mul3A_1530, %scan3A_1386 : i32
      %add3A_1532 = arith.constant 1 : i32
      %add3A_1533 = arith.addi %mul3A_1531, %add3A_1532 : i32
      %dma_wait3A_1534 = arith.constant 0 : i32
      %dma_wait3A_1535 = arith.constant 1 : i32
      %dma_wait3A_1536 = arith.constant 0 : i32
      %dma_wait3A_1537 = arith.constant 0 : i32
      %dma_wait3A_1538 = tpu.memref_slice %arg6[%dma_wait3A_1535, %dma_wait3A_1536, %dma_wait3A_1537] : memref<5x128x64xf32, #tpu.memory_space<vmem>> -> memref<1x128x64xf32, #tpu.memory_space<vmem>>
      %dma_wait3A_1539 = tpu.memref_squeeze %dma_wait3A_1538 : memref<1x128x64xf32, #tpu.memory_space<vmem>> -> memref<128x64xf32, #tpu.memory_space<vmem>>
      %dma_wait3A_1540 = arith.constant 0 : i32
      %dma_wait3A_1541 = tpu.memref_slice %arg5[%dma_wait3A_1534, %dma_wait3A_1540] : memref<100x128xi32, #tpu.memory_space<vmem>> -> memref<1x128xi32, #tpu.memory_space<vmem>>
      %dma_wait3A_1542 = tpu.memref_squeeze %dma_wait3A_1541 : memref<1x128xi32, #tpu.memory_space<vmem>> -> memref<128xi32, #tpu.memory_space<vmem>>
      %dma_wait3A_1543 = arith.constant 0 : i32
      %dma_wait3A_1544 = arith.constant 0 : i32
      %dma_wait3A_1545 = tpu.memref_slice %arg2[%dma_wait3A_1543, %dma_wait3A_1544] : memref<100000x64xf32, #tpu.memory_space<hbm>> -> memref<100000x64xf32, #tpu.memory_space<hbm>>
      tpu.wait_indirect_dma semaphore(%arg8 : memref<!tpu.dma_semaphore, #tpu.memory_space<semaphore_mem>>) src(%dma_wait3A_1545 : memref<100000x64xf32, #tpu.memory_space<hbm>>) dst(%dma_wait3A_1539 : memref<128x64xf32, #tpu.memory_space<vmem>>)
      %add3A_1546 = arith.addi %mul3A_2, %add3A_1533 : i32
      %jit3A_1547 = arith.constant 64 : i32
      %div3A_1548 = arith.divsi %add3A_1546, %jit3A_1547 : i32
      %sign3A_1549 = arith.constant 0 : i32
      %sign3A_1550 = arith.cmpi sgt, %add3A_1546, %sign3A_1549 : i32
      %sign3A_1551 = arith.extui %sign3A_1550 : i1 to i32
      %sign3A_1552 = arith.constant 0 : i32
      %sign3A_1553 = arith.cmpi slt, %add3A_1546, %sign3A_1552 : i32
      %sign3A_1554 = arith.extui %sign3A_1553 : i1 to i32
      %sign3A_1555 = arith.subi %sign3A_1551, %sign3A_1554 : i32
      %sign3A_1556 = arith.constant 0 : i32
      %sign3A_1557 = arith.cmpi sgt, %jit3A_1547, %sign3A_1556 : i32
      %sign3A_1558 = arith.extui %sign3A_1557 : i1 to i32
      %sign3A_1559 = arith.constant 0 : i32
      %sign3A_1560 = arith.cmpi slt, %jit3A_1547, %sign3A_1559 : i32
      %sign3A_1561 = arith.extui %sign3A_1560 : i1 to i32
      %sign3A_1562 = arith.subi %sign3A_1558, %sign3A_1561 : i32
      %ne3A_1563 = arith.cmpi ne, %sign3A_1555, %sign3A_1562 : i32
      %rem3A_1564 = arith.remsi %add3A_1546, %jit3A_1547 : i32
      %ne3A_1565 = arith.constant 0 : i32
      %ne3A_1566 = arith.cmpi ne, %rem3A_1564, %ne3A_1565 : i32
      %and3A_1567 = arith.andi %ne3A_1563, %ne3A_1566 : i1
      %sub3A_1568 = arith.constant 1 : i32
      %sub3A_1569 = arith.subi %div3A_1548, %sub3A_1568 : i32
      %select_n3A_1570 = arith.select %and3A_1567, %sub3A_1569, %div3A_1548 : i32
      %jit3A_1571 = arith.constant 64 : i32
      %eq3A_1572 = arith.constant 0 : i32
      %eq3A_1573 = arith.cmpi eq, %jit3A_1571, %eq3A_1572 : i32
      %jit3A_1574 = arith.constant 1 : i32
      %select_n3A_1575 = arith.select %eq3A_1573, %jit3A_1574, %jit3A_1571 : i32
      %rem3A_1576 = arith.remsi %add3A_1546, %select_n3A_1575 : i32
      %ne3A_1577 = arith.constant 0 : i32
      %ne3A_1578 = arith.cmpi ne, %rem3A_1576, %ne3A_1577 : i32
      %lt3A_1579 = arith.constant 0 : i32
      %lt3A_1580 = arith.cmpi slt, %rem3A_1576, %lt3A_1579 : i32
      %lt3A_1581 = arith.constant 0 : i32
      %lt3A_1582 = arith.cmpi slt, %select_n3A_1575, %lt3A_1581 : i32
      %ne3A_1583 = arith.xori %lt3A_1580, %lt3A_1582 : i1
      %and3A_1584 = arith.andi %ne3A_1583, %ne3A_1578 : i1
      %add3A_1585 = arith.addi %rem3A_1576, %select_n3A_1575 : i32
      %select_n3A_1586 = arith.select %and3A_1584, %add3A_1585, %rem3A_1576 : i32
      %mul3A_1587 = arith.constant 4096 : i32
      %mul3A_1588 = arith.muli %select_n3A_1570, %mul3A_1587 : i32
      %jit3A_1589 = arith.constant 2 : i32
      %div3A_1590 = arith.divsi %select_n3A_1586, %jit3A_1589 : i32
      %sign3A_1591 = arith.constant 0 : i32
      %sign3A_1592 = arith.cmpi sgt, %select_n3A_1586, %sign3A_1591 : i32
      %sign3A_1593 = arith.extui %sign3A_1592 : i1 to i32
      %sign3A_1594 = arith.constant 0 : i32
      %sign3A_1595 = arith.cmpi slt, %select_n3A_1586, %sign3A_1594 : i32
      %sign3A_1596 = arith.extui %sign3A_1595 : i1 to i32
      %sign3A_1597 = arith.subi %sign3A_1593, %sign3A_1596 : i32
      %sign3A_1598 = arith.constant 0 : i32
      %sign3A_1599 = arith.cmpi sgt, %jit3A_1589, %sign3A_1598 : i32
      %sign3A_1600 = arith.extui %sign3A_1599 : i1 to i32
      %sign3A_1601 = arith.constant 0 : i32
      %sign3A_1602 = arith.cmpi slt, %jit3A_1589, %sign3A_1601 : i32
      %sign3A_1603 = arith.extui %sign3A_1602 : i1 to i32
      %sign3A_1604 = arith.subi %sign3A_1600, %sign3A_1603 : i32
      %ne3A_1605 = arith.cmpi ne, %sign3A_1597, %sign3A_1604 : i32
      %rem3A_1606 = arith.remsi %select_n3A_1586, %jit3A_1589 : i32
      %ne3A_1607 = arith.constant 0 : i32
      %ne3A_1608 = arith.cmpi ne, %rem3A_1606, %ne3A_1607 : i32
      %and3A_1609 = arith.andi %ne3A_1605, %ne3A_1608 : i1
      %sub3A_1610 = arith.constant 1 : i32
      %sub3A_1611 = arith.subi %div3A_1590, %sub3A_1610 : i32
      %select_n3A_1612 = arith.select %and3A_1609, %sub3A_1611, %div3A_1590 : i32
      %mul3A_1613 = arith.constant 128 : i32
      %mul3A_1614 = arith.muli %select_n3A_1612, %mul3A_1613 : i32
      %add3A_1615 = arith.addi %mul3A_1588, %mul3A_1614 : i32
      %jit3A_1616 = arith.constant 2 : i32
      %eq3A_1617 = arith.constant 0 : i32
      %eq3A_1618 = arith.cmpi eq, %jit3A_1616, %eq3A_1617 : i32
      %jit3A_1619 = arith.constant 1 : i32
      %select_n3A_1620 = arith.select %eq3A_1618, %jit3A_1619, %jit3A_1616 : i32
      %rem3A_1621 = arith.remsi %select_n3A_1586, %select_n3A_1620 : i32
      %ne3A_1622 = arith.constant 0 : i32
      %ne3A_1623 = arith.cmpi ne, %rem3A_1621, %ne3A_1622 : i32
      %lt3A_1624 = arith.constant 0 : i32
      %lt3A_1625 = arith.cmpi slt, %rem3A_1621, %lt3A_1624 : i32
      %lt3A_1626 = arith.constant 0 : i32
      %lt3A_1627 = arith.cmpi slt, %select_n3A_1620, %lt3A_1626 : i32
      %ne3A_1628 = arith.xori %lt3A_1625, %lt3A_1627 : i1
      %and3A_1629 = arith.andi %ne3A_1628, %ne3A_1623 : i1
      %add3A_1630 = arith.addi %rem3A_1621, %select_n3A_1620 : i32
      %select_n3A_1631 = arith.select %and3A_1629, %add3A_1630, %rem3A_1621 : i32
      %mul3A_1632 = arith.constant 64 : i32
      %mul3A_1633 = arith.muli %select_n3A_1631, %mul3A_1632 : i32
      %dma_start3A_1634 = arith.constant 1 : i32
      %dma_start3A_1635 = arith.constant 0 : i32
      %dma_start3A_1636 = arith.constant 0 : i32
      %dma_start3A_1637 = tpu.memref_slice %arg6[%dma_start3A_1634, %dma_start3A_1635, %dma_start3A_1636] : memref<5x128x64xf32, #tpu.memory_space<vmem>> -> memref<1x128x64xf32, #tpu.memory_space<vmem>>
      %dma_start3A_1638 = tpu.memref_squeeze %dma_start3A_1637 : memref<1x128x64xf32, #tpu.memory_space<vmem>> -> memref<128x64xf32, #tpu.memory_space<vmem>>
      %dma_start3A_1639 = tpu.memref_slice %arg4[%add3A_1615, %mul3A_1633] : memref<204800x128xf32, #tpu.memory_space<hbm>> -> memref<128x64xf32, #tpu.memory_space<hbm>>
      %dma_start3A_1640 = tpu.memref_slice %arg4[%add3A_1615, %mul3A_1633] : memref<204800x128xf32, #tpu.memory_space<hbm>> -> memref<128x64xf32, #tpu.memory_space<hbm>>
      %dma_start3A_1641 = arith.constant 0 : i32
      %dma_start3A_1642 = arith.constant 0 : i32
      %dma_start3A_1643 = tpu.memref_slice %arg6[%dma_start3A_1634, %dma_start3A_1641, %dma_start3A_1642] : memref<5x128x64xf32, #tpu.memory_space<vmem>> -> memref<1x128x64xf32, #tpu.memory_space<vmem>>
      %dma_start3A_1644 = tpu.memref_squeeze %dma_start3A_1643 : memref<1x128x64xf32, #tpu.memory_space<vmem>> -> memref<128x64xf32, #tpu.memory_space<vmem>>
      tpu.enqueue_dma source(%dma_start3A_1644 : memref<128x64xf32, #tpu.memory_space<vmem>>) target(%dma_start3A_1640 : memref<128x64xf32, #tpu.memory_space<hbm>>) target_semaphore(%arg13 : memref<!tpu.dma_semaphore, #tpu.memory_space<semaphore_mem>>)
      %dma_wait3A_1645 = arith.constant 4 : i32
      %dma_wait3A_1646 = arith.constant 0 : i32
      %dma_wait3A_1647 = arith.constant 0 : i32
      %dma_wait3A_1648 = tpu.memref_slice %arg6[%dma_wait3A_1645, %dma_wait3A_1646, %dma_wait3A_1647] : memref<5x128x64xf32, #tpu.memory_space<vmem>> -> memref<1x128x64xf32, #tpu.memory_space<vmem>>
      %dma_wait3A_1649 = tpu.memref_squeeze %dma_wait3A_1648 : memref<1x128x64xf32, #tpu.memory_space<vmem>> -> memref<128x64xf32, #tpu.memory_space<vmem>>
      %dma_wait3A_1650 = arith.constant 0 : i32
      %dma_wait3A_1651 = arith.constant 0 : i32
      %dma_wait3A_1652 = tpu.memref_slice %arg4[%dma_wait3A_1650, %dma_wait3A_1651] : memref<204800x128xf32, #tpu.memory_space<hbm>> -> memref<128x64xf32, #tpu.memory_space<hbm>>
      %dma_wait3A_1653 = arith.constant 0 : i32
      %dma_wait3A_1654 = arith.constant 0 : i32
      %dma_wait3A_1655 = tpu.memref_slice %arg4[%dma_wait3A_1653, %dma_wait3A_1654] : memref<204800x128xf32, #tpu.memory_space<hbm>> -> memref<128x64xf32, #tpu.memory_space<hbm>>
      %dma_wait3A_1656 = arith.constant 0 : i32
      %dma_wait3A_1657 = arith.constant 0 : i32
      %dma_wait3A_1658 = tpu.memref_slice %arg6[%dma_wait3A_1645, %dma_wait3A_1656, %dma_wait3A_1657] : memref<5x128x64xf32, #tpu.memory_space<vmem>> -> memref<1x128x64xf32, #tpu.memory_space<vmem>>
      %dma_wait3A_1659 = tpu.memref_squeeze %dma_wait3A_1658 : memref<1x128x64xf32, #tpu.memory_space<vmem>> -> memref<128x64xf32, #tpu.memory_space<vmem>>
      tpu.wait_dma2 semaphore(%arg16 : memref<!tpu.dma_semaphore, #tpu.memory_space<semaphore_mem>>) src(%dma_wait3A_1659 : memref<128x64xf32, #tpu.memory_space<vmem>>) dst(%dma_wait3A_1655 : memref<128x64xf32, #tpu.memory_space<hbm>>)
      %add3A_1660 = arith.constant 3 : i32
      %add3A_1661 = arith.addi %add3A_1533, %add3A_1660 : i32
      %dma_start3A_1662 = arith.constant 4 : i32
      %dma_start3A_1663 = arith.constant 0 : i32
      %dma_start3A_1664 = arith.constant 0 : i32
      %dma_start3A_1665 = tpu.memref_slice %arg6[%dma_start3A_1662, %dma_start3A_1663, %dma_start3A_1664] : memref<5x128x64xf32, #tpu.memory_space<vmem>> -> memref<1x128x64xf32, #tpu.memory_space<vmem>>
      %dma_start3A_1666 = tpu.memref_squeeze %dma_start3A_1665 : memref<1x128x64xf32, #tpu.memory_space<vmem>> -> memref<128x64xf32, #tpu.memory_space<vmem>>
      %dma_start3A_1667 = arith.constant 0 : i32
      %dma_start3A_1668 = tpu.memref_slice %arg5[%add3A_1661, %dma_start3A_1667] : memref<100x128xi32, #tpu.memory_space<vmem>> -> memref<1x128xi32, #tpu.memory_space<vmem>>
      %dma_start3A_1669 = tpu.memref_squeeze %dma_start3A_1668 : memref<1x128xi32, #tpu.memory_space<vmem>> -> memref<128xi32, #tpu.memory_space<vmem>>
      %dma_start3A_1670 = arith.constant 0 : i32
      %dma_start3A_1671 = arith.constant 0 : i32
      %dma_start3A_1672 = tpu.memref_slice %arg2[%dma_start3A_1670, %dma_start3A_1671] : memref<100000x64xf32, #tpu.memory_space<hbm>> -> memref<100000x64xf32, #tpu.memory_space<hbm>>
      tpu.enqueue_indirect_dma source(%dma_start3A_1672 : memref<100000x64xf32, #tpu.memory_space<hbm>>) target(%dma_start3A_1666 : memref<128x64xf32, #tpu.memory_space<vmem>>) offsets(%dma_start3A_1669 : memref<128xi32, #tpu.memory_space<vmem>>) semaphore(%arg11 : memref<!tpu.dma_semaphore, #tpu.memory_space<semaphore_mem>>)
      %mul3A_1673 = arith.constant 5 : i32
      %mul3A_1674 = arith.muli %mul3A_1673, %scan3A_1386 : i32
      %add3A_1675 = arith.constant 2 : i32
      %add3A_1676 = arith.addi %mul3A_1674, %add3A_1675 : i32
      %dma_wait3A_1677 = arith.constant 0 : i32
      %dma_wait3A_1678 = arith.constant 2 : i32
      %dma_wait3A_1679 = arith.constant 0 : i32
      %dma_wait3A_1680 = arith.constant 0 : i32
      %dma_wait3A_1681 = tpu.memref_slice %arg6[%dma_wait3A_1678, %dma_wait3A_1679, %dma_wait3A_1680] : memref<5x128x64xf32, #tpu.memory_space<vmem>> -> memref<1x128x64xf32, #tpu.memory_space<vmem>>
      %dma_wait3A_1682 = tpu.memref_squeeze %dma_wait3A_1681 : memref<1x128x64xf32, #tpu.memory_space<vmem>> -> memref<128x64xf32, #tpu.memory_space<vmem>>
      %dma_wait3A_1683 = arith.constant 0 : i32
      %dma_wait3A_1684 = tpu.memref_slice %arg5[%dma_wait3A_1677, %dma_wait3A_1683] : memref<100x128xi32, #tpu.memory_space<vmem>> -> memref<1x128xi32, #tpu.memory_space<vmem>>
      %dma_wait3A_1685 = tpu.memref_squeeze %dma_wait3A_1684 : memref<1x128xi32, #tpu.memory_space<vmem>> -> memref<128xi32, #tpu.memory_space<vmem>>
      %dma_wait3A_1686 = arith.constant 0 : i32
      %dma_wait3A_1687 = arith.constant 0 : i32
      %dma_wait3A_1688 = tpu.memref_slice %arg2[%dma_wait3A_1686, %dma_wait3A_1687] : memref<100000x64xf32, #tpu.memory_space<hbm>> -> memref<100000x64xf32, #tpu.memory_space<hbm>>
      tpu.wait_indirect_dma semaphore(%arg9 : memref<!tpu.dma_semaphore, #tpu.memory_space<semaphore_mem>>) src(%dma_wait3A_1688 : memref<100000x64xf32, #tpu.memory_space<hbm>>) dst(%dma_wait3A_1682 : memref<128x64xf32, #tpu.memory_space<vmem>>)
      %add3A_1689 = arith.addi %mul3A_2, %add3A_1676 : i32
      %jit3A_1690 = arith.constant 64 : i32
      %div3A_1691 = arith.divsi %add3A_1689, %jit3A_1690 : i32
      %sign3A_1692 = arith.constant 0 : i32
      %sign3A_1693 = arith.cmpi sgt, %add3A_1689, %sign3A_1692 : i32
      %sign3A_1694 = arith.extui %sign3A_1693 : i1 to i32
      %sign3A_1695 = arith.constant 0 : i32
      %sign3A_1696 = arith.cmpi slt, %add3A_1689, %sign3A_1695 : i32
      %sign3A_1697 = arith.extui %sign3A_1696 : i1 to i32
      %sign3A_1698 = arith.subi %sign3A_1694, %sign3A_1697 : i32
      %sign3A_1699 = arith.constant 0 : i32
      %sign3A_1700 = arith.cmpi sgt, %jit3A_1690, %sign3A_1699 : i32
      %sign3A_1701 = arith.extui %sign3A_1700 : i1 to i32
      %sign3A_1702 = arith.constant 0 : i32
      %sign3A_1703 = arith.cmpi slt, %jit3A_1690, %sign3A_1702 : i32
      %sign3A_1704 = arith.extui %sign3A_1703 : i1 to i32
      %sign3A_1705 = arith.subi %sign3A_1701, %sign3A_1704 : i32
      %ne3A_1706 = arith.cmpi ne, %sign3A_1698, %sign3A_1705 : i32
      %rem3A_1707 = arith.remsi %add3A_1689, %jit3A_1690 : i32
      %ne3A_1708 = arith.constant 0 : i32
      %ne3A_1709 = arith.cmpi ne, %rem3A_1707, %ne3A_1708 : i32
      %and3A_1710 = arith.andi %ne3A_1706, %ne3A_1709 : i1
      %sub3A_1711 = arith.constant 1 : i32
      %sub3A_1712 = arith.subi %div3A_1691, %sub3A_1711 : i32
      %select_n3A_1713 = arith.select %and3A_1710, %sub3A_1712, %div3A_1691 : i32
      %jit3A_1714 = arith.constant 64 : i32
      %eq3A_1715 = arith.constant 0 : i32
      %eq3A_1716 = arith.cmpi eq, %jit3A_1714, %eq3A_1715 : i32
      %jit3A_1717 = arith.constant 1 : i32
      %select_n3A_1718 = arith.select %eq3A_1716, %jit3A_1717, %jit3A_1714 : i32
      %rem3A_1719 = arith.remsi %add3A_1689, %select_n3A_1718 : i32
      %ne3A_1720 = arith.constant 0 : i32
      %ne3A_1721 = arith.cmpi ne, %rem3A_1719, %ne3A_1720 : i32
      %lt3A_1722 = arith.constant 0 : i32
      %lt3A_1723 = arith.cmpi slt, %rem3A_1719, %lt3A_1722 : i32
      %lt3A_1724 = arith.constant 0 : i32
      %lt3A_1725 = arith.cmpi slt, %select_n3A_1718, %lt3A_1724 : i32
      %ne3A_1726 = arith.xori %lt3A_1723, %lt3A_1725 : i1
      %and3A_1727 = arith.andi %ne3A_1726, %ne3A_1721 : i1
      %add3A_1728 = arith.addi %rem3A_1719, %select_n3A_1718 : i32
      %select_n3A_1729 = arith.select %and3A_1727, %add3A_1728, %rem3A_1719 : i32
      %mul3A_1730 = arith.constant 4096 : i32
      %mul3A_1731 = arith.muli %select_n3A_1713, %mul3A_1730 : i32
      %jit3A_1732 = arith.constant 2 : i32
      %div3A_1733 = arith.divsi %select_n3A_1729, %jit3A_1732 : i32
      %sign3A_1734 = arith.constant 0 : i32
      %sign3A_1735 = arith.cmpi sgt, %select_n3A_1729, %sign3A_1734 : i32
      %sign3A_1736 = arith.extui %sign3A_1735 : i1 to i32
      %sign3A_1737 = arith.constant 0 : i32
      %sign3A_1738 = arith.cmpi slt, %select_n3A_1729, %sign3A_1737 : i32
      %sign3A_1739 = arith.extui %sign3A_1738 : i1 to i32
      %sign3A_1740 = arith.subi %sign3A_1736, %sign3A_1739 : i32
      %sign3A_1741 = arith.constant 0 : i32
      %sign3A_1742 = arith.cmpi sgt, %jit3A_1732, %sign3A_1741 : i32
      %sign3A_1743 = arith.extui %sign3A_1742 : i1 to i32
      %sign3A_1744 = arith.constant 0 : i32
      %sign3A_1745 = arith.cmpi slt, %jit3A_1732, %sign3A_1744 : i32
      %sign3A_1746 = arith.extui %sign3A_1745 : i1 to i32
      %sign3A_1747 = arith.subi %sign3A_1743, %sign3A_1746 : i32
      %ne3A_1748 = arith.cmpi ne, %sign3A_1740, %sign3A_1747 : i32
      %rem3A_1749 = arith.remsi %select_n3A_1729, %jit3A_1732 : i32
      %ne3A_1750 = arith.constant 0 : i32
      %ne3A_1751 = arith.cmpi ne, %rem3A_1749, %ne3A_1750 : i32
      %and3A_1752 = arith.andi %ne3A_1748, %ne3A_1751 : i1
      %sub3A_1753 = arith.constant 1 : i32
      %sub3A_1754 = arith.subi %div3A_1733, %sub3A_1753 : i32
      %select_n3A_1755 = arith.select %and3A_1752, %sub3A_1754, %div3A_1733 : i32
      %mul3A_1756 = arith.constant 128 : i32
      %mul3A_1757 = arith.muli %select_n3A_1755, %mul3A_1756 : i32
      %add3A_1758 = arith.addi %mul3A_1731, %mul3A_1757 : i32
      %jit3A_1759 = arith.constant 2 : i32
      %eq3A_1760 = arith.constant 0 : i32
      %eq3A_1761 = arith.cmpi eq, %jit3A_1759, %eq3A_1760 : i32
      %jit3A_1762 = arith.constant 1 : i32
      %select_n3A_1763 = arith.select %eq3A_1761, %jit3A_1762, %jit3A_1759 : i32
      %rem3A_1764 = arith.remsi %select_n3A_1729, %select_n3A_1763 : i32
      %ne3A_1765 = arith.constant 0 : i32
      %ne3A_1766 = arith.cmpi ne, %rem3A_1764, %ne3A_1765 : i32
      %lt3A_1767 = arith.constant 0 : i32
      %lt3A_1768 = arith.cmpi slt, %rem3A_1764, %lt3A_1767 : i32
      %lt3A_1769 = arith.constant 0 : i32
      %lt3A_1770 = arith.cmpi slt, %select_n3A_1763, %lt3A_1769 : i32
      %ne3A_1771 = arith.xori %lt3A_1768, %lt3A_1770 : i1
      %and3A_1772 = arith.andi %ne3A_1771, %ne3A_1766 : i1
      %add3A_1773 = arith.addi %rem3A_1764, %select_n3A_1763 : i32
      %select_n3A_1774 = arith.select %and3A_1772, %add3A_1773, %rem3A_1764 : i32
      %mul3A_1775 = arith.constant 64 : i32
      %mul3A_1776 = arith.muli %select_n3A_1774, %mul3A_1775 : i32
      %dma_start3A_1777 = arith.constant 2 : i32
      %dma_start3A_1778 = arith.constant 0 : i32
      %dma_start3A_1779 = arith.constant 0 : i32
      %dma_start3A_1780 = tpu.memref_slice %arg6[%dma_start3A_1777, %dma_start3A_1778, %dma_start3A_1779] : memref<5x128x64xf32, #tpu.memory_space<vmem>> -> memref<1x128x64xf32, #tpu.memory_space<vmem>>
      %dma_start3A_1781 = tpu.memref_squeeze %dma_start3A_1780 : memref<1x128x64xf32, #tpu.memory_space<vmem>> -> memref<128x64xf32, #tpu.memory_space<vmem>>
      %dma_start3A_1782 = tpu.memref_slice %arg4[%add3A_1758, %mul3A_1776] : memref<204800x128xf32, #tpu.memory_space<hbm>> -> memref<128x64xf32, #tpu.memory_space<hbm>>
      %dma_start3A_1783 = tpu.memref_slice %arg4[%add3A_1758, %mul3A_1776] : memref<204800x128xf32, #tpu.memory_space<hbm>> -> memref<128x64xf32, #tpu.memory_space<hbm>>
      %dma_start3A_1784 = arith.constant 0 : i32
      %dma_start3A_1785 = arith.constant 0 : i32
      %dma_start3A_1786 = tpu.memref_slice %arg6[%dma_start3A_1777, %dma_start3A_1784, %dma_start3A_1785] : memref<5x128x64xf32, #tpu.memory_space<vmem>> -> memref<1x128x64xf32, #tpu.memory_space<vmem>>
      %dma_start3A_1787 = tpu.memref_squeeze %dma_start3A_1786 : memref<1x128x64xf32, #tpu.memory_space<vmem>> -> memref<128x64xf32, #tpu.memory_space<vmem>>
      tpu.enqueue_dma source(%dma_start3A_1787 : memref<128x64xf32, #tpu.memory_space<vmem>>) target(%dma_start3A_1783 : memref<128x64xf32, #tpu.memory_space<hbm>>) target_semaphore(%arg14 : memref<!tpu.dma_semaphore, #tpu.memory_space<semaphore_mem>>)
      %dma_wait3A_1788 = arith.constant 0 : i32
      %dma_wait3A_1789 = arith.constant 0 : i32
      %dma_wait3A_1790 = arith.constant 0 : i32
      %dma_wait3A_1791 = tpu.memref_slice %arg6[%dma_wait3A_1788, %dma_wait3A_1789, %dma_wait3A_1790] : memref<5x128x64xf32, #tpu.memory_space<vmem>> -> memref<1x128x64xf32, #tpu.memory_space<vmem>>
      %dma_wait3A_1792 = tpu.memref_squeeze %dma_wait3A_1791 : memref<1x128x64xf32, #tpu.memory_space<vmem>> -> memref<128x64xf32, #tpu.memory_space<vmem>>
      %dma_wait3A_1793 = arith.constant 0 : i32
      %dma_wait3A_1794 = arith.constant 0 : i32
      %dma_wait3A_1795 = tpu.memref_slice %arg4[%dma_wait3A_1793, %dma_wait3A_1794] : memref<204800x128xf32, #tpu.memory_space<hbm>> -> memref<128x64xf32, #tpu.memory_space<hbm>>
      %dma_wait3A_1796 = arith.constant 0 : i32
      %dma_wait3A_1797 = arith.constant 0 : i32
      %dma_wait3A_1798 = tpu.memref_slice %arg4[%dma_wait3A_1796, %dma_wait3A_1797] : memref<204800x128xf32, #tpu.memory_space<hbm>> -> memref<128x64xf32, #tpu.memory_space<hbm>>
      %dma_wait3A_1799 = arith.constant 0 : i32
      %dma_wait3A_1800 = arith.constant 0 : i32
      %dma_wait3A_1801 = tpu.memref_slice %arg6[%dma_wait3A_1788, %dma_wait3A_1799, %dma_wait3A_1800] : memref<5x128x64xf32, #tpu.memory_space<vmem>> -> memref<1x128x64xf32, #tpu.memory_space<vmem>>
      %dma_wait3A_1802 = tpu.memref_squeeze %dma_wait3A_1801 : memref<1x128x64xf32, #tpu.memory_space<vmem>> -> memref<128x64xf32, #tpu.memory_space<vmem>>
      tpu.wait_dma2 semaphore(%arg12 : memref<!tpu.dma_semaphore, #tpu.memory_space<semaphore_mem>>) src(%dma_wait3A_1802 : memref<128x64xf32, #tpu.memory_space<vmem>>) dst(%dma_wait3A_1798 : memref<128x64xf32, #tpu.memory_space<hbm>>)
      %add3A_1803 = arith.constant 3 : i32
      %add3A_1804 = arith.addi %add3A_1676, %add3A_1803 : i32
      %dma_start3A_1805 = arith.constant 0 : i32
      %dma_start3A_1806 = arith.constant 0 : i32
      %dma_start3A_1807 = arith.constant 0 : i32
      %dma_start3A_1808 = tpu.memref_slice %arg6[%dma_start3A_1805, %dma_start3A_1806, %dma_start3A_1807] : memref<5x128x64xf32, #tpu.memory_space<vmem>> -> memref<1x128x64xf32, #tpu.memory_space<vmem>>
      %dma_start3A_1809 = tpu.memref_squeeze %dma_start3A_1808 : memref<1x128x64xf32, #tpu.memory_space<vmem>> -> memref<128x64xf32, #tpu.memory_space<vmem>>
      %dma_start3A_1810 = arith.constant 0 : i32
      %dma_start3A_1811 = tpu.memref_slice %arg5[%add3A_1804, %dma_start3A_1810] : memref<100x128xi32, #tpu.memory_space<vmem>> -> memref<1x128xi32, #tpu.memory_space<vmem>>
      %dma_start3A_1812 = tpu.memref_squeeze %dma_start3A_1811 : memref<1x128xi32, #tpu.memory_space<vmem>> -> memref<128xi32, #tpu.memory_space<vmem>>
      %dma_start3A_1813 = arith.constant 0 : i32
      %dma_start3A_1814 = arith.constant 0 : i32
      %dma_start3A_1815 = tpu.memref_slice %arg2[%dma_start3A_1813, %dma_start3A_1814] : memref<100000x64xf32, #tpu.memory_space<hbm>> -> memref<100000x64xf32, #tpu.memory_space<hbm>>
      tpu.enqueue_indirect_dma source(%dma_start3A_1815 : memref<100000x64xf32, #tpu.memory_space<hbm>>) target(%dma_start3A_1809 : memref<128x64xf32, #tpu.memory_space<vmem>>) offsets(%dma_start3A_1812 : memref<128xi32, #tpu.memory_space<vmem>>) semaphore(%arg7 : memref<!tpu.dma_semaphore, #tpu.memory_space<semaphore_mem>>)
      %mul3A_1816 = arith.constant 5 : i32
      %mul3A_1817 = arith.muli %mul3A_1816, %scan3A_1386 : i32
      %add3A_1818 = arith.constant 3 : i32
      %add3A_1819 = arith.addi %mul3A_1817, %add3A_1818 : i32
      %dma_wait3A_1820 = arith.constant 0 : i32
      %dma_wait3A_1821 = arith.constant 3 : i32
      %dma_wait3A_1822 = arith.constant 0 : i32
      %dma_wait3A_1823 = arith.constant 0 : i32
      %dma_wait3A_1824 = tpu.memref_slice %arg6[%dma_wait3A_1821, %dma_wait3A_1822, %dma_wait3A_1823] : memref<5x128x64xf32, #tpu.memory_space<vmem>> -> memref<1x128x64xf32, #tpu.memory_space<vmem>>
      %dma_wait3A_1825 = tpu.memref_squeeze %dma_wait3A_1824 : memref<1x128x64xf32, #tpu.memory_space<vmem>> -> memref<128x64xf32, #tpu.memory_space<vmem>>
      %dma_wait3A_1826 = arith.constant 0 : i32
      %dma_wait3A_1827 = tpu.memref_slice %arg5[%dma_wait3A_1820, %dma_wait3A_1826] : memref<100x128xi32, #tpu.memory_space<vmem>> -> memref<1x128xi32, #tpu.memory_space<vmem>>
      %dma_wait3A_1828 = tpu.memref_squeeze %dma_wait3A_1827 : memref<1x128xi32, #tpu.memory_space<vmem>> -> memref<128xi32, #tpu.memory_space<vmem>>
      %dma_wait3A_1829 = arith.constant 0 : i32
      %dma_wait3A_1830 = arith.constant 0 : i32
      %dma_wait3A_1831 = tpu.memref_slice %arg2[%dma_wait3A_1829, %dma_wait3A_1830] : memref<100000x64xf32, #tpu.memory_space<hbm>> -> memref<100000x64xf32, #tpu.memory_space<hbm>>
      tpu.wait_indirect_dma semaphore(%arg10 : memref<!tpu.dma_semaphore, #tpu.memory_space<semaphore_mem>>) src(%dma_wait3A_1831 : memref<100000x64xf32, #tpu.memory_space<hbm>>) dst(%dma_wait3A_1825 : memref<128x64xf32, #tpu.memory_space<vmem>>)
      %add3A_1832 = arith.addi %mul3A_2, %add3A_1819 : i32
      %jit3A_1833 = arith.constant 64 : i32
      %div3A_1834 = arith.divsi %add3A_1832, %jit3A_1833 : i32
      %sign3A_1835 = arith.constant 0 : i32
      %sign3A_1836 = arith.cmpi sgt, %add3A_1832, %sign3A_1835 : i32
      %sign3A_1837 = arith.extui %sign3A_1836 : i1 to i32
      %sign3A_1838 = arith.constant 0 : i32
      %sign3A_1839 = arith.cmpi slt, %add3A_1832, %sign3A_1838 : i32
      %sign3A_1840 = arith.extui %sign3A_1839 : i1 to i32
      %sign3A_1841 = arith.subi %sign3A_1837, %sign3A_1840 : i32
      %sign3A_1842 = arith.constant 0 : i32
      %sign3A_1843 = arith.cmpi sgt, %jit3A_1833, %sign3A_1842 : i32
      %sign3A_1844 = arith.extui %sign3A_1843 : i1 to i32
      %sign3A_1845 = arith.constant 0 : i32
      %sign3A_1846 = arith.cmpi slt, %jit3A_1833, %sign3A_1845 : i32
      %sign3A_1847 = arith.extui %sign3A_1846 : i1 to i32
      %sign3A_1848 = arith.subi %sign3A_1844, %sign3A_1847 : i32
      %ne3A_1849 = arith.cmpi ne, %sign3A_1841, %sign3A_1848 : i32
      %rem3A_1850 = arith.remsi %add3A_1832, %jit3A_1833 : i32
      %ne3A_1851 = arith.constant 0 : i32
      %ne3A_1852 = arith.cmpi ne, %rem3A_1850, %ne3A_1851 : i32
      %and3A_1853 = arith.andi %ne3A_1849, %ne3A_1852 : i1
      %sub3A_1854 = arith.constant 1 : i32
      %sub3A_1855 = arith.subi %div3A_1834, %sub3A_1854 : i32
      %select_n3A_1856 = arith.select %and3A_1853, %sub3A_1855, %div3A_1834 : i32
      %jit3A_1857 = arith.constant 64 : i32
      %eq3A_1858 = arith.constant 0 : i32
      %eq3A_1859 = arith.cmpi eq, %jit3A_1857, %eq3A_1858 : i32
      %jit3A_1860 = arith.constant 1 : i32
      %select_n3A_1861 = arith.select %eq3A_1859, %jit3A_1860, %jit3A_1857 : i32
      %rem3A_1862 = arith.remsi %add3A_1832, %select_n3A_1861 : i32
      %ne3A_1863 = arith.constant 0 : i32
      %ne3A_1864 = arith.cmpi ne, %rem3A_1862, %ne3A_1863 : i32
      %lt3A_1865 = arith.constant 0 : i32
      %lt3A_1866 = arith.cmpi slt, %rem3A_1862, %lt3A_1865 : i32
      %lt3A_1867 = arith.constant 0 : i32
      %lt3A_1868 = arith.cmpi slt, %select_n3A_1861, %lt3A_1867 : i32
      %ne3A_1869 = arith.xori %lt3A_1866, %lt3A_1868 : i1
      %and3A_1870 = arith.andi %ne3A_1869, %ne3A_1864 : i1
      %add3A_1871 = arith.addi %rem3A_1862, %select_n3A_1861 : i32
      %select_n3A_1872 = arith.select %and3A_1870, %add3A_1871, %rem3A_1862 : i32
      %mul3A_1873 = arith.constant 4096 : i32
      %mul3A_1874 = arith.muli %select_n3A_1856, %mul3A_1873 : i32
      %jit3A_1875 = arith.constant 2 : i32
      %div3A_1876 = arith.divsi %select_n3A_1872, %jit3A_1875 : i32
      %sign3A_1877 = arith.constant 0 : i32
      %sign3A_1878 = arith.cmpi sgt, %select_n3A_1872, %sign3A_1877 : i32
      %sign3A_1879 = arith.extui %sign3A_1878 : i1 to i32
      %sign3A_1880 = arith.constant 0 : i32
      %sign3A_1881 = arith.cmpi slt, %select_n3A_1872, %sign3A_1880 : i32
      %sign3A_1882 = arith.extui %sign3A_1881 : i1 to i32
      %sign3A_1883 = arith.subi %sign3A_1879, %sign3A_1882 : i32
      %sign3A_1884 = arith.constant 0 : i32
      %sign3A_1885 = arith.cmpi sgt, %jit3A_1875, %sign3A_1884 : i32
      %sign3A_1886 = arith.extui %sign3A_1885 : i1 to i32
      %sign3A_1887 = arith.constant 0 : i32
      %sign3A_1888 = arith.cmpi slt, %jit3A_1875, %sign3A_1887 : i32
      %sign3A_1889 = arith.extui %sign3A_1888 : i1 to i32
      %sign3A_1890 = arith.subi %sign3A_1886, %sign3A_1889 : i32
      %ne3A_1891 = arith.cmpi ne, %sign3A_1883, %sign3A_1890 : i32
      %rem3A_1892 = arith.remsi %select_n3A_1872, %jit3A_1875 : i32
      %ne3A_1893 = arith.constant 0 : i32
      %ne3A_1894 = arith.cmpi ne, %rem3A_1892, %ne3A_1893 : i32
      %and3A_1895 = arith.andi %ne3A_1891, %ne3A_1894 : i1
      %sub3A_1896 = arith.constant 1 : i32
      %sub3A_1897 = arith.subi %div3A_1876, %sub3A_1896 : i32
      %select_n3A_1898 = arith.select %and3A_1895, %sub3A_1897, %div3A_1876 : i32
      %mul3A_1899 = arith.constant 128 : i32
      %mul3A_1900 = arith.muli %select_n3A_1898, %mul3A_1899 : i32
      %add3A_1901 = arith.addi %mul3A_1874, %mul3A_1900 : i32
      %jit3A_1902 = arith.constant 2 : i32
      %eq3A_1903 = arith.constant 0 : i32
      %eq3A_1904 = arith.cmpi eq, %jit3A_1902, %eq3A_1903 : i32
      %jit3A_1905 = arith.constant 1 : i32
      %select_n3A_1906 = arith.select %eq3A_1904, %jit3A_1905, %jit3A_1902 : i32
      %rem3A_1907 = arith.remsi %select_n3A_1872, %select_n3A_1906 : i32
      %ne3A_1908 = arith.constant 0 : i32
      %ne3A_1909 = arith.cmpi ne, %rem3A_1907, %ne3A_1908 : i32
      %lt3A_1910 = arith.constant 0 : i32
      %lt3A_1911 = arith.cmpi slt, %rem3A_1907, %lt3A_1910 : i32
      %lt3A_1912 = arith.constant 0 : i32
      %lt3A_1913 = arith.cmpi slt, %select_n3A_1906, %lt3A_1912 : i32
      %ne3A_1914 = arith.xori %lt3A_1911, %lt3A_1913 : i1
      %and3A_1915 = arith.andi %ne3A_1914, %ne3A_1909 : i1
      %add3A_1916 = arith.addi %rem3A_1907, %select_n3A_1906 : i32
      %select_n3A_1917 = arith.select %and3A_1915, %add3A_1916, %rem3A_1907 : i32
      %mul3A_1918 = arith.constant 64 : i32
      %mul3A_1919 = arith.muli %select_n3A_1917, %mul3A_1918 : i32
      %dma_start3A_1920 = arith.constant 3 : i32
      %dma_start3A_1921 = arith.constant 0 : i32
      %dma_start3A_1922 = arith.constant 0 : i32
      %dma_start3A_1923 = tpu.memref_slice %arg6[%dma_start3A_1920, %dma_start3A_1921, %dma_start3A_1922] : memref<5x128x64xf32, #tpu.memory_space<vmem>> -> memref<1x128x64xf32, #tpu.memory_space<vmem>>
      %dma_start3A_1924 = tpu.memref_squeeze %dma_start3A_1923 : memref<1x128x64xf32, #tpu.memory_space<vmem>> -> memref<128x64xf32, #tpu.memory_space<vmem>>
      %dma_start3A_1925 = tpu.memref_slice %arg4[%add3A_1901, %mul3A_1919] : memref<204800x128xf32, #tpu.memory_space<hbm>> -> memref<128x64xf32, #tpu.memory_space<hbm>>
      %dma_start3A_1926 = tpu.memref_slice %arg4[%add3A_1901, %mul3A_1919] : memref<204800x128xf32, #tpu.memory_space<hbm>> -> memref<128x64xf32, #tpu.memory_space<hbm>>
      %dma_start3A_1927 = arith.constant 0 : i32
      %dma_start3A_1928 = arith.constant 0 : i32
      %dma_start3A_1929 = tpu.memref_slice %arg6[%dma_start3A_1920, %dma_start3A_1927, %dma_start3A_1928] : memref<5x128x64xf32, #tpu.memory_space<vmem>> -> memref<1x128x64xf32, #tpu.memory_space<vmem>>
      %dma_start3A_1930 = tpu.memref_squeeze %dma_start3A_1929 : memref<1x128x64xf32, #tpu.memory_space<vmem>> -> memref<128x64xf32, #tpu.memory_space<vmem>>
      tpu.enqueue_dma source(%dma_start3A_1930 : memref<128x64xf32, #tpu.memory_space<vmem>>) target(%dma_start3A_1926 : memref<128x64xf32, #tpu.memory_space<hbm>>) target_semaphore(%arg15 : memref<!tpu.dma_semaphore, #tpu.memory_space<semaphore_mem>>)
      %dma_wait3A_1931 = arith.constant 1 : i32
      %dma_wait3A_1932 = arith.constant 0 : i32
      %dma_wait3A_1933 = arith.constant 0 : i32
      %dma_wait3A_1934 = tpu.memref_slice %arg6[%dma_wait3A_1931, %dma_wait3A_1932, %dma_wait3A_1933] : memref<5x128x64xf32, #tpu.memory_space<vmem>> -> memref<1x128x64xf32, #tpu.memory_space<vmem>>
      %dma_wait3A_1935 = tpu.memref_squeeze %dma_wait3A_1934 : memref<1x128x64xf32, #tpu.memory_space<vmem>> -> memref<128x64xf32, #tpu.memory_space<vmem>>
      %dma_wait3A_1936 = arith.constant 0 : i32
      %dma_wait3A_1937 = arith.constant 0 : i32
      %dma_wait3A_1938 = tpu.memref_slice %arg4[%dma_wait3A_1936, %dma_wait3A_1937] : memref<204800x128xf32, #tpu.memory_space<hbm>> -> memref<128x64xf32, #tpu.memory_space<hbm>>
      %dma_wait3A_1939 = arith.constant 0 : i32
      %dma_wait3A_1940 = arith.constant 0 : i32
      %dma_wait3A_1941 = tpu.memref_slice %arg4[%dma_wait3A_1939, %dma_wait3A_1940] : memref<204800x128xf32, #tpu.memory_space<hbm>> -> memref<128x64xf32, #tpu.memory_space<hbm>>
      %dma_wait3A_1942 = arith.constant 0 : i32
      %dma_wait3A_1943 = arith.constant 0 : i32
      %dma_wait3A_1944 = tpu.memref_slice %arg6[%dma_wait3A_1931, %dma_wait3A_1942, %dma_wait3A_1943] : memref<5x128x64xf32, #tpu.memory_space<vmem>> -> memref<1x128x64xf32, #tpu.memory_space<vmem>>
      %dma_wait3A_1945 = tpu.memref_squeeze %dma_wait3A_1944 : memref<1x128x64xf32, #tpu.memory_space<vmem>> -> memref<128x64xf32, #tpu.memory_space<vmem>>
      tpu.wait_dma2 semaphore(%arg13 : memref<!tpu.dma_semaphore, #tpu.memory_space<semaphore_mem>>) src(%dma_wait3A_1945 : memref<128x64xf32, #tpu.memory_space<vmem>>) dst(%dma_wait3A_1941 : memref<128x64xf32, #tpu.memory_space<hbm>>)
      %add3A_1946 = arith.constant 3 : i32
      %add3A_1947 = arith.addi %add3A_1819, %add3A_1946 : i32
      %dma_start3A_1948 = arith.constant 1 : i32
      %dma_start3A_1949 = arith.constant 0 : i32
      %dma_start3A_1950 = arith.constant 0 : i32
      %dma_start3A_1951 = tpu.memref_slice %arg6[%dma_start3A_1948, %dma_start3A_1949, %dma_start3A_1950] : memref<5x128x64xf32, #tpu.memory_space<vmem>> -> memref<1x128x64xf32, #tpu.memory_space<vmem>>
      %dma_start3A_1952 = tpu.memref_squeeze %dma_start3A_1951 : memref<1x128x64xf32, #tpu.memory_space<vmem>> -> memref<128x64xf32, #tpu.memory_space<vmem>>
      %dma_start3A_1953 = arith.constant 0 : i32
      %dma_start3A_1954 = tpu.memref_slice %arg5[%add3A_1947, %dma_start3A_1953] : memref<100x128xi32, #tpu.memory_space<vmem>> -> memref<1x128xi32, #tpu.memory_space<vmem>>
      %dma_start3A_1955 = tpu.memref_squeeze %dma_start3A_1954 : memref<1x128xi32, #tpu.memory_space<vmem>> -> memref<128xi32, #tpu.memory_space<vmem>>
      %dma_start3A_1956 = arith.constant 0 : i32
      %dma_start3A_1957 = arith.constant 0 : i32
      %dma_start3A_1958 = tpu.memref_slice %arg2[%dma_start3A_1956, %dma_start3A_1957] : memref<100000x64xf32, #tpu.memory_space<hbm>> -> memref<100000x64xf32, #tpu.memory_space<hbm>>
      tpu.enqueue_indirect_dma source(%dma_start3A_1958 : memref<100000x64xf32, #tpu.memory_space<hbm>>) target(%dma_start3A_1952 : memref<128x64xf32, #tpu.memory_space<vmem>>) offsets(%dma_start3A_1955 : memref<128xi32, #tpu.memory_space<vmem>>) semaphore(%arg8 : memref<!tpu.dma_semaphore, #tpu.memory_space<semaphore_mem>>)
      %mul3A_1959 = arith.constant 5 : i32
      %mul3A_1960 = arith.muli %mul3A_1959, %scan3A_1386 : i32
      %add3A_1961 = arith.constant 4 : i32
      %add3A_1962 = arith.addi %mul3A_1960, %add3A_1961 : i32
      %dma_wait3A_1963 = arith.constant 0 : i32
      %dma_wait3A_1964 = arith.constant 4 : i32
      %dma_wait3A_1965 = arith.constant 0 : i32
      %dma_wait3A_1966 = arith.constant 0 : i32
      %dma_wait3A_1967 = tpu.memref_slice %arg6[%dma_wait3A_1964, %dma_wait3A_1965, %dma_wait3A_1966] : memref<5x128x64xf32, #tpu.memory_space<vmem>> -> memref<1x128x64xf32, #tpu.memory_space<vmem>>
      %dma_wait3A_1968 = tpu.memref_squeeze %dma_wait3A_1967 : memref<1x128x64xf32, #tpu.memory_space<vmem>> -> memref<128x64xf32, #tpu.memory_space<vmem>>
      %dma_wait3A_1969 = arith.constant 0 : i32
      %dma_wait3A_1970 = tpu.memref_slice %arg5[%dma_wait3A_1963, %dma_wait3A_1969] : memref<100x128xi32, #tpu.memory_space<vmem>> -> memref<1x128xi32, #tpu.memory_space<vmem>>
      %dma_wait3A_1971 = tpu.memref_squeeze %dma_wait3A_1970 : memref<1x128xi32, #tpu.memory_space<vmem>> -> memref<128xi32, #tpu.memory_space<vmem>>
      %dma_wait3A_1972 = arith.constant 0 : i32
      %dma_wait3A_1973 = arith.constant 0 : i32
      %dma_wait3A_1974 = tpu.memref_slice %arg2[%dma_wait3A_1972, %dma_wait3A_1973] : memref<100000x64xf32, #tpu.memory_space<hbm>> -> memref<100000x64xf32, #tpu.memory_space<hbm>>
      tpu.wait_indirect_dma semaphore(%arg11 : memref<!tpu.dma_semaphore, #tpu.memory_space<semaphore_mem>>) src(%dma_wait3A_1974 : memref<100000x64xf32, #tpu.memory_space<hbm>>) dst(%dma_wait3A_1968 : memref<128x64xf32, #tpu.memory_space<vmem>>)
      %add3A_1975 = arith.addi %mul3A_2, %add3A_1962 : i32
      %jit3A_1976 = arith.constant 64 : i32
      %div3A_1977 = arith.divsi %add3A_1975, %jit3A_1976 : i32
      %sign3A_1978 = arith.constant 0 : i32
      %sign3A_1979 = arith.cmpi sgt, %add3A_1975, %sign3A_1978 : i32
      %sign3A_1980 = arith.extui %sign3A_1979 : i1 to i32
      %sign3A_1981 = arith.constant 0 : i32
      %sign3A_1982 = arith.cmpi slt, %add3A_1975, %sign3A_1981 : i32
      %sign3A_1983 = arith.extui %sign3A_1982 : i1 to i32
      %sign3A_1984 = arith.subi %sign3A_1980, %sign3A_1983 : i32
      %sign3A_1985 = arith.constant 0 : i32
      %sign3A_1986 = arith.cmpi sgt, %jit3A_1976, %sign3A_1985 : i32
      %sign3A_1987 = arith.extui %sign3A_1986 : i1 to i32
      %sign3A_1988 = arith.constant 0 : i32
      %sign3A_1989 = arith.cmpi slt, %jit3A_1976, %sign3A_1988 : i32
      %sign3A_1990 = arith.extui %sign3A_1989 : i1 to i32
      %sign3A_1991 = arith.subi %sign3A_1987, %sign3A_1990 : i32
      %ne3A_1992 = arith.cmpi ne, %sign3A_1984, %sign3A_1991 : i32
      %rem3A_1993 = arith.remsi %add3A_1975, %jit3A_1976 : i32
      %ne3A_1994 = arith.constant 0 : i32
      %ne3A_1995 = arith.cmpi ne, %rem3A_1993, %ne3A_1994 : i32
      %and3A_1996 = arith.andi %ne3A_1992, %ne3A_1995 : i1
      %sub3A_1997 = arith.constant 1 : i32
      %sub3A_1998 = arith.subi %div3A_1977, %sub3A_1997 : i32
      %select_n3A_1999 = arith.select %and3A_1996, %sub3A_1998, %div3A_1977 : i32
      %jit3A_2000 = arith.constant 64 : i32
      %eq3A_2001 = arith.constant 0 : i32
      %eq3A_2002 = arith.cmpi eq, %jit3A_2000, %eq3A_2001 : i32
      %jit3A_2003 = arith.constant 1 : i32
      %select_n3A_2004 = arith.select %eq3A_2002, %jit3A_2003, %jit3A_2000 : i32
      %rem3A_2005 = arith.remsi %add3A_1975, %select_n3A_2004 : i32
      %ne3A_2006 = arith.constant 0 : i32
      %ne3A_2007 = arith.cmpi ne, %rem3A_2005, %ne3A_2006 : i32
      %lt3A_2008 = arith.constant 0 : i32
      %lt3A_2009 = arith.cmpi slt, %rem3A_2005, %lt3A_2008 : i32
      %lt3A_2010 = arith.constant 0 : i32
      %lt3A_2011 = arith.cmpi slt, %select_n3A_2004, %lt3A_2010 : i32
      %ne3A_2012 = arith.xori %lt3A_2009, %lt3A_2011 : i1
      %and3A_2013 = arith.andi %ne3A_2012, %ne3A_2007 : i1
      %add3A_2014 = arith.addi %rem3A_2005, %select_n3A_2004 : i32
      %select_n3A_2015 = arith.select %and3A_2013, %add3A_2014, %rem3A_2005 : i32
      %mul3A_2016 = arith.constant 4096 : i32
      %mul3A_2017 = arith.muli %select_n3A_1999, %mul3A_2016 : i32
      %jit3A_2018 = arith.constant 2 : i32
      %div3A_2019 = arith.divsi %select_n3A_2015, %jit3A_2018 : i32
      %sign3A_2020 = arith.constant 0 : i32
      %sign3A_2021 = arith.cmpi sgt, %select_n3A_2015, %sign3A_2020 : i32
      %sign3A_2022 = arith.extui %sign3A_2021 : i1 to i32
      %sign3A_2023 = arith.constant 0 : i32
      %sign3A_2024 = arith.cmpi slt, %select_n3A_2015, %sign3A_2023 : i32
      %sign3A_2025 = arith.extui %sign3A_2024 : i1 to i32
      %sign3A_2026 = arith.subi %sign3A_2022, %sign3A_2025 : i32
      %sign3A_2027 = arith.constant 0 : i32
      %sign3A_2028 = arith.cmpi sgt, %jit3A_2018, %sign3A_2027 : i32
      %sign3A_2029 = arith.extui %sign3A_2028 : i1 to i32
      %sign3A_2030 = arith.constant 0 : i32
      %sign3A_2031 = arith.cmpi slt, %jit3A_2018, %sign3A_2030 : i32
      %sign3A_2032 = arith.extui %sign3A_2031 : i1 to i32
      %sign3A_2033 = arith.subi %sign3A_2029, %sign3A_2032 : i32
      %ne3A_2034 = arith.cmpi ne, %sign3A_2026, %sign3A_2033 : i32
      %rem3A_2035 = arith.remsi %select_n3A_2015, %jit3A_2018 : i32
      %ne3A_2036 = arith.constant 0 : i32
      %ne3A_2037 = arith.cmpi ne, %rem3A_2035, %ne3A_2036 : i32
      %and3A_2038 = arith.andi %ne3A_2034, %ne3A_2037 : i1
      %sub3A_2039 = arith.constant 1 : i32
      %sub3A_2040 = arith.subi %div3A_2019, %sub3A_2039 : i32
      %select_n3A_2041 = arith.select %and3A_2038, %sub3A_2040, %div3A_2019 : i32
      %mul3A_2042 = arith.constant 128 : i32
      %mul3A_2043 = arith.muli %select_n3A_2041, %mul3A_2042 : i32
      %add3A_2044 = arith.addi %mul3A_2017, %mul3A_2043 : i32
      %jit3A_2045 = arith.constant 2 : i32
      %eq3A_2046 = arith.constant 0 : i32
      %eq3A_2047 = arith.cmpi eq, %jit3A_2045, %eq3A_2046 : i32
      %jit3A_2048 = arith.constant 1 : i32
      %select_n3A_2049 = arith.select %eq3A_2047, %jit3A_2048, %jit3A_2045 : i32
      %rem3A_2050 = arith.remsi %select_n3A_2015, %select_n3A_2049 : i32
      %ne3A_2051 = arith.constant 0 : i32
      %ne3A_2052 = arith.cmpi ne, %rem3A_2050, %ne3A_2051 : i32
      %lt3A_2053 = arith.constant 0 : i32
      %lt3A_2054 = arith.cmpi slt, %rem3A_2050, %lt3A_2053 : i32
      %lt3A_2055 = arith.constant 0 : i32
      %lt3A_2056 = arith.cmpi slt, %select_n3A_2049, %lt3A_2055 : i32
      %ne3A_2057 = arith.xori %lt3A_2054, %lt3A_2056 : i1
      %and3A_2058 = arith.andi %ne3A_2057, %ne3A_2052 : i1
      %add3A_2059 = arith.addi %rem3A_2050, %select_n3A_2049 : i32
      %select_n3A_2060 = arith.select %and3A_2058, %add3A_2059, %rem3A_2050 : i32
      %mul3A_2061 = arith.constant 64 : i32
      %mul3A_2062 = arith.muli %select_n3A_2060, %mul3A_2061 : i32
      %dma_start3A_2063 = arith.constant 4 : i32
      %dma_start3A_2064 = arith.constant 0 : i32
      %dma_start3A_2065 = arith.constant 0 : i32
      %dma_start3A_2066 = tpu.memref_slice %arg6[%dma_start3A_2063, %dma_start3A_2064, %dma_start3A_2065] : memref<5x128x64xf32, #tpu.memory_space<vmem>> -> memref<1x128x64xf32, #tpu.memory_space<vmem>>
      %dma_start3A_2067 = tpu.memref_squeeze %dma_start3A_2066 : memref<1x128x64xf32, #tpu.memory_space<vmem>> -> memref<128x64xf32, #tpu.memory_space<vmem>>
      %dma_start3A_2068 = tpu.memref_slice %arg4[%add3A_2044, %mul3A_2062] : memref<204800x128xf32, #tpu.memory_space<hbm>> -> memref<128x64xf32, #tpu.memory_space<hbm>>
      %dma_start3A_2069 = tpu.memref_slice %arg4[%add3A_2044, %mul3A_2062] : memref<204800x128xf32, #tpu.memory_space<hbm>> -> memref<128x64xf32, #tpu.memory_space<hbm>>
      %dma_start3A_2070 = arith.constant 0 : i32
      %dma_start3A_2071 = arith.constant 0 : i32
      %dma_start3A_2072 = tpu.memref_slice %arg6[%dma_start3A_2063, %dma_start3A_2070, %dma_start3A_2071] : memref<5x128x64xf32, #tpu.memory_space<vmem>> -> memref<1x128x64xf32, #tpu.memory_space<vmem>>
      %dma_start3A_2073 = tpu.memref_squeeze %dma_start3A_2072 : memref<1x128x64xf32, #tpu.memory_space<vmem>> -> memref<128x64xf32, #tpu.memory_space<vmem>>
      tpu.enqueue_dma source(%dma_start3A_2073 : memref<128x64xf32, #tpu.memory_space<vmem>>) target(%dma_start3A_2069 : memref<128x64xf32, #tpu.memory_space<hbm>>) target_semaphore(%arg16 : memref<!tpu.dma_semaphore, #tpu.memory_space<semaphore_mem>>)
      %dma_wait3A_2074 = arith.constant 2 : i32
      %dma_wait3A_2075 = arith.constant 0 : i32
      %dma_wait3A_2076 = arith.constant 0 : i32
      %dma_wait3A_2077 = tpu.memref_slice %arg6[%dma_wait3A_2074, %dma_wait3A_2075, %dma_wait3A_2076] : memref<5x128x64xf32, #tpu.memory_space<vmem>> -> memref<1x128x64xf32, #tpu.memory_space<vmem>>
      %dma_wait3A_2078 = tpu.memref_squeeze %dma_wait3A_2077 : memref<1x128x64xf32, #tpu.memory_space<vmem>> -> memref<128x64xf32, #tpu.memory_space<vmem>>
      %dma_wait3A_2079 = arith.constant 0 : i32
      %dma_wait3A_2080 = arith.constant 0 : i32
      %dma_wait3A_2081 = tpu.memref_slice %arg4[%dma_wait3A_2079, %dma_wait3A_2080] : memref<204800x128xf32, #tpu.memory_space<hbm>> -> memref<128x64xf32, #tpu.memory_space<hbm>>
      %dma_wait3A_2082 = arith.constant 0 : i32
      %dma_wait3A_2083 = arith.constant 0 : i32
      %dma_wait3A_2084 = tpu.memref_slice %arg4[%dma_wait3A_2082, %dma_wait3A_2083] : memref<204800x128xf32, #tpu.memory_space<hbm>> -> memref<128x64xf32, #tpu.memory_space<hbm>>
      %dma_wait3A_2085 = arith.constant 0 : i32
      %dma_wait3A_2086 = arith.constant 0 : i32
      %dma_wait3A_2087 = tpu.memref_slice %arg6[%dma_wait3A_2074, %dma_wait3A_2085, %dma_wait3A_2086] : memref<5x128x64xf32, #tpu.memory_space<vmem>> -> memref<1x128x64xf32, #tpu.memory_space<vmem>>
      %dma_wait3A_2088 = tpu.memref_squeeze %dma_wait3A_2087 : memref<1x128x64xf32, #tpu.memory_space<vmem>> -> memref<128x64xf32, #tpu.memory_space<vmem>>
      tpu.wait_dma2 semaphore(%arg14 : memref<!tpu.dma_semaphore, #tpu.memory_space<semaphore_mem>>) src(%dma_wait3A_2088 : memref<128x64xf32, #tpu.memory_space<vmem>>) dst(%dma_wait3A_2084 : memref<128x64xf32, #tpu.memory_space<hbm>>)
      %add3A_2089 = arith.constant 3 : i32
      %add3A_2090 = arith.addi %add3A_1962, %add3A_2089 : i32
      %dma_start3A_2091 = arith.constant 2 : i32
      %dma_start3A_2092 = arith.constant 0 : i32
      %dma_start3A_2093 = arith.constant 0 : i32
      %dma_start3A_2094 = tpu.memref_slice %arg6[%dma_start3A_2091, %dma_start3A_2092, %dma_start3A_2093] : memref<5x128x64xf32, #tpu.memory_space<vmem>> -> memref<1x128x64xf32, #tpu.memory_space<vmem>>
      %dma_start3A_2095 = tpu.memref_squeeze %dma_start3A_2094 : memref<1x128x64xf32, #tpu.memory_space<vmem>> -> memref<128x64xf32, #tpu.memory_space<vmem>>
      %dma_start3A_2096 = arith.constant 0 : i32
      %dma_start3A_2097 = tpu.memref_slice %arg5[%add3A_2090, %dma_start3A_2096] : memref<100x128xi32, #tpu.memory_space<vmem>> -> memref<1x128xi32, #tpu.memory_space<vmem>>
      %dma_start3A_2098 = tpu.memref_squeeze %dma_start3A_2097 : memref<1x128xi32, #tpu.memory_space<vmem>> -> memref<128xi32, #tpu.memory_space<vmem>>
      %dma_start3A_2099 = arith.constant 0 : i32
      %dma_start3A_2100 = arith.constant 0 : i32
      %dma_start3A_2101 = tpu.memref_slice %arg2[%dma_start3A_2099, %dma_start3A_2100] : memref<100000x64xf32, #tpu.memory_space<hbm>> -> memref<100000x64xf32, #tpu.memory_space<hbm>>
      tpu.enqueue_indirect_dma source(%dma_start3A_2101 : memref<100000x64xf32, #tpu.memory_space<hbm>>) target(%dma_start3A_2095 : memref<128x64xf32, #tpu.memory_space<vmem>>) offsets(%dma_start3A_2098 : memref<128xi32, #tpu.memory_space<vmem>>) semaphore(%arg9 : memref<!tpu.dma_semaphore, #tpu.memory_space<semaphore_mem>>)
    }
    %scan3A_696 = arith.constant 18 : i32
    %dma_wait3A_697 = arith.constant 0 : i32
    %dma_wait3A_698 = arith.constant 0 : i32
    %dma_wait3A_699 = arith.constant 0 : i32
    %dma_wait3A_700 = arith.constant 0 : i32
    %dma_wait3A_701 = tpu.memref_slice %arg6[%dma_wait3A_698, %dma_wait3A_699, %dma_wait3A_700] : memref<5x128x64xf32, #tpu.memory_space<vmem>> -> memref<1x128x64xf32, #tpu.memory_space<vmem>>
    %dma_wait3A_702 = tpu.memref_squeeze %dma_wait3A_701 : memref<1x128x64xf32, #tpu.memory_space<vmem>> -> memref<128x64xf32, #tpu.memory_space<vmem>>
    %dma_wait3A_703 = arith.constant 0 : i32
    %dma_wait3A_704 = tpu.memref_slice %arg5[%dma_wait3A_697, %dma_wait3A_703] : memref<100x128xi32, #tpu.memory_space<vmem>> -> memref<1x128xi32, #tpu.memory_space<vmem>>
    %dma_wait3A_705 = tpu.memref_squeeze %dma_wait3A_704 : memref<1x128xi32, #tpu.memory_space<vmem>> -> memref<128xi32, #tpu.memory_space<vmem>>
    %dma_wait3A_706 = arith.constant 0 : i32
    %dma_wait3A_707 = arith.constant 0 : i32
    %dma_wait3A_708 = tpu.memref_slice %arg2[%dma_wait3A_706, %dma_wait3A_707] : memref<100000x64xf32, #tpu.memory_space<hbm>> -> memref<100000x64xf32, #tpu.memory_space<hbm>>
    tpu.wait_indirect_dma semaphore(%arg7 : memref<!tpu.dma_semaphore, #tpu.memory_space<semaphore_mem>>) src(%dma_wait3A_708 : memref<100000x64xf32, #tpu.memory_space<hbm>>) dst(%dma_wait3A_702 : memref<128x64xf32, #tpu.memory_space<vmem>>)
    %add3A_709 = arith.constant 95 : i32
    %add3A_710 = arith.addi %mul3A_2, %add3A_709 : i32
    %jit3A_711 = arith.constant 64 : i32
    %div3A_712 = arith.divsi %add3A_710, %jit3A_711 : i32
    %sign3A_713 = arith.constant 0 : i32
    %sign3A_714 = arith.cmpi sgt, %add3A_710, %sign3A_713 : i32
    %sign3A_715 = arith.extui %sign3A_714 : i1 to i32
    %sign3A_716 = arith.constant 0 : i32
    %sign3A_717 = arith.cmpi slt, %add3A_710, %sign3A_716 : i32
    %sign3A_718 = arith.extui %sign3A_717 : i1 to i32
    %sign3A_719 = arith.subi %sign3A_715, %sign3A_718 : i32
    %sign3A_720 = arith.constant 0 : i32
    %sign3A_721 = arith.cmpi sgt, %jit3A_711, %sign3A_720 : i32
    %sign3A_722 = arith.extui %sign3A_721 : i1 to i32
    %sign3A_723 = arith.constant 0 : i32
    %sign3A_724 = arith.cmpi slt, %jit3A_711, %sign3A_723 : i32
    %sign3A_725 = arith.extui %sign3A_724 : i1 to i32
    %sign3A_726 = arith.subi %sign3A_722, %sign3A_725 : i32
    %ne3A_727 = arith.cmpi ne, %sign3A_719, %sign3A_726 : i32
    %rem3A_728 = arith.remsi %add3A_710, %jit3A_711 : i32
    %ne3A_729 = arith.constant 0 : i32
    %ne3A_730 = arith.cmpi ne, %rem3A_728, %ne3A_729 : i32
    %and3A_731 = arith.andi %ne3A_727, %ne3A_730 : i1
    %sub3A_732 = arith.constant 1 : i32
    %sub3A_733 = arith.subi %div3A_712, %sub3A_732 : i32
    %select_n3A_734 = arith.select %and3A_731, %sub3A_733, %div3A_712 : i32
    %jit3A_735 = arith.constant 64 : i32
    %eq3A_736 = arith.constant 0 : i32
    %eq3A_737 = arith.cmpi eq, %jit3A_735, %eq3A_736 : i32
    %jit3A_738 = arith.constant 1 : i32
    %select_n3A_739 = arith.select %eq3A_737, %jit3A_738, %jit3A_735 : i32
    %rem3A_740 = arith.remsi %add3A_710, %select_n3A_739 : i32
    %ne3A_741 = arith.constant 0 : i32
    %ne3A_742 = arith.cmpi ne, %rem3A_740, %ne3A_741 : i32
    %lt3A_743 = arith.constant 0 : i32
    %lt3A_744 = arith.cmpi slt, %rem3A_740, %lt3A_743 : i32
    %lt3A_745 = arith.constant 0 : i32
    %lt3A_746 = arith.cmpi slt, %select_n3A_739, %lt3A_745 : i32
    %ne3A_747 = arith.xori %lt3A_744, %lt3A_746 : i1
    %and3A_748 = arith.andi %ne3A_747, %ne3A_742 : i1
    %add3A_749 = arith.addi %rem3A_740, %select_n3A_739 : i32
    %select_n3A_750 = arith.select %and3A_748, %add3A_749, %rem3A_740 : i32
    %mul3A_751 = arith.constant 4096 : i32
    %mul3A_752 = arith.muli %select_n3A_734, %mul3A_751 : i32
    %jit3A_753 = arith.constant 2 : i32
    %div3A_754 = arith.divsi %select_n3A_750, %jit3A_753 : i32
    %sign3A_755 = arith.constant 0 : i32
    %sign3A_756 = arith.cmpi sgt, %select_n3A_750, %sign3A_755 : i32
    %sign3A_757 = arith.extui %sign3A_756 : i1 to i32
    %sign3A_758 = arith.constant 0 : i32
    %sign3A_759 = arith.cmpi slt, %select_n3A_750, %sign3A_758 : i32
    %sign3A_760 = arith.extui %sign3A_759 : i1 to i32
    %sign3A_761 = arith.subi %sign3A_757, %sign3A_760 : i32
    %sign3A_762 = arith.constant 0 : i32
    %sign3A_763 = arith.cmpi sgt, %jit3A_753, %sign3A_762 : i32
    %sign3A_764 = arith.extui %sign3A_763 : i1 to i32
    %sign3A_765 = arith.constant 0 : i32
    %sign3A_766 = arith.cmpi slt, %jit3A_753, %sign3A_765 : i32
    %sign3A_767 = arith.extui %sign3A_766 : i1 to i32
    %sign3A_768 = arith.subi %sign3A_764, %sign3A_767 : i32
    %ne3A_769 = arith.cmpi ne, %sign3A_761, %sign3A_768 : i32
    %rem3A_770 = arith.remsi %select_n3A_750, %jit3A_753 : i32
    %ne3A_771 = arith.constant 0 : i32
    %ne3A_772 = arith.cmpi ne, %rem3A_770, %ne3A_771 : i32
    %and3A_773 = arith.andi %ne3A_769, %ne3A_772 : i1
    %sub3A_774 = arith.constant 1 : i32
    %sub3A_775 = arith.subi %div3A_754, %sub3A_774 : i32
    %select_n3A_776 = arith.select %and3A_773, %sub3A_775, %div3A_754 : i32
    %mul3A_777 = arith.constant 128 : i32
    %mul3A_778 = arith.muli %select_n3A_776, %mul3A_777 : i32
    %add3A_779 = arith.addi %mul3A_752, %mul3A_778 : i32
    %jit3A_780 = arith.constant 2 : i32
    %eq3A_781 = arith.constant 0 : i32
    %eq3A_782 = arith.cmpi eq, %jit3A_780, %eq3A_781 : i32
    %jit3A_783 = arith.constant 1 : i32
    %select_n3A_784 = arith.select %eq3A_782, %jit3A_783, %jit3A_780 : i32
    %rem3A_785 = arith.remsi %select_n3A_750, %select_n3A_784 : i32
    %ne3A_786 = arith.constant 0 : i32
    %ne3A_787 = arith.cmpi ne, %rem3A_785, %ne3A_786 : i32
    %lt3A_788 = arith.constant 0 : i32
    %lt3A_789 = arith.cmpi slt, %rem3A_785, %lt3A_788 : i32
    %lt3A_790 = arith.constant 0 : i32
    %lt3A_791 = arith.cmpi slt, %select_n3A_784, %lt3A_790 : i32
    %ne3A_792 = arith.xori %lt3A_789, %lt3A_791 : i1
    %and3A_793 = arith.andi %ne3A_792, %ne3A_787 : i1
    %add3A_794 = arith.addi %rem3A_785, %select_n3A_784 : i32
    %select_n3A_795 = arith.select %and3A_793, %add3A_794, %rem3A_785 : i32
    %mul3A_796 = arith.constant 64 : i32
    %mul3A_797 = arith.muli %select_n3A_795, %mul3A_796 : i32
    %dma_start3A_798 = arith.constant 0 : i32
    %dma_start3A_799 = arith.constant 0 : i32
    %dma_start3A_800 = arith.constant 0 : i32
    %dma_start3A_801 = tpu.memref_slice %arg6[%dma_start3A_798, %dma_start3A_799, %dma_start3A_800] : memref<5x128x64xf32, #tpu.memory_space<vmem>> -> memref<1x128x64xf32, #tpu.memory_space<vmem>>
    %dma_start3A_802 = tpu.memref_squeeze %dma_start3A_801 : memref<1x128x64xf32, #tpu.memory_space<vmem>> -> memref<128x64xf32, #tpu.memory_space<vmem>>
    %dma_start3A_803 = tpu.memref_slice %arg4[%add3A_779, %mul3A_797] : memref<204800x128xf32, #tpu.memory_space<hbm>> -> memref<128x64xf32, #tpu.memory_space<hbm>>
    %dma_start3A_804 = tpu.memref_slice %arg4[%add3A_779, %mul3A_797] : memref<204800x128xf32, #tpu.memory_space<hbm>> -> memref<128x64xf32, #tpu.memory_space<hbm>>
    %dma_start3A_805 = arith.constant 0 : i32
    %dma_start3A_806 = arith.constant 0 : i32
    %dma_start3A_807 = tpu.memref_slice %arg6[%dma_start3A_798, %dma_start3A_805, %dma_start3A_806] : memref<5x128x64xf32, #tpu.memory_space<vmem>> -> memref<1x128x64xf32, #tpu.memory_space<vmem>>
    %dma_start3A_808 = tpu.memref_squeeze %dma_start3A_807 : memref<1x128x64xf32, #tpu.memory_space<vmem>> -> memref<128x64xf32, #tpu.memory_space<vmem>>
    tpu.enqueue_dma source(%dma_start3A_808 : memref<128x64xf32, #tpu.memory_space<vmem>>) target(%dma_start3A_804 : memref<128x64xf32, #tpu.memory_space<hbm>>) target_semaphore(%arg12 : memref<!tpu.dma_semaphore, #tpu.memory_space<semaphore_mem>>)
    %dma_wait3A_809 = arith.constant 3 : i32
    %dma_wait3A_810 = arith.constant 0 : i32
    %dma_wait3A_811 = arith.constant 0 : i32
    %dma_wait3A_812 = tpu.memref_slice %arg6[%dma_wait3A_809, %dma_wait3A_810, %dma_wait3A_811] : memref<5x128x64xf32, #tpu.memory_space<vmem>> -> memref<1x128x64xf32, #tpu.memory_space<vmem>>
    %dma_wait3A_813 = tpu.memref_squeeze %dma_wait3A_812 : memref<1x128x64xf32, #tpu.memory_space<vmem>> -> memref<128x64xf32, #tpu.memory_space<vmem>>
    %dma_wait3A_814 = arith.constant 0 : i32
    %dma_wait3A_815 = arith.constant 0 : i32
    %dma_wait3A_816 = tpu.memref_slice %arg4[%dma_wait3A_814, %dma_wait3A_815] : memref<204800x128xf32, #tpu.memory_space<hbm>> -> memref<128x64xf32, #tpu.memory_space<hbm>>
    %dma_wait3A_817 = arith.constant 0 : i32
    %dma_wait3A_818 = arith.constant 0 : i32
    %dma_wait3A_819 = tpu.memref_slice %arg4[%dma_wait3A_817, %dma_wait3A_818] : memref<204800x128xf32, #tpu.memory_space<hbm>> -> memref<128x64xf32, #tpu.memory_space<hbm>>
    %dma_wait3A_820 = arith.constant 0 : i32
    %dma_wait3A_821 = arith.constant 0 : i32
    %dma_wait3A_822 = tpu.memref_slice %arg6[%dma_wait3A_809, %dma_wait3A_820, %dma_wait3A_821] : memref<5x128x64xf32, #tpu.memory_space<vmem>> -> memref<1x128x64xf32, #tpu.memory_space<vmem>>
    %dma_wait3A_823 = tpu.memref_squeeze %dma_wait3A_822 : memref<1x128x64xf32, #tpu.memory_space<vmem>> -> memref<128x64xf32, #tpu.memory_space<vmem>>
    tpu.wait_dma2 semaphore(%arg15 : memref<!tpu.dma_semaphore, #tpu.memory_space<semaphore_mem>>) src(%dma_wait3A_823 : memref<128x64xf32, #tpu.memory_space<vmem>>) dst(%dma_wait3A_819 : memref<128x64xf32, #tpu.memory_space<hbm>>)
    %dma_start3A_824 = arith.constant 98 : i32
    %dma_start3A_825 = arith.constant 3 : i32
    %dma_start3A_826 = arith.constant 0 : i32
    %dma_start3A_827 = arith.constant 0 : i32
    %dma_start3A_828 = tpu.memref_slice %arg6[%dma_start3A_825, %dma_start3A_826, %dma_start3A_827] : memref<5x128x64xf32, #tpu.memory_space<vmem>> -> memref<1x128x64xf32, #tpu.memory_space<vmem>>
    %dma_start3A_829 = tpu.memref_squeeze %dma_start3A_828 : memref<1x128x64xf32, #tpu.memory_space<vmem>> -> memref<128x64xf32, #tpu.memory_space<vmem>>
    %dma_start3A_830 = arith.constant 0 : i32
    %dma_start3A_831 = tpu.memref_slice %arg5[%dma_start3A_824, %dma_start3A_830] : memref<100x128xi32, #tpu.memory_space<vmem>> -> memref<1x128xi32, #tpu.memory_space<vmem>>
    %dma_start3A_832 = tpu.memref_squeeze %dma_start3A_831 : memref<1x128xi32, #tpu.memory_space<vmem>> -> memref<128xi32, #tpu.memory_space<vmem>>
    %dma_start3A_833 = arith.constant 0 : i32
    %dma_start3A_834 = arith.constant 0 : i32
    %dma_start3A_835 = tpu.memref_slice %arg2[%dma_start3A_833, %dma_start3A_834] : memref<100000x64xf32, #tpu.memory_space<hbm>> -> memref<100000x64xf32, #tpu.memory_space<hbm>>
    tpu.enqueue_indirect_dma source(%dma_start3A_835 : memref<100000x64xf32, #tpu.memory_space<hbm>>) target(%dma_start3A_829 : memref<128x64xf32, #tpu.memory_space<vmem>>) offsets(%dma_start3A_832 : memref<128xi32, #tpu.memory_space<vmem>>) semaphore(%arg10 : memref<!tpu.dma_semaphore, #tpu.memory_space<semaphore_mem>>)
    %dma_wait3A_836 = arith.constant 0 : i32
    %dma_wait3A_837 = arith.constant 1 : i32
    %dma_wait3A_838 = arith.constant 0 : i32
    %dma_wait3A_839 = arith.constant 0 : i32
    %dma_wait3A_840 = tpu.memref_slice %arg6[%dma_wait3A_837, %dma_wait3A_838, %dma_wait3A_839] : memref<5x128x64xf32, #tpu.memory_space<vmem>> -> memref<1x128x64xf32, #tpu.memory_space<vmem>>
    %dma_wait3A_841 = tpu.memref_squeeze %dma_wait3A_840 : memref<1x128x64xf32, #tpu.memory_space<vmem>> -> memref<128x64xf32, #tpu.memory_space<vmem>>
    %dma_wait3A_842 = arith.constant 0 : i32
    %dma_wait3A_843 = tpu.memref_slice %arg5[%dma_wait3A_836, %dma_wait3A_842] : memref<100x128xi32, #tpu.memory_space<vmem>> -> memref<1x128xi32, #tpu.memory_space<vmem>>
    %dma_wait3A_844 = tpu.memref_squeeze %dma_wait3A_843 : memref<1x128xi32, #tpu.memory_space<vmem>> -> memref<128xi32, #tpu.memory_space<vmem>>
    %dma_wait3A_845 = arith.constant 0 : i32
    %dma_wait3A_846 = arith.constant 0 : i32
    %dma_wait3A_847 = tpu.memref_slice %arg2[%dma_wait3A_845, %dma_wait3A_846] : memref<100000x64xf32, #tpu.memory_space<hbm>> -> memref<100000x64xf32, #tpu.memory_space<hbm>>
    tpu.wait_indirect_dma semaphore(%arg8 : memref<!tpu.dma_semaphore, #tpu.memory_space<semaphore_mem>>) src(%dma_wait3A_847 : memref<100000x64xf32, #tpu.memory_space<hbm>>) dst(%dma_wait3A_841 : memref<128x64xf32, #tpu.memory_space<vmem>>)
    %add3A_848 = arith.constant 96 : i32
    %add3A_849 = arith.addi %mul3A_2, %add3A_848 : i32
    %jit3A_850 = arith.constant 64 : i32
    %div3A_851 = arith.divsi %add3A_849, %jit3A_850 : i32
    %sign3A_852 = arith.constant 0 : i32
    %sign3A_853 = arith.cmpi sgt, %add3A_849, %sign3A_852 : i32
    %sign3A_854 = arith.extui %sign3A_853 : i1 to i32
    %sign3A_855 = arith.constant 0 : i32
    %sign3A_856 = arith.cmpi slt, %add3A_849, %sign3A_855 : i32
    %sign3A_857 = arith.extui %sign3A_856 : i1 to i32
    %sign3A_858 = arith.subi %sign3A_854, %sign3A_857 : i32
    %sign3A_859 = arith.constant 0 : i32
    %sign3A_860 = arith.cmpi sgt, %jit3A_850, %sign3A_859 : i32
    %sign3A_861 = arith.extui %sign3A_860 : i1 to i32
    %sign3A_862 = arith.constant 0 : i32
    %sign3A_863 = arith.cmpi slt, %jit3A_850, %sign3A_862 : i32
    %sign3A_864 = arith.extui %sign3A_863 : i1 to i32
    %sign3A_865 = arith.subi %sign3A_861, %sign3A_864 : i32
    %ne3A_866 = arith.cmpi ne, %sign3A_858, %sign3A_865 : i32
    %rem3A_867 = arith.remsi %add3A_849, %jit3A_850 : i32
    %ne3A_868 = arith.constant 0 : i32
    %ne3A_869 = arith.cmpi ne, %rem3A_867, %ne3A_868 : i32
    %and3A_870 = arith.andi %ne3A_866, %ne3A_869 : i1
    %sub3A_871 = arith.constant 1 : i32
    %sub3A_872 = arith.subi %div3A_851, %sub3A_871 : i32
    %select_n3A_873 = arith.select %and3A_870, %sub3A_872, %div3A_851 : i32
    %jit3A_874 = arith.constant 64 : i32
    %eq3A_875 = arith.constant 0 : i32
    %eq3A_876 = arith.cmpi eq, %jit3A_874, %eq3A_875 : i32
    %jit3A_877 = arith.constant 1 : i32
    %select_n3A_878 = arith.select %eq3A_876, %jit3A_877, %jit3A_874 : i32
    %rem3A_879 = arith.remsi %add3A_849, %select_n3A_878 : i32
    %ne3A_880 = arith.constant 0 : i32
    %ne3A_881 = arith.cmpi ne, %rem3A_879, %ne3A_880 : i32
    %lt3A_882 = arith.constant 0 : i32
    %lt3A_883 = arith.cmpi slt, %rem3A_879, %lt3A_882 : i32
    %lt3A_884 = arith.constant 0 : i32
    %lt3A_885 = arith.cmpi slt, %select_n3A_878, %lt3A_884 : i32
    %ne3A_886 = arith.xori %lt3A_883, %lt3A_885 : i1
    %and3A_887 = arith.andi %ne3A_886, %ne3A_881 : i1
    %add3A_888 = arith.addi %rem3A_879, %select_n3A_878 : i32
    %select_n3A_889 = arith.select %and3A_887, %add3A_888, %rem3A_879 : i32
    %mul3A_890 = arith.constant 4096 : i32
    %mul3A_891 = arith.muli %select_n3A_873, %mul3A_890 : i32
    %jit3A_892 = arith.constant 2 : i32
    %div3A_893 = arith.divsi %select_n3A_889, %jit3A_892 : i32
    %sign3A_894 = arith.constant 0 : i32
    %sign3A_895 = arith.cmpi sgt, %select_n3A_889, %sign3A_894 : i32
    %sign3A_896 = arith.extui %sign3A_895 : i1 to i32
    %sign3A_897 = arith.constant 0 : i32
    %sign3A_898 = arith.cmpi slt, %select_n3A_889, %sign3A_897 : i32
    %sign3A_899 = arith.extui %sign3A_898 : i1 to i32
    %sign3A_900 = arith.subi %sign3A_896, %sign3A_899 : i32
    %sign3A_901 = arith.constant 0 : i32
    %sign3A_902 = arith.cmpi sgt, %jit3A_892, %sign3A_901 : i32
    %sign3A_903 = arith.extui %sign3A_902 : i1 to i32
    %sign3A_904 = arith.constant 0 : i32
    %sign3A_905 = arith.cmpi slt, %jit3A_892, %sign3A_904 : i32
    %sign3A_906 = arith.extui %sign3A_905 : i1 to i32
    %sign3A_907 = arith.subi %sign3A_903, %sign3A_906 : i32
    %ne3A_908 = arith.cmpi ne, %sign3A_900, %sign3A_907 : i32
    %rem3A_909 = arith.remsi %select_n3A_889, %jit3A_892 : i32
    %ne3A_910 = arith.constant 0 : i32
    %ne3A_911 = arith.cmpi ne, %rem3A_909, %ne3A_910 : i32
    %and3A_912 = arith.andi %ne3A_908, %ne3A_911 : i1
    %sub3A_913 = arith.constant 1 : i32
    %sub3A_914 = arith.subi %div3A_893, %sub3A_913 : i32
    %select_n3A_915 = arith.select %and3A_912, %sub3A_914, %div3A_893 : i32
    %mul3A_916 = arith.constant 128 : i32
    %mul3A_917 = arith.muli %select_n3A_915, %mul3A_916 : i32
    %add3A_918 = arith.addi %mul3A_891, %mul3A_917 : i32
    %jit3A_919 = arith.constant 2 : i32
    %eq3A_920 = arith.constant 0 : i32
    %eq3A_921 = arith.cmpi eq, %jit3A_919, %eq3A_920 : i32
    %jit3A_922 = arith.constant 1 : i32
    %select_n3A_923 = arith.select %eq3A_921, %jit3A_922, %jit3A_919 : i32
    %rem3A_924 = arith.remsi %select_n3A_889, %select_n3A_923 : i32
    %ne3A_925 = arith.constant 0 : i32
    %ne3A_926 = arith.cmpi ne, %rem3A_924, %ne3A_925 : i32
    %lt3A_927 = arith.constant 0 : i32
    %lt3A_928 = arith.cmpi slt, %rem3A_924, %lt3A_927 : i32
    %lt3A_929 = arith.constant 0 : i32
    %lt3A_930 = arith.cmpi slt, %select_n3A_923, %lt3A_929 : i32
    %ne3A_931 = arith.xori %lt3A_928, %lt3A_930 : i1
    %and3A_932 = arith.andi %ne3A_931, %ne3A_926 : i1
    %add3A_933 = arith.addi %rem3A_924, %select_n3A_923 : i32
    %select_n3A_934 = arith.select %and3A_932, %add3A_933, %rem3A_924 : i32
    %mul3A_935 = arith.constant 64 : i32
    %mul3A_936 = arith.muli %select_n3A_934, %mul3A_935 : i32
    %dma_start3A_937 = arith.constant 1 : i32
    %dma_start3A_938 = arith.constant 0 : i32
    %dma_start3A_939 = arith.constant 0 : i32
    %dma_start3A_940 = tpu.memref_slice %arg6[%dma_start3A_937, %dma_start3A_938, %dma_start3A_939] : memref<5x128x64xf32, #tpu.memory_space<vmem>> -> memref<1x128x64xf32, #tpu.memory_space<vmem>>
    %dma_start3A_941 = tpu.memref_squeeze %dma_start3A_940 : memref<1x128x64xf32, #tpu.memory_space<vmem>> -> memref<128x64xf32, #tpu.memory_space<vmem>>
    %dma_start3A_942 = tpu.memref_slice %arg4[%add3A_918, %mul3A_936] : memref<204800x128xf32, #tpu.memory_space<hbm>> -> memref<128x64xf32, #tpu.memory_space<hbm>>
    %dma_start3A_943 = tpu.memref_slice %arg4[%add3A_918, %mul3A_936] : memref<204800x128xf32, #tpu.memory_space<hbm>> -> memref<128x64xf32, #tpu.memory_space<hbm>>
    %dma_start3A_944 = arith.constant 0 : i32
    %dma_start3A_945 = arith.constant 0 : i32
    %dma_start3A_946 = tpu.memref_slice %arg6[%dma_start3A_937, %dma_start3A_944, %dma_start3A_945] : memref<5x128x64xf32, #tpu.memory_space<vmem>> -> memref<1x128x64xf32, #tpu.memory_space<vmem>>
    %dma_start3A_947 = tpu.memref_squeeze %dma_start3A_946 : memref<1x128x64xf32, #tpu.memory_space<vmem>> -> memref<128x64xf32, #tpu.memory_space<vmem>>
    tpu.enqueue_dma source(%dma_start3A_947 : memref<128x64xf32, #tpu.memory_space<vmem>>) target(%dma_start3A_943 : memref<128x64xf32, #tpu.memory_space<hbm>>) target_semaphore(%arg13 : memref<!tpu.dma_semaphore, #tpu.memory_space<semaphore_mem>>)
    %dma_wait3A_948 = arith.constant 4 : i32
    %dma_wait3A_949 = arith.constant 0 : i32
    %dma_wait3A_950 = arith.constant 0 : i32
    %dma_wait3A_951 = tpu.memref_slice %arg6[%dma_wait3A_948, %dma_wait3A_949, %dma_wait3A_950] : memref<5x128x64xf32, #tpu.memory_space<vmem>> -> memref<1x128x64xf32, #tpu.memory_space<vmem>>
    %dma_wait3A_952 = tpu.memref_squeeze %dma_wait3A_951 : memref<1x128x64xf32, #tpu.memory_space<vmem>> -> memref<128x64xf32, #tpu.memory_space<vmem>>
    %dma_wait3A_953 = arith.constant 0 : i32
    %dma_wait3A_954 = arith.constant 0 : i32
    %dma_wait3A_955 = tpu.memref_slice %arg4[%dma_wait3A_953, %dma_wait3A_954] : memref<204800x128xf32, #tpu.memory_space<hbm>> -> memref<128x64xf32, #tpu.memory_space<hbm>>
    %dma_wait3A_956 = arith.constant 0 : i32
    %dma_wait3A_957 = arith.constant 0 : i32
    %dma_wait3A_958 = tpu.memref_slice %arg4[%dma_wait3A_956, %dma_wait3A_957] : memref<204800x128xf32, #tpu.memory_space<hbm>> -> memref<128x64xf32, #tpu.memory_space<hbm>>
    %dma_wait3A_959 = arith.constant 0 : i32
    %dma_wait3A_960 = arith.constant 0 : i32
    %dma_wait3A_961 = tpu.memref_slice %arg6[%dma_wait3A_948, %dma_wait3A_959, %dma_wait3A_960] : memref<5x128x64xf32, #tpu.memory_space<vmem>> -> memref<1x128x64xf32, #tpu.memory_space<vmem>>
    %dma_wait3A_962 = tpu.memref_squeeze %dma_wait3A_961 : memref<1x128x64xf32, #tpu.memory_space<vmem>> -> memref<128x64xf32, #tpu.memory_space<vmem>>
    tpu.wait_dma2 semaphore(%arg16 : memref<!tpu.dma_semaphore, #tpu.memory_space<semaphore_mem>>) src(%dma_wait3A_962 : memref<128x64xf32, #tpu.memory_space<vmem>>) dst(%dma_wait3A_958 : memref<128x64xf32, #tpu.memory_space<hbm>>)
    %dma_start3A_963 = arith.constant 99 : i32
    %dma_start3A_964 = arith.constant 4 : i32
    %dma_start3A_965 = arith.constant 0 : i32
    %dma_start3A_966 = arith.constant 0 : i32
    %dma_start3A_967 = tpu.memref_slice %arg6[%dma_start3A_964, %dma_start3A_965, %dma_start3A_966] : memref<5x128x64xf32, #tpu.memory_space<vmem>> -> memref<1x128x64xf32, #tpu.memory_space<vmem>>
    %dma_start3A_968 = tpu.memref_squeeze %dma_start3A_967 : memref<1x128x64xf32, #tpu.memory_space<vmem>> -> memref<128x64xf32, #tpu.memory_space<vmem>>
    %dma_start3A_969 = arith.constant 0 : i32
    %dma_start3A_970 = tpu.memref_slice %arg5[%dma_start3A_963, %dma_start3A_969] : memref<100x128xi32, #tpu.memory_space<vmem>> -> memref<1x128xi32, #tpu.memory_space<vmem>>
    %dma_start3A_971 = tpu.memref_squeeze %dma_start3A_970 : memref<1x128xi32, #tpu.memory_space<vmem>> -> memref<128xi32, #tpu.memory_space<vmem>>
    %dma_start3A_972 = arith.constant 0 : i32
    %dma_start3A_973 = arith.constant 0 : i32
    %dma_start3A_974 = tpu.memref_slice %arg2[%dma_start3A_972, %dma_start3A_973] : memref<100000x64xf32, #tpu.memory_space<hbm>> -> memref<100000x64xf32, #tpu.memory_space<hbm>>
    tpu.enqueue_indirect_dma source(%dma_start3A_974 : memref<100000x64xf32, #tpu.memory_space<hbm>>) target(%dma_start3A_968 : memref<128x64xf32, #tpu.memory_space<vmem>>) offsets(%dma_start3A_971 : memref<128xi32, #tpu.memory_space<vmem>>) semaphore(%arg11 : memref<!tpu.dma_semaphore, #tpu.memory_space<semaphore_mem>>)
    %dma_wait3A_975 = arith.constant 0 : i32
    %dma_wait3A_976 = arith.constant 2 : i32
    %dma_wait3A_977 = arith.constant 0 : i32
    %dma_wait3A_978 = arith.constant 0 : i32
    %dma_wait3A_979 = tpu.memref_slice %arg6[%dma_wait3A_976, %dma_wait3A_977, %dma_wait3A_978] : memref<5x128x64xf32, #tpu.memory_space<vmem>> -> memref<1x128x64xf32, #tpu.memory_space<vmem>>
    %dma_wait3A_980 = tpu.memref_squeeze %dma_wait3A_979 : memref<1x128x64xf32, #tpu.memory_space<vmem>> -> memref<128x64xf32, #tpu.memory_space<vmem>>
    %dma_wait3A_981 = arith.constant 0 : i32
    %dma_wait3A_982 = tpu.memref_slice %arg5[%dma_wait3A_975, %dma_wait3A_981] : memref<100x128xi32, #tpu.memory_space<vmem>> -> memref<1x128xi32, #tpu.memory_space<vmem>>
    %dma_wait3A_983 = tpu.memref_squeeze %dma_wait3A_982 : memref<1x128xi32, #tpu.memory_space<vmem>> -> memref<128xi32, #tpu.memory_space<vmem>>
    %dma_wait3A_984 = arith.constant 0 : i32
    %dma_wait3A_985 = arith.constant 0 : i32
    %dma_wait3A_986 = tpu.memref_slice %arg2[%dma_wait3A_984, %dma_wait3A_985] : memref<100000x64xf32, #tpu.memory_space<hbm>> -> memref<100000x64xf32, #tpu.memory_space<hbm>>
    tpu.wait_indirect_dma semaphore(%arg9 : memref<!tpu.dma_semaphore, #tpu.memory_space<semaphore_mem>>) src(%dma_wait3A_986 : memref<100000x64xf32, #tpu.memory_space<hbm>>) dst(%dma_wait3A_980 : memref<128x64xf32, #tpu.memory_space<vmem>>)
    %add3A_987 = arith.constant 97 : i32
    %add3A_988 = arith.addi %mul3A_2, %add3A_987 : i32
    %jit3A_989 = arith.constant 64 : i32
    %div3A_990 = arith.divsi %add3A_988, %jit3A_989 : i32
    %sign3A_991 = arith.constant 0 : i32
    %sign3A_992 = arith.cmpi sgt, %add3A_988, %sign3A_991 : i32
    %sign3A_993 = arith.extui %sign3A_992 : i1 to i32
    %sign3A_994 = arith.constant 0 : i32
    %sign3A_995 = arith.cmpi slt, %add3A_988, %sign3A_994 : i32
    %sign3A_996 = arith.extui %sign3A_995 : i1 to i32
    %sign3A_997 = arith.subi %sign3A_993, %sign3A_996 : i32
    %sign3A_998 = arith.constant 0 : i32
    %sign3A_999 = arith.cmpi sgt, %jit3A_989, %sign3A_998 : i32
    %sign3A_1000 = arith.extui %sign3A_999 : i1 to i32
    %sign3A_1001 = arith.constant 0 : i32
    %sign3A_1002 = arith.cmpi slt, %jit3A_989, %sign3A_1001 : i32
    %sign3A_1003 = arith.extui %sign3A_1002 : i1 to i32
    %sign3A_1004 = arith.subi %sign3A_1000, %sign3A_1003 : i32
    %ne3A_1005 = arith.cmpi ne, %sign3A_997, %sign3A_1004 : i32
    %rem3A_1006 = arith.remsi %add3A_988, %jit3A_989 : i32
    %ne3A_1007 = arith.constant 0 : i32
    %ne3A_1008 = arith.cmpi ne, %rem3A_1006, %ne3A_1007 : i32
    %and3A_1009 = arith.andi %ne3A_1005, %ne3A_1008 : i1
    %sub3A_1010 = arith.constant 1 : i32
    %sub3A_1011 = arith.subi %div3A_990, %sub3A_1010 : i32
    %select_n3A_1012 = arith.select %and3A_1009, %sub3A_1011, %div3A_990 : i32
    %jit3A_1013 = arith.constant 64 : i32
    %eq3A_1014 = arith.constant 0 : i32
    %eq3A_1015 = arith.cmpi eq, %jit3A_1013, %eq3A_1014 : i32
    %jit3A_1016 = arith.constant 1 : i32
    %select_n3A_1017 = arith.select %eq3A_1015, %jit3A_1016, %jit3A_1013 : i32
    %rem3A_1018 = arith.remsi %add3A_988, %select_n3A_1017 : i32
    %ne3A_1019 = arith.constant 0 : i32
    %ne3A_1020 = arith.cmpi ne, %rem3A_1018, %ne3A_1019 : i32
    %lt3A_1021 = arith.constant 0 : i32
    %lt3A_1022 = arith.cmpi slt, %rem3A_1018, %lt3A_1021 : i32
    %lt3A_1023 = arith.constant 0 : i32
    %lt3A_1024 = arith.cmpi slt, %select_n3A_1017, %lt3A_1023 : i32
    %ne3A_1025 = arith.xori %lt3A_1022, %lt3A_1024 : i1
    %and3A_1026 = arith.andi %ne3A_1025, %ne3A_1020 : i1
    %add3A_1027 = arith.addi %rem3A_1018, %select_n3A_1017 : i32
    %select_n3A_1028 = arith.select %and3A_1026, %add3A_1027, %rem3A_1018 : i32
    %mul3A_1029 = arith.constant 4096 : i32
    %mul3A_1030 = arith.muli %select_n3A_1012, %mul3A_1029 : i32
    %jit3A_1031 = arith.constant 2 : i32
    %div3A_1032 = arith.divsi %select_n3A_1028, %jit3A_1031 : i32
    %sign3A_1033 = arith.constant 0 : i32
    %sign3A_1034 = arith.cmpi sgt, %select_n3A_1028, %sign3A_1033 : i32
    %sign3A_1035 = arith.extui %sign3A_1034 : i1 to i32
    %sign3A_1036 = arith.constant 0 : i32
    %sign3A_1037 = arith.cmpi slt, %select_n3A_1028, %sign3A_1036 : i32
    %sign3A_1038 = arith.extui %sign3A_1037 : i1 to i32
    %sign3A_1039 = arith.subi %sign3A_1035, %sign3A_1038 : i32
    %sign3A_1040 = arith.constant 0 : i32
    %sign3A_1041 = arith.cmpi sgt, %jit3A_1031, %sign3A_1040 : i32
    %sign3A_1042 = arith.extui %sign3A_1041 : i1 to i32
    %sign3A_1043 = arith.constant 0 : i32
    %sign3A_1044 = arith.cmpi slt, %jit3A_1031, %sign3A_1043 : i32
    %sign3A_1045 = arith.extui %sign3A_1044 : i1 to i32
    %sign3A_1046 = arith.subi %sign3A_1042, %sign3A_1045 : i32
    %ne3A_1047 = arith.cmpi ne, %sign3A_1039, %sign3A_1046 : i32
    %rem3A_1048 = arith.remsi %select_n3A_1028, %jit3A_1031 : i32
    %ne3A_1049 = arith.constant 0 : i32
    %ne3A_1050 = arith.cmpi ne, %rem3A_1048, %ne3A_1049 : i32
    %and3A_1051 = arith.andi %ne3A_1047, %ne3A_1050 : i1
    %sub3A_1052 = arith.constant 1 : i32
    %sub3A_1053 = arith.subi %div3A_1032, %sub3A_1052 : i32
    %select_n3A_1054 = arith.select %and3A_1051, %sub3A_1053, %div3A_1032 : i32
    %mul3A_1055 = arith.constant 128 : i32
    %mul3A_1056 = arith.muli %select_n3A_1054, %mul3A_1055 : i32
    %add3A_1057 = arith.addi %mul3A_1030, %mul3A_1056 : i32
    %jit3A_1058 = arith.constant 2 : i32
    %eq3A_1059 = arith.constant 0 : i32
    %eq3A_1060 = arith.cmpi eq, %jit3A_1058, %eq3A_1059 : i32
    %jit3A_1061 = arith.constant 1 : i32
    %select_n3A_1062 = arith.select %eq3A_1060, %jit3A_1061, %jit3A_1058 : i32
    %rem3A_1063 = arith.remsi %select_n3A_1028, %select_n3A_1062 : i32
    %ne3A_1064 = arith.constant 0 : i32
    %ne3A_1065 = arith.cmpi ne, %rem3A_1063, %ne3A_1064 : i32
    %lt3A_1066 = arith.constant 0 : i32
    %lt3A_1067 = arith.cmpi slt, %rem3A_1063, %lt3A_1066 : i32
    %lt3A_1068 = arith.constant 0 : i32
    %lt3A_1069 = arith.cmpi slt, %select_n3A_1062, %lt3A_1068 : i32
    %ne3A_1070 = arith.xori %lt3A_1067, %lt3A_1069 : i1
    %and3A_1071 = arith.andi %ne3A_1070, %ne3A_1065 : i1
    %add3A_1072 = arith.addi %rem3A_1063, %select_n3A_1062 : i32
    %select_n3A_1073 = arith.select %and3A_1071, %add3A_1072, %rem3A_1063 : i32
    %mul3A_1074 = arith.constant 64 : i32
    %mul3A_1075 = arith.muli %select_n3A_1073, %mul3A_1074 : i32
    %dma_start3A_1076 = arith.constant 2 : i32
    %dma_start3A_1077 = arith.constant 0 : i32
    %dma_start3A_1078 = arith.constant 0 : i32
    %dma_start3A_1079 = tpu.memref_slice %arg6[%dma_start3A_1076, %dma_start3A_1077, %dma_start3A_1078] : memref<5x128x64xf32, #tpu.memory_space<vmem>> -> memref<1x128x64xf32, #tpu.memory_space<vmem>>
    %dma_start3A_1080 = tpu.memref_squeeze %dma_start3A_1079 : memref<1x128x64xf32, #tpu.memory_space<vmem>> -> memref<128x64xf32, #tpu.memory_space<vmem>>
    %dma_start3A_1081 = tpu.memref_slice %arg4[%add3A_1057, %mul3A_1075] : memref<204800x128xf32, #tpu.memory_space<hbm>> -> memref<128x64xf32, #tpu.memory_space<hbm>>
    %dma_start3A_1082 = tpu.memref_slice %arg4[%add3A_1057, %mul3A_1075] : memref<204800x128xf32, #tpu.memory_space<hbm>> -> memref<128x64xf32, #tpu.memory_space<hbm>>
    %dma_start3A_1083 = arith.constant 0 : i32
    %dma_start3A_1084 = arith.constant 0 : i32
    %dma_start3A_1085 = tpu.memref_slice %arg6[%dma_start3A_1076, %dma_start3A_1083, %dma_start3A_1084] : memref<5x128x64xf32, #tpu.memory_space<vmem>> -> memref<1x128x64xf32, #tpu.memory_space<vmem>>
    %dma_start3A_1086 = tpu.memref_squeeze %dma_start3A_1085 : memref<1x128x64xf32, #tpu.memory_space<vmem>> -> memref<128x64xf32, #tpu.memory_space<vmem>>
    tpu.enqueue_dma source(%dma_start3A_1086 : memref<128x64xf32, #tpu.memory_space<vmem>>) target(%dma_start3A_1082 : memref<128x64xf32, #tpu.memory_space<hbm>>) target_semaphore(%arg14 : memref<!tpu.dma_semaphore, #tpu.memory_space<semaphore_mem>>)
    %dma_wait3A_1087 = arith.constant 0 : i32
    %dma_wait3A_1088 = arith.constant 3 : i32
    %dma_wait3A_1089 = arith.constant 0 : i32
    %dma_wait3A_1090 = arith.constant 0 : i32
    %dma_wait3A_1091 = tpu.memref_slice %arg6[%dma_wait3A_1088, %dma_wait3A_1089, %dma_wait3A_1090] : memref<5x128x64xf32, #tpu.memory_space<vmem>> -> memref<1x128x64xf32, #tpu.memory_space<vmem>>
    %dma_wait3A_1092 = tpu.memref_squeeze %dma_wait3A_1091 : memref<1x128x64xf32, #tpu.memory_space<vmem>> -> memref<128x64xf32, #tpu.memory_space<vmem>>
    %dma_wait3A_1093 = arith.constant 0 : i32
    %dma_wait3A_1094 = tpu.memref_slice %arg5[%dma_wait3A_1087, %dma_wait3A_1093] : memref<100x128xi32, #tpu.memory_space<vmem>> -> memref<1x128xi32, #tpu.memory_space<vmem>>
    %dma_wait3A_1095 = tpu.memref_squeeze %dma_wait3A_1094 : memref<1x128xi32, #tpu.memory_space<vmem>> -> memref<128xi32, #tpu.memory_space<vmem>>
    %dma_wait3A_1096 = arith.constant 0 : i32
    %dma_wait3A_1097 = arith.constant 0 : i32
    %dma_wait3A_1098 = tpu.memref_slice %arg2[%dma_wait3A_1096, %dma_wait3A_1097] : memref<100000x64xf32, #tpu.memory_space<hbm>> -> memref<100000x64xf32, #tpu.memory_space<hbm>>
    tpu.wait_indirect_dma semaphore(%arg10 : memref<!tpu.dma_semaphore, #tpu.memory_space<semaphore_mem>>) src(%dma_wait3A_1098 : memref<100000x64xf32, #tpu.memory_space<hbm>>) dst(%dma_wait3A_1092 : memref<128x64xf32, #tpu.memory_space<vmem>>)
    %add3A_1099 = arith.constant 98 : i32
    %add3A_1100 = arith.addi %mul3A_2, %add3A_1099 : i32
    %jit3A_1101 = arith.constant 64 : i32
    %div3A_1102 = arith.divsi %add3A_1100, %jit3A_1101 : i32
    %sign3A_1103 = arith.constant 0 : i32
    %sign3A_1104 = arith.cmpi sgt, %add3A_1100, %sign3A_1103 : i32
    %sign3A_1105 = arith.extui %sign3A_1104 : i1 to i32
    %sign3A_1106 = arith.constant 0 : i32
    %sign3A_1107 = arith.cmpi slt, %add3A_1100, %sign3A_1106 : i32
    %sign3A_1108 = arith.extui %sign3A_1107 : i1 to i32
    %sign3A_1109 = arith.subi %sign3A_1105, %sign3A_1108 : i32
    %sign3A_1110 = arith.constant 0 : i32
    %sign3A_1111 = arith.cmpi sgt, %jit3A_1101, %sign3A_1110 : i32
    %sign3A_1112 = arith.extui %sign3A_1111 : i1 to i32
    %sign3A_1113 = arith.constant 0 : i32
    %sign3A_1114 = arith.cmpi slt, %jit3A_1101, %sign3A_1113 : i32
    %sign3A_1115 = arith.extui %sign3A_1114 : i1 to i32
    %sign3A_1116 = arith.subi %sign3A_1112, %sign3A_1115 : i32
    %ne3A_1117 = arith.cmpi ne, %sign3A_1109, %sign3A_1116 : i32
    %rem3A_1118 = arith.remsi %add3A_1100, %jit3A_1101 : i32
    %ne3A_1119 = arith.constant 0 : i32
    %ne3A_1120 = arith.cmpi ne, %rem3A_1118, %ne3A_1119 : i32
    %and3A_1121 = arith.andi %ne3A_1117, %ne3A_1120 : i1
    %sub3A_1122 = arith.constant 1 : i32
    %sub3A_1123 = arith.subi %div3A_1102, %sub3A_1122 : i32
    %select_n3A_1124 = arith.select %and3A_1121, %sub3A_1123, %div3A_1102 : i32
    %jit3A_1125 = arith.constant 64 : i32
    %eq3A_1126 = arith.constant 0 : i32
    %eq3A_1127 = arith.cmpi eq, %jit3A_1125, %eq3A_1126 : i32
    %jit3A_1128 = arith.constant 1 : i32
    %select_n3A_1129 = arith.select %eq3A_1127, %jit3A_1128, %jit3A_1125 : i32
    %rem3A_1130 = arith.remsi %add3A_1100, %select_n3A_1129 : i32
    %ne3A_1131 = arith.constant 0 : i32
    %ne3A_1132 = arith.cmpi ne, %rem3A_1130, %ne3A_1131 : i32
    %lt3A_1133 = arith.constant 0 : i32
    %lt3A_1134 = arith.cmpi slt, %rem3A_1130, %lt3A_1133 : i32
    %lt3A_1135 = arith.constant 0 : i32
    %lt3A_1136 = arith.cmpi slt, %select_n3A_1129, %lt3A_1135 : i32
    %ne3A_1137 = arith.xori %lt3A_1134, %lt3A_1136 : i1
    %and3A_1138 = arith.andi %ne3A_1137, %ne3A_1132 : i1
    %add3A_1139 = arith.addi %rem3A_1130, %select_n3A_1129 : i32
    %select_n3A_1140 = arith.select %and3A_1138, %add3A_1139, %rem3A_1130 : i32
    %mul3A_1141 = arith.constant 4096 : i32
    %mul3A_1142 = arith.muli %select_n3A_1124, %mul3A_1141 : i32
    %jit3A_1143 = arith.constant 2 : i32
    %div3A_1144 = arith.divsi %select_n3A_1140, %jit3A_1143 : i32
    %sign3A_1145 = arith.constant 0 : i32
    %sign3A_1146 = arith.cmpi sgt, %select_n3A_1140, %sign3A_1145 : i32
    %sign3A_1147 = arith.extui %sign3A_1146 : i1 to i32
    %sign3A_1148 = arith.constant 0 : i32
    %sign3A_1149 = arith.cmpi slt, %select_n3A_1140, %sign3A_1148 : i32
    %sign3A_1150 = arith.extui %sign3A_1149 : i1 to i32
    %sign3A_1151 = arith.subi %sign3A_1147, %sign3A_1150 : i32
    %sign3A_1152 = arith.constant 0 : i32
    %sign3A_1153 = arith.cmpi sgt, %jit3A_1143, %sign3A_1152 : i32
    %sign3A_1154 = arith.extui %sign3A_1153 : i1 to i32
    %sign3A_1155 = arith.constant 0 : i32
    %sign3A_1156 = arith.cmpi slt, %jit3A_1143, %sign3A_1155 : i32
    %sign3A_1157 = arith.extui %sign3A_1156 : i1 to i32
    %sign3A_1158 = arith.subi %sign3A_1154, %sign3A_1157 : i32
    %ne3A_1159 = arith.cmpi ne, %sign3A_1151, %sign3A_1158 : i32
    %rem3A_1160 = arith.remsi %select_n3A_1140, %jit3A_1143 : i32
    %ne3A_1161 = arith.constant 0 : i32
    %ne3A_1162 = arith.cmpi ne, %rem3A_1160, %ne3A_1161 : i32
    %and3A_1163 = arith.andi %ne3A_1159, %ne3A_1162 : i1
    %sub3A_1164 = arith.constant 1 : i32
    %sub3A_1165 = arith.subi %div3A_1144, %sub3A_1164 : i32
    %select_n3A_1166 = arith.select %and3A_1163, %sub3A_1165, %div3A_1144 : i32
    %mul3A_1167 = arith.constant 128 : i32
    %mul3A_1168 = arith.muli %select_n3A_1166, %mul3A_1167 : i32
    %add3A_1169 = arith.addi %mul3A_1142, %mul3A_1168 : i32
    %jit3A_1170 = arith.constant 2 : i32
    %eq3A_1171 = arith.constant 0 : i32
    %eq3A_1172 = arith.cmpi eq, %jit3A_1170, %eq3A_1171 : i32
    %jit3A_1173 = arith.constant 1 : i32
    %select_n3A_1174 = arith.select %eq3A_1172, %jit3A_1173, %jit3A_1170 : i32
    %rem3A_1175 = arith.remsi %select_n3A_1140, %select_n3A_1174 : i32
    %ne3A_1176 = arith.constant 0 : i32
    %ne3A_1177 = arith.cmpi ne, %rem3A_1175, %ne3A_1176 : i32
    %lt3A_1178 = arith.constant 0 : i32
    %lt3A_1179 = arith.cmpi slt, %rem3A_1175, %lt3A_1178 : i32
    %lt3A_1180 = arith.constant 0 : i32
    %lt3A_1181 = arith.cmpi slt, %select_n3A_1174, %lt3A_1180 : i32
    %ne3A_1182 = arith.xori %lt3A_1179, %lt3A_1181 : i1
    %and3A_1183 = arith.andi %ne3A_1182, %ne3A_1177 : i1
    %add3A_1184 = arith.addi %rem3A_1175, %select_n3A_1174 : i32
    %select_n3A_1185 = arith.select %and3A_1183, %add3A_1184, %rem3A_1175 : i32
    %mul3A_1186 = arith.constant 64 : i32
    %mul3A_1187 = arith.muli %select_n3A_1185, %mul3A_1186 : i32
    %dma_start3A_1188 = arith.constant 3 : i32
    %dma_start3A_1189 = arith.constant 0 : i32
    %dma_start3A_1190 = arith.constant 0 : i32
    %dma_start3A_1191 = tpu.memref_slice %arg6[%dma_start3A_1188, %dma_start3A_1189, %dma_start3A_1190] : memref<5x128x64xf32, #tpu.memory_space<vmem>> -> memref<1x128x64xf32, #tpu.memory_space<vmem>>
    %dma_start3A_1192 = tpu.memref_squeeze %dma_start3A_1191 : memref<1x128x64xf32, #tpu.memory_space<vmem>> -> memref<128x64xf32, #tpu.memory_space<vmem>>
    %dma_start3A_1193 = tpu.memref_slice %arg4[%add3A_1169, %mul3A_1187] : memref<204800x128xf32, #tpu.memory_space<hbm>> -> memref<128x64xf32, #tpu.memory_space<hbm>>
    %dma_start3A_1194 = tpu.memref_slice %arg4[%add3A_1169, %mul3A_1187] : memref<204800x128xf32, #tpu.memory_space<hbm>> -> memref<128x64xf32, #tpu.memory_space<hbm>>
    %dma_start3A_1195 = arith.constant 0 : i32
    %dma_start3A_1196 = arith.constant 0 : i32
    %dma_start3A_1197 = tpu.memref_slice %arg6[%dma_start3A_1188, %dma_start3A_1195, %dma_start3A_1196] : memref<5x128x64xf32, #tpu.memory_space<vmem>> -> memref<1x128x64xf32, #tpu.memory_space<vmem>>
    %dma_start3A_1198 = tpu.memref_squeeze %dma_start3A_1197 : memref<1x128x64xf32, #tpu.memory_space<vmem>> -> memref<128x64xf32, #tpu.memory_space<vmem>>
    tpu.enqueue_dma source(%dma_start3A_1198 : memref<128x64xf32, #tpu.memory_space<vmem>>) target(%dma_start3A_1194 : memref<128x64xf32, #tpu.memory_space<hbm>>) target_semaphore(%arg15 : memref<!tpu.dma_semaphore, #tpu.memory_space<semaphore_mem>>)
    %dma_wait3A_1199 = arith.constant 0 : i32
    %dma_wait3A_1200 = arith.constant 4 : i32
    %dma_wait3A_1201 = arith.constant 0 : i32
    %dma_wait3A_1202 = arith.constant 0 : i32
    %dma_wait3A_1203 = tpu.memref_slice %arg6[%dma_wait3A_1200, %dma_wait3A_1201, %dma_wait3A_1202] : memref<5x128x64xf32, #tpu.memory_space<vmem>> -> memref<1x128x64xf32, #tpu.memory_space<vmem>>
    %dma_wait3A_1204 = tpu.memref_squeeze %dma_wait3A_1203 : memref<1x128x64xf32, #tpu.memory_space<vmem>> -> memref<128x64xf32, #tpu.memory_space<vmem>>
    %dma_wait3A_1205 = arith.constant 0 : i32
    %dma_wait3A_1206 = tpu.memref_slice %arg5[%dma_wait3A_1199, %dma_wait3A_1205] : memref<100x128xi32, #tpu.memory_space<vmem>> -> memref<1x128xi32, #tpu.memory_space<vmem>>
    %dma_wait3A_1207 = tpu.memref_squeeze %dma_wait3A_1206 : memref<1x128xi32, #tpu.memory_space<vmem>> -> memref<128xi32, #tpu.memory_space<vmem>>
    %dma_wait3A_1208 = arith.constant 0 : i32
    %dma_wait3A_1209 = arith.constant 0 : i32
    %dma_wait3A_1210 = tpu.memref_slice %arg2[%dma_wait3A_1208, %dma_wait3A_1209] : memref<100000x64xf32, #tpu.memory_space<hbm>> -> memref<100000x64xf32, #tpu.memory_space<hbm>>
    tpu.wait_indirect_dma semaphore(%arg11 : memref<!tpu.dma_semaphore, #tpu.memory_space<semaphore_mem>>) src(%dma_wait3A_1210 : memref<100000x64xf32, #tpu.memory_space<hbm>>) dst(%dma_wait3A_1204 : memref<128x64xf32, #tpu.memory_space<vmem>>)
    %add3A_1211 = arith.constant 99 : i32
    %add3A_1212 = arith.addi %mul3A_2, %add3A_1211 : i32
    %jit3A_1213 = arith.constant 64 : i32
    %div3A_1214 = arith.divsi %add3A_1212, %jit3A_1213 : i32
    %sign3A_1215 = arith.constant 0 : i32
    %sign3A_1216 = arith.cmpi sgt, %add3A_1212, %sign3A_1215 : i32
    %sign3A_1217 = arith.extui %sign3A_1216 : i1 to i32
    %sign3A_1218 = arith.constant 0 : i32
    %sign3A_1219 = arith.cmpi slt, %add3A_1212, %sign3A_1218 : i32
    %sign3A_1220 = arith.extui %sign3A_1219 : i1 to i32
    %sign3A_1221 = arith.subi %sign3A_1217, %sign3A_1220 : i32
    %sign3A_1222 = arith.constant 0 : i32
    %sign3A_1223 = arith.cmpi sgt, %jit3A_1213, %sign3A_1222 : i32
    %sign3A_1224 = arith.extui %sign3A_1223 : i1 to i32
    %sign3A_1225 = arith.constant 0 : i32
    %sign3A_1226 = arith.cmpi slt, %jit3A_1213, %sign3A_1225 : i32
    %sign3A_1227 = arith.extui %sign3A_1226 : i1 to i32
    %sign3A_1228 = arith.subi %sign3A_1224, %sign3A_1227 : i32
    %ne3A_1229 = arith.cmpi ne, %sign3A_1221, %sign3A_1228 : i32
    %rem3A_1230 = arith.remsi %add3A_1212, %jit3A_1213 : i32
    %ne3A_1231 = arith.constant 0 : i32
    %ne3A_1232 = arith.cmpi ne, %rem3A_1230, %ne3A_1231 : i32
    %and3A_1233 = arith.andi %ne3A_1229, %ne3A_1232 : i1
    %sub3A_1234 = arith.constant 1 : i32
    %sub3A_1235 = arith.subi %div3A_1214, %sub3A_1234 : i32
    %select_n3A_1236 = arith.select %and3A_1233, %sub3A_1235, %div3A_1214 : i32
    %jit3A_1237 = arith.constant 64 : i32
    %eq3A_1238 = arith.constant 0 : i32
    %eq3A_1239 = arith.cmpi eq, %jit3A_1237, %eq3A_1238 : i32
    %jit3A_1240 = arith.constant 1 : i32
    %select_n3A_1241 = arith.select %eq3A_1239, %jit3A_1240, %jit3A_1237 : i32
    %rem3A_1242 = arith.remsi %add3A_1212, %select_n3A_1241 : i32
    %ne3A_1243 = arith.constant 0 : i32
    %ne3A_1244 = arith.cmpi ne, %rem3A_1242, %ne3A_1243 : i32
    %lt3A_1245 = arith.constant 0 : i32
    %lt3A_1246 = arith.cmpi slt, %rem3A_1242, %lt3A_1245 : i32
    %lt3A_1247 = arith.constant 0 : i32
    %lt3A_1248 = arith.cmpi slt, %select_n3A_1241, %lt3A_1247 : i32
    %ne3A_1249 = arith.xori %lt3A_1246, %lt3A_1248 : i1
    %and3A_1250 = arith.andi %ne3A_1249, %ne3A_1244 : i1
    %add3A_1251 = arith.addi %rem3A_1242, %select_n3A_1241 : i32
    %select_n3A_1252 = arith.select %and3A_1250, %add3A_1251, %rem3A_1242 : i32
    %mul3A_1253 = arith.constant 4096 : i32
    %mul3A_1254 = arith.muli %select_n3A_1236, %mul3A_1253 : i32
    %jit3A_1255 = arith.constant 2 : i32
    %div3A_1256 = arith.divsi %select_n3A_1252, %jit3A_1255 : i32
    %sign3A_1257 = arith.constant 0 : i32
    %sign3A_1258 = arith.cmpi sgt, %select_n3A_1252, %sign3A_1257 : i32
    %sign3A_1259 = arith.extui %sign3A_1258 : i1 to i32
    %sign3A_1260 = arith.constant 0 : i32
    %sign3A_1261 = arith.cmpi slt, %select_n3A_1252, %sign3A_1260 : i32
    %sign3A_1262 = arith.extui %sign3A_1261 : i1 to i32
    %sign3A_1263 = arith.subi %sign3A_1259, %sign3A_1262 : i32
    %sign3A_1264 = arith.constant 0 : i32
    %sign3A_1265 = arith.cmpi sgt, %jit3A_1255, %sign3A_1264 : i32
    %sign3A_1266 = arith.extui %sign3A_1265 : i1 to i32
    %sign3A_1267 = arith.constant 0 : i32
    %sign3A_1268 = arith.cmpi slt, %jit3A_1255, %sign3A_1267 : i32
    %sign3A_1269 = arith.extui %sign3A_1268 : i1 to i32
    %sign3A_1270 = arith.subi %sign3A_1266, %sign3A_1269 : i32
    %ne3A_1271 = arith.cmpi ne, %sign3A_1263, %sign3A_1270 : i32
    %rem3A_1272 = arith.remsi %select_n3A_1252, %jit3A_1255 : i32
    %ne3A_1273 = arith.constant 0 : i32
    %ne3A_1274 = arith.cmpi ne, %rem3A_1272, %ne3A_1273 : i32
    %and3A_1275 = arith.andi %ne3A_1271, %ne3A_1274 : i1
    %sub3A_1276 = arith.constant 1 : i32
    %sub3A_1277 = arith.subi %div3A_1256, %sub3A_1276 : i32
    %select_n3A_1278 = arith.select %and3A_1275, %sub3A_1277, %div3A_1256 : i32
    %mul3A_1279 = arith.constant 128 : i32
    %mul3A_1280 = arith.muli %select_n3A_1278, %mul3A_1279 : i32
    %add3A_1281 = arith.addi %mul3A_1254, %mul3A_1280 : i32
    %jit3A_1282 = arith.constant 2 : i32
    %eq3A_1283 = arith.constant 0 : i32
    %eq3A_1284 = arith.cmpi eq, %jit3A_1282, %eq3A_1283 : i32
    %jit3A_1285 = arith.constant 1 : i32
    %select_n3A_1286 = arith.select %eq3A_1284, %jit3A_1285, %jit3A_1282 : i32
    %rem3A_1287 = arith.remsi %select_n3A_1252, %select_n3A_1286 : i32
    %ne3A_1288 = arith.constant 0 : i32
    %ne3A_1289 = arith.cmpi ne, %rem3A_1287, %ne3A_1288 : i32
    %lt3A_1290 = arith.constant 0 : i32
    %lt3A_1291 = arith.cmpi slt, %rem3A_1287, %lt3A_1290 : i32
    %lt3A_1292 = arith.constant 0 : i32
    %lt3A_1293 = arith.cmpi slt, %select_n3A_1286, %lt3A_1292 : i32
    %ne3A_1294 = arith.xori %lt3A_1291, %lt3A_1293 : i1
    %and3A_1295 = arith.andi %ne3A_1294, %ne3A_1289 : i1
    %add3A_1296 = arith.addi %rem3A_1287, %select_n3A_1286 : i32
    %select_n3A_1297 = arith.select %and3A_1295, %add3A_1296, %rem3A_1287 : i32
    %mul3A_1298 = arith.constant 64 : i32
    %mul3A_1299 = arith.muli %select_n3A_1297, %mul3A_1298 : i32
    %dma_start3A_1300 = arith.constant 4 : i32
    %dma_start3A_1301 = arith.constant 0 : i32
    %dma_start3A_1302 = arith.constant 0 : i32
    %dma_start3A_1303 = tpu.memref_slice %arg6[%dma_start3A_1300, %dma_start3A_1301, %dma_start3A_1302] : memref<5x128x64xf32, #tpu.memory_space<vmem>> -> memref<1x128x64xf32, #tpu.memory_space<vmem>>
    %dma_start3A_1304 = tpu.memref_squeeze %dma_start3A_1303 : memref<1x128x64xf32, #tpu.memory_space<vmem>> -> memref<128x64xf32, #tpu.memory_space<vmem>>
    %dma_start3A_1305 = tpu.memref_slice %arg4[%add3A_1281, %mul3A_1299] : memref<204800x128xf32, #tpu.memory_space<hbm>> -> memref<128x64xf32, #tpu.memory_space<hbm>>
    %dma_start3A_1306 = tpu.memref_slice %arg4[%add3A_1281, %mul3A_1299] : memref<204800x128xf32, #tpu.memory_space<hbm>> -> memref<128x64xf32, #tpu.memory_space<hbm>>
    %dma_start3A_1307 = arith.constant 0 : i32
    %dma_start3A_1308 = arith.constant 0 : i32
    %dma_start3A_1309 = tpu.memref_slice %arg6[%dma_start3A_1300, %dma_start3A_1307, %dma_start3A_1308] : memref<5x128x64xf32, #tpu.memory_space<vmem>> -> memref<1x128x64xf32, #tpu.memory_space<vmem>>
    %dma_start3A_1310 = tpu.memref_squeeze %dma_start3A_1309 : memref<1x128x64xf32, #tpu.memory_space<vmem>> -> memref<128x64xf32, #tpu.memory_space<vmem>>
    tpu.enqueue_dma source(%dma_start3A_1310 : memref<128x64xf32, #tpu.memory_space<vmem>>) target(%dma_start3A_1306 : memref<128x64xf32, #tpu.memory_space<hbm>>) target_semaphore(%arg16 : memref<!tpu.dma_semaphore, #tpu.memory_space<semaphore_mem>>)
    %dma_wait3A_1311 = arith.constant 0 : i32
    %dma_wait3A_1312 = arith.constant 0 : i32
    %dma_wait3A_1313 = arith.constant 0 : i32
    %dma_wait3A_1314 = tpu.memref_slice %arg6[%dma_wait3A_1311, %dma_wait3A_1312, %dma_wait3A_1313] : memref<5x128x64xf32, #tpu.memory_space<vmem>> -> memref<1x128x64xf32, #tpu.memory_space<vmem>>
    %dma_wait3A_1315 = tpu.memref_squeeze %dma_wait3A_1314 : memref<1x128x64xf32, #tpu.memory_space<vmem>> -> memref<128x64xf32, #tpu.memory_space<vmem>>
    %dma_wait3A_1316 = arith.constant 0 : i32
    %dma_wait3A_1317 = arith.constant 0 : i32
    %dma_wait3A_1318 = tpu.memref_slice %arg4[%dma_wait3A_1316, %dma_wait3A_1317] : memref<204800x128xf32, #tpu.memory_space<hbm>> -> memref<128x64xf32, #tpu.memory_space<hbm>>
    %dma_wait3A_1319 = arith.constant 0 : i32
    %dma_wait3A_1320 = arith.constant 0 : i32
    %dma_wait3A_1321 = tpu.memref_slice %arg4[%dma_wait3A_1319, %dma_wait3A_1320] : memref<204800x128xf32, #tpu.memory_space<hbm>> -> memref<128x64xf32, #tpu.memory_space<hbm>>
    %dma_wait3A_1322 = arith.constant 0 : i32
    %dma_wait3A_1323 = arith.constant 0 : i32
    %dma_wait3A_1324 = tpu.memref_slice %arg6[%dma_wait3A_1311, %dma_wait3A_1322, %dma_wait3A_1323] : memref<5x128x64xf32, #tpu.memory_space<vmem>> -> memref<1x128x64xf32, #tpu.memory_space<vmem>>
    %dma_wait3A_1325 = tpu.memref_squeeze %dma_wait3A_1324 : memref<1x128x64xf32, #tpu.memory_space<vmem>> -> memref<128x64xf32, #tpu.memory_space<vmem>>
    tpu.wait_dma2 semaphore(%arg12 : memref<!tpu.dma_semaphore, #tpu.memory_space<semaphore_mem>>) src(%dma_wait3A_1325 : memref<128x64xf32, #tpu.memory_space<vmem>>) dst(%dma_wait3A_1321 : memref<128x64xf32, #tpu.memory_space<hbm>>)
    %dma_wait3A_1326 = arith.constant 1 : i32
    %dma_wait3A_1327 = arith.constant 0 : i32
    %dma_wait3A_1328 = arith.constant 0 : i32
    %dma_wait3A_1329 = tpu.memref_slice %arg6[%dma_wait3A_1326, %dma_wait3A_1327, %dma_wait3A_1328] : memref<5x128x64xf32, #tpu.memory_space<vmem>> -> memref<1x128x64xf32, #tpu.memory_space<vmem>>
    %dma_wait3A_1330 = tpu.memref_squeeze %dma_wait3A_1329 : memref<1x128x64xf32, #tpu.memory_space<vmem>> -> memref<128x64xf32, #tpu.memory_space<vmem>>
    %dma_wait3A_1331 = arith.constant 0 : i32
    %dma_wait3A_1332 = arith.constant 0 : i32
    %dma_wait3A_1333 = tpu.memref_slice %arg4[%dma_wait3A_1331, %dma_wait3A_1332] : memref<204800x128xf32, #tpu.memory_space<hbm>> -> memref<128x64xf32, #tpu.memory_space<hbm>>
    %dma_wait3A_1334 = arith.constant 0 : i32
    %dma_wait3A_1335 = arith.constant 0 : i32
    %dma_wait3A_1336 = tpu.memref_slice %arg4[%dma_wait3A_1334, %dma_wait3A_1335] : memref<204800x128xf32, #tpu.memory_space<hbm>> -> memref<128x64xf32, #tpu.memory_space<hbm>>
    %dma_wait3A_1337 = arith.constant 0 : i32
    %dma_wait3A_1338 = arith.constant 0 : i32
    %dma_wait3A_1339 = tpu.memref_slice %arg6[%dma_wait3A_1326, %dma_wait3A_1337, %dma_wait3A_1338] : memref<5x128x64xf32, #tpu.memory_space<vmem>> -> memref<1x128x64xf32, #tpu.memory_space<vmem>>
    %dma_wait3A_1340 = tpu.memref_squeeze %dma_wait3A_1339 : memref<1x128x64xf32, #tpu.memory_space<vmem>> -> memref<128x64xf32, #tpu.memory_space<vmem>>
    tpu.wait_dma2 semaphore(%arg13 : memref<!tpu.dma_semaphore, #tpu.memory_space<semaphore_mem>>) src(%dma_wait3A_1340 : memref<128x64xf32, #tpu.memory_space<vmem>>) dst(%dma_wait3A_1336 : memref<128x64xf32, #tpu.memory_space<hbm>>)
    %dma_wait3A_1341 = arith.constant 2 : i32
    %dma_wait3A_1342 = arith.constant 0 : i32
    %dma_wait3A_1343 = arith.constant 0 : i32
    %dma_wait3A_1344 = tpu.memref_slice %arg6[%dma_wait3A_1341, %dma_wait3A_1342, %dma_wait3A_1343] : memref<5x128x64xf32, #tpu.memory_space<vmem>> -> memref<1x128x64xf32, #tpu.memory_space<vmem>>
    %dma_wait3A_1345 = tpu.memref_squeeze %dma_wait3A_1344 : memref<1x128x64xf32, #tpu.memory_space<vmem>> -> memref<128x64xf32, #tpu.memory_space<vmem>>
    %dma_wait3A_1346 = arith.constant 0 : i32
    %dma_wait3A_1347 = arith.constant 0 : i32
    %dma_wait3A_1348 = tpu.memref_slice %arg4[%dma_wait3A_1346, %dma_wait3A_1347] : memref<204800x128xf32, #tpu.memory_space<hbm>> -> memref<128x64xf32, #tpu.memory_space<hbm>>
    %dma_wait3A_1349 = arith.constant 0 : i32
    %dma_wait3A_1350 = arith.constant 0 : i32
    %dma_wait3A_1351 = tpu.memref_slice %arg4[%dma_wait3A_1349, %dma_wait3A_1350] : memref<204800x128xf32, #tpu.memory_space<hbm>> -> memref<128x64xf32, #tpu.memory_space<hbm>>
    %dma_wait3A_1352 = arith.constant 0 : i32
    %dma_wait3A_1353 = arith.constant 0 : i32
    %dma_wait3A_1354 = tpu.memref_slice %arg6[%dma_wait3A_1341, %dma_wait3A_1352, %dma_wait3A_1353] : memref<5x128x64xf32, #tpu.memory_space<vmem>> -> memref<1x128x64xf32, #tpu.memory_space<vmem>>
    %dma_wait3A_1355 = tpu.memref_squeeze %dma_wait3A_1354 : memref<1x128x64xf32, #tpu.memory_space<vmem>> -> memref<128x64xf32, #tpu.memory_space<vmem>>
    tpu.wait_dma2 semaphore(%arg14 : memref<!tpu.dma_semaphore, #tpu.memory_space<semaphore_mem>>) src(%dma_wait3A_1355 : memref<128x64xf32, #tpu.memory_space<vmem>>) dst(%dma_wait3A_1351 : memref<128x64xf32, #tpu.memory_space<hbm>>)
    %dma_wait3A_1356 = arith.constant 3 : i32
    %dma_wait3A_1357 = arith.constant 0 : i32
    %dma_wait3A_1358 = arith.constant 0 : i32
    %dma_wait3A_1359 = tpu.memref_slice %arg6[%dma_wait3A_1356, %dma_wait3A_1357, %dma_wait3A_1358] : memref<5x128x64xf32, #tpu.memory_space<vmem>> -> memref<1x128x64xf32, #tpu.memory_space<vmem>>
    %dma_wait3A_1360 = tpu.memref_squeeze %dma_wait3A_1359 : memref<1x128x64xf32, #tpu.memory_space<vmem>> -> memref<128x64xf32, #tpu.memory_space<vmem>>
    %dma_wait3A_1361 = arith.constant 0 : i32
    %dma_wait3A_1362 = arith.constant 0 : i32
    %dma_wait3A_1363 = tpu.memref_slice %arg4[%dma_wait3A_1361, %dma_wait3A_1362] : memref<204800x128xf32, #tpu.memory_space<hbm>> -> memref<128x64xf32, #tpu.memory_space<hbm>>
    %dma_wait3A_1364 = arith.constant 0 : i32
    %dma_wait3A_1365 = arith.constant 0 : i32
    %dma_wait3A_1366 = tpu.memref_slice %arg4[%dma_wait3A_1364, %dma_wait3A_1365] : memref<204800x128xf32, #tpu.memory_space<hbm>> -> memref<128x64xf32, #tpu.memory_space<hbm>>
    %dma_wait3A_1367 = arith.constant 0 : i32
    %dma_wait3A_1368 = arith.constant 0 : i32
    %dma_wait3A_1369 = tpu.memref_slice %arg6[%dma_wait3A_1356, %dma_wait3A_1367, %dma_wait3A_1368] : memref<5x128x64xf32, #tpu.memory_space<vmem>> -> memref<1x128x64xf32, #tpu.memory_space<vmem>>
    %dma_wait3A_1370 = tpu.memref_squeeze %dma_wait3A_1369 : memref<1x128x64xf32, #tpu.memory_space<vmem>> -> memref<128x64xf32, #tpu.memory_space<vmem>>
    tpu.wait_dma2 semaphore(%arg15 : memref<!tpu.dma_semaphore, #tpu.memory_space<semaphore_mem>>) src(%dma_wait3A_1370 : memref<128x64xf32, #tpu.memory_space<vmem>>) dst(%dma_wait3A_1366 : memref<128x64xf32, #tpu.memory_space<hbm>>)
    %dma_wait3A_1371 = arith.constant 4 : i32
    %dma_wait3A_1372 = arith.constant 0 : i32
    %dma_wait3A_1373 = arith.constant 0 : i32
    %dma_wait3A_1374 = tpu.memref_slice %arg6[%dma_wait3A_1371, %dma_wait3A_1372, %dma_wait3A_1373] : memref<5x128x64xf32, #tpu.memory_space<vmem>> -> memref<1x128x64xf32, #tpu.memory_space<vmem>>
    %dma_wait3A_1375 = tpu.memref_squeeze %dma_wait3A_1374 : memref<1x128x64xf32, #tpu.memory_space<vmem>> -> memref<128x64xf32, #tpu.memory_space<vmem>>
    %dma_wait3A_1376 = arith.constant 0 : i32
    %dma_wait3A_1377 = arith.constant 0 : i32
    %dma_wait3A_1378 = tpu.memref_slice %arg4[%dma_wait3A_1376, %dma_wait3A_1377] : memref<204800x128xf32, #tpu.memory_space<hbm>> -> memref<128x64xf32, #tpu.memory_space<hbm>>
    %dma_wait3A_1379 = arith.constant 0 : i32
    %dma_wait3A_1380 = arith.constant 0 : i32
    %dma_wait3A_1381 = tpu.memref_slice %arg4[%dma_wait3A_1379, %dma_wait3A_1380] : memref<204800x128xf32, #tpu.memory_space<hbm>> -> memref<128x64xf32, #tpu.memory_space<hbm>>
    %dma_wait3A_1382 = arith.constant 0 : i32
    %dma_wait3A_1383 = arith.constant 0 : i32
    %dma_wait3A_1384 = tpu.memref_slice %arg6[%dma_wait3A_1371, %dma_wait3A_1382, %dma_wait3A_1383] : memref<5x128x64xf32, #tpu.memory_space<vmem>> -> memref<1x128x64xf32, #tpu.memory_space<vmem>>
    %dma_wait3A_1385 = tpu.memref_squeeze %dma_wait3A_1384 : memref<1x128x64xf32, #tpu.memory_space<vmem>> -> memref<128x64xf32, #tpu.memory_space<vmem>>
    tpu.wait_dma2 semaphore(%arg16 : memref<!tpu.dma_semaphore, #tpu.memory_space<semaphore_mem>>) src(%dma_wait3A_1385 : memref<128x64xf32, #tpu.memory_space<vmem>>) dst(%dma_wait3A_1381 : memref<128x64xf32, #tpu.memory_space<hbm>>)
    return
  }
}

</mosaic_0001>

<sc_bundles>
// kernel: _dual_embed.3.cloned.1.call-start
scs
__scs_entry_jumppad:
0x0: {  	(pc) =	sbr.rel $0x88, $3  }
0x1: {  	(tag) =	ssettag $0x0;
	lr =	simm.s32 $0x1  }
0x2: {  	[smem:$0x3F9F] =	sst lr;
	_ =	strace $0xD0000000  }
0x3: {  	_ = 	snop  }
0x4: {  	_ = 	snop  }
0x5: {  	_ = 	snop  }
0x6: {  	_ = 	snop  }
0x7: {  	_ = 	snop  }
__scs_overlays_trampoline_lowered:
0x8: {  	[smem:$0x3FAE] =	sst s0  }
0x9: {  	[smem:$0x3FAF] =	sst s1  }
0xa: {  	[smem:$0x3FB0] =	sst s2  }
0xb: {  	[smem:$0x3FB1] =	sst s3  }
0xc: {  	[smem:$0x3FB2] =	sst s4  }
0xd: {  	[smem:$0x3FB3] =	sst s5  }
0xe: {  	[smem:$0x3FB4] =	sst s6  }
0xf: {  	[smem:$0x3FB5] =	sst s7  }
0x10: {  	[smem:$0x3FB6] =	sst s8  }
0x11: {  	[smem:$0x3FB7] =	sst s9;
	s0 =	simm.s32 @!p0 $0x0  }
0x12: {  	s1 =	sld [smem:$0x3F9D];
	s0 =	simm.s32 @p0 $0x1  }
0x13: {  	[smem:$0x3FB8] =	sst s0;
	s0 =	simm.s32 @!p1 $0x0  }
0x14: {  	s2 =	sld [smem:$0x3F9C];
	s0 =	simm.s32 @p1 $0x1  }
0x15: {  	[smem:$0x3FB9] =	sst s0;
	s0 =	simm.s32 @!p2 $0x0  }
0x16: {  	s3 =	sld [smem:$0x3FDB];
	s0 =	simm.s32 @p2 $0x1  }
0x17: {  	s4 =	simm.s32 $0x1BF5;
	[smem:$0x3FBB] =	sst s0  }
0x18: {  	s0 =	sld [smem:$0x3F9E];
	_ =	swait.ge [sflag:s4], $0x0  }
0x19: {  	s7 =	sld [smem:$0x3F9F]  }
0x1a: {  	s8 =	sadd.s32 $0xFFFFE003, lr  }
0x1b: {  	s9 =	sadd.s32 $0xFFFFFEF7, lr;
	s5 =	simm.s32 $0xFFFFFFFF;
	p2 =	slt.u32 s8, $0xFFFFF086  }
0x1c: {  	p1 =	slt.u32 s9, $0xF7A;
	s5 =	simm.s32 @!p2 $0x0  }
0x1d: {  	s5 =	simm.s32 @p1 $0x1;
	p0 =	seq.s32 s7, s2  }
0x1e: {  	s7 =	smul.u32 @!p0 $0xF7A, s2;
	p2 =	seq.s32 @!p0 s5, $0x0  }
0x1f: {  	s9 =	smul.u32 $0xF7A, s1;
	s8 =	simm.s32 @!p0 $0x1BF5;
	p2 =	por !p2, p0  }
0x20: {  	[sflag:s8] =	ssyncset.s32 @!p0 $0xFFFFF086;
	s6 =	sadd.s32 @!p0 s3, s7;
	s7 =	simm.s32 @!p0 $0x108  }
0x21: {  	s3 =	sadd.s32 s3, s9;
	s6 =	sadd.s32 @!p0 $0x88, s6;
	s7 =	simm.s32 @p2 $0x1082  }
0x22: {  	[simem:s7], [sflag:s8] =	dma.local @!p0 [hbm:s6], $0xF7A  }
0x23: {  	s9 =	sor.u32 $0xD0000000, s2;
	s6 =	simm.s32 $0x108;
	_ =	swait.ge @!p0 [sflag:s8], $0x0  }
0x24: {  	s3 =	sadd.s32 $0x88, s3;
	s6 =	simm.s32 @!p1 $0x1082;
	[sflag:s4] =	ssyncset.s32 $0xFFFFF086  }
0x25: {  	[simem:s6], [sflag:s4] =	dma.local [hbm:s3], $0xF7A  }
0x26: {  	[smem:$0x3F9F] =	sst s1;
	(tag) =	ssettag s2;
	_ =	strace s9  }
0x27: {  	s1 =	sld [smem:$0x3FAF]  }
0x28: {  	s2 =	sld [smem:$0x3FB0]  }
0x29: {  	s4 =	sld [smem:$0x3FB2]  }
0x2a: {  	p0 =	seq.s32 s5, $0x0;
	s5 =	sld [smem:$0x3FB3]  }
0x2b: {  	s6 =	sld [smem:$0x3FB4]  }
0x2c: {  	s7 =	sld [smem:$0x3FB5]  }
0x2d: {  	s3 =	simm.s32 $0x108;
	s8 =	sld [smem:$0x3FB6]  }
0x2e: {  	s3 =	simm.s32 @!p0 $0x1082;
	s9 =	sld [smem:$0x3FB7]  }
0x2f: {  	lr =	sadd.s32 s0, s3;
	s0 =	sld [smem:$0x3FAE]  }
0x30: {  	s3 =	sld [smem:$0x3FB1]  }
0x31: {  	[smem:$0x3FBA] =	sst s10  }
0x32: {  	s10 =	sld [smem:$0x3FB8];
	_ =	sdelay $0x3  }
0x33: {  	p0 =	seq.s32 s10, $0x1;
	s10 =	sld [smem:$0x3FBA];
	_ =	sdelay $0x3  }
0x34: {  	[smem:$0x3FBA] =	sst s10  }
0x35: {  	s10 =	sld [smem:$0x3FB9];
	_ =	sdelay $0x3  }
0x36: {  	p1 =	seq.s32 s10, $0x1;
	s10 =	sld [smem:$0x3FBA];
	_ =	sdelay $0x3  }
0x37: {  	[smem:$0x3FBA] =	sst s10  }
0x38: {  	s10 =	sld [smem:$0x3FBB]  }
0x39: {  	_ = 	snop;
	(pc) =	sbr.ind lr, $3  }
0x3a: {  	_ = 	snop  }
0x3b: {  	_ = 	snop  }
0x3c: {  	p2 =	seq.s32 s10, $0x1;
	s10 =	sld [smem:$0x3FBA]  }
0x3d: {  	_ =	shalt  }
0x3e: {  	_ =	shalt  }
0x3f: {  	_ =	shalt  }
0x40: {  	_ =	shalt  }
0x41: {  	_ =	shalt  }
0x42: {  	_ =	shalt  }
0x43: {  	_ =	shalt  }
0x44: {  	_ =	shalt  }
0x45: {  	_ =	shalt  }
0x46: {  	_ =	shalt  }
0x47: {  	_ =	shalt  }
0x48: {  	_ =	shalt  }
0x49: {  	_ =	shalt  }
0x4a: {  	_ =	shalt  }
0x4b: {  	_ =	shalt  }
0x4c: {  	_ =	shalt  }
0x4d: {  	_ =	shalt  }
0x4e: {  	_ =	shalt  }
0x4f: {  	_ =	shalt  }
0x50: {  	_ =	shalt  }
0x51: {  	_ =	shalt  }
0x52: {  	_ =	shalt  }
0x53: {  	_ =	shalt  }
0x54: {  	_ =	shalt  }
0x55: {  	_ =	shalt  }
0x56: {  	_ =	shalt  }
0x57: {  	_ =	shalt  }
0x58: {  	_ =	shalt  }
0x59: {  	_ =	shalt  }
0x5a: {  	_ =	shalt  }
0x5b: {  	_ =	shalt  }
0x5c: {  	_ =	shalt  }
0x5d: {  	_ =	shalt  }
0x5e: {  	_ =	shalt  }
0x5f: {  	_ =	shalt  }
0x60: {  	_ =	shalt  }
0x61: {  	_ =	shalt  }
0x62: {  	_ =	shalt  }
0x63: {  	_ =	shalt  }
0x64: {  	_ =	shalt  }
0x65: {  	_ =	shalt  }
0x66: {  	_ =	shalt  }
0x67: {  	_ =	shalt  }
0x68: {  	_ =	shalt  }
0x69: {  	_ =	shalt  }
0x6a: {  	_ =	shalt  }
0x6b: {  	_ =	shalt  }
0x6c: {  	_ =	shalt  }
0x6d: {  	_ =	shalt  }
0x6e: {  	_ =	shalt  }
0x6f: {  	_ =	shalt  }
0x70: {  	_ =	shalt  }
0x71: {  	_ =	shalt  }
0x72: {  	_ =	shalt  }
0x73: {  	_ =	shalt  }
0x74: {  	_ =	shalt  }
0x75: {  	_ =	shalt  }
0x76: {  	_ =	shalt  }
0x77: {  	_ =	shalt  }
0x78: {  	_ =	shalt  }
0x79: {  	_ =	shalt  }
0x7a: {  	_ =	shalt  }
0x7b: {  	_ =	shalt  }
0x7c: {  	_ =	shalt  }
0x7d: {  	_ =	shalt  }
0x7e: {  	_ =	shalt  }
0x7f: {  	_ =	shalt  }
0x80: {  	_ =	shalt  }
0x81: {  	_ =	shalt  }
0x82: {  	_ =	shalt  }
0x83: {  	_ =	shalt  }
0x84: {  	_ =	shalt  }
0x85: {  	_ =	shalt  }
0x86: {  	_ =	shalt  }
0x87: {  	_ =	shalt  }
.Lfunc_end0:
.L_simem_size_0:
called_computation_lowered:
.L_overlay_start_0:
0x88: {  	s2 =	sld [smem:$0x3FD9]  }
0x89: {  	s3 =	sld [smem:$0x3FFE];
	_ =	sdelay $0x1  }
0x8a: {  	s1 =	srdreg.scid  }
0x8b: {  	s0 =	sand.u32 $0x1, s1  }
0x8c: {  	s17 =	sshll.u32 s0, $0xA;
	s2 =	sadd.s32 s3, s2  }
0x8d: {  	s2 =	sadd.s32 s2, s17  }
0x8e: {  	[smem:$0x3FC6] =	sst s2  }
0x8f: {  	_ = 	snop  }
0x90: {  	s2 =	sld [smem:$0x3FC8]  }
0x91: {  	s18 =	sld [smem:$0x3FD0];
	(tm) =	ssettm $0x1  }
0x92: {  	s4 =	sld [smem:$0x3FFB];
	_ =	sdelay $0x3  }
0x93: {  	_ =	strace s4  }
0x94: {  	s4 =	sld [smem:$0x3FFC];
	_ =	sdelay $0x3  }
0x95: {  	_ =	strace s4  }
0x96: {  	s4 =	sld [smem:$0x3FFD];
	_ =	sdelay $0x3  }
0x97: {  	_ =	strace s4  }
0x98: {  	_ =	strace $0x8FFFFFFF  }
0x99: {  	s19 =	sld [smem:$0x3FDB];
	_ =	sdelay $0x1  }
0x9a: {  	s5 =	simm.s32 $_scs_section_size  }
0x9b: {  	s6 =	simm.s32 $_size__tile_overlayer_lowered;
	s7 =	simm.s32 $_tile_overlayer_lowered  }
0x9c: {  	s22 =	simm.s32 $0x1BFF;
	s21 =	sshll.u32 s7, $0x1;
	s4 =	sadd.s32 s5, s19  }
0x9d: {  	s8 =	simm.s32 $0x0;
	s20 =	sshll.u32 s6, $0x1;
	s6 =	sadd.s32 s21, s4  }
0x9e: {  	[timem:s8], [sflag:s22] =	dma.local [hbm:s6], s20  }
0x9f: {  	_ =	swait.ge [sflag:s22], s20  }
0xa0: {  	s5 =	ssub.s32 $0x0, s20;
	[sflag:s22] =	ssyncset.done $0x0  }
0xa1: {  	[sflag:s22] =	ssyncadd.s32 s5;
	_ =	sdelay $0x1  }
0xa2: {  	s23 =	simm.s32 $0x1B8B  }
0xa3: {  	_ =	swait.ge [sflag:s23], $0x1  }
0xa4: {  	[sflag:s23] =	ssyncset.done $0x0  }
0xa5: {  	s25 =	simm.s32 $0x1B8E;
	s24 =	sld [smem:$0x3FFE];
	[sflag:s23] =	ssyncadd.s32 $0xFFFFFFFF  }
0xa6: {  	s26 =	simm.s32 $execute0_lowered;
	[smem:$0x3FD2] =	sst s25  }
0xa7: {  	s6 =	sshll.u32 s26, $0x1;
	_ =	strace $0x80000046;
	[dreg:$0x1] =	wrdreg $0xFFFFFFFF  }
0xa8: {  	s28 =	simm.s32 $_size_execute0_lowered;
	s4 =	sadd.s32 s4, s6;
	[dreg:$0x0] =	wrdreg $0x0  }
0xa9: {  	s6 =	sshll.u32 s28, $0x1;
	[dreg:$0x2] =	wrdreg s4  }
0xaa: {  	[dreg:$0x3] =	wrdreg s6  }
0xab: {  	[dreg:$0x4] =	wrdreg $0xC0  }
0xac: {  	_ =	task [dreg:s8], $0x5FFFF  }
0xad: {  	[dreg:$0x1] =	wrdreg $0xFFFFFFFF  }
0xae: {  	[dreg:$0x0] =	wrdreg $0x60  }
0xaf: {  	[dreg:$0x2] =	wrdreg s24  }
0xb0: {  	[dreg:$0x3] =	wrdreg s2  }
0xb1: {  	[dreg:$0x4] =	wrdreg s18  }
0xb2: {  	[dreg:$0x5] =	wrdreg $0x9  }
0xb3: {  	_ =	task.clear_ibuf [dreg:s8], $0x6FFFF;
	_ =	strace $0x90000046  }
0xb4: {  	s29 =	simm.s32 $0x9;
	_ =	strace $0x80000048  }
0xb5: {  	_ =	swait.ge [sflag:s29], $0x1  }
0xb6: {  	[sflag:s29] =	ssyncadd.s32 $0xFFFFFFFF  }
0xb7: {  	_ =	strace $0x90000048  }
0xb8: {  	_ =	sfence  }
0xb9: {  	s30 =	sld [smem:$0x0];
	_ =	sdelay $0x2  }
0xba: {  	s31 =	sshll.u32 s1, $0xD;
	s1 =	sshrl.u32 s1, $0x2  }
0xbb: {  	s3 =	sand.u32 $0x4000, s31;
	s1 =	sadd.s32 s1, s30  }
0xbc: {  	s0 =	sor.u32 s3, s0;
	s1 =	sshll.u32 s1, $0x11  }
0xbd: {  	s0 =	sor.u32 s1, s0  }
0xbe: {  	s0 =	sadd.s32 $0x8F2B, s0  }
0xbf: {  	[sflag:s0] =	ssyncadd.remote.s32 $0x1  }
0xc0: {  	_ =	sfence.sel $0xFFFF  }
0xc1: {  	[dreg:$0x0] =	wrdreg $0xFFFFFFFF;
	(pc) =	sbr.abs _section_cstart, $3  }
0xc2: {  	[dreg:$0x1] =	wrdreg $0xFFFFFFFF  }
0xc3: {  	_ =	task.clear_ibuf [dreg:s8], $0x2FFFF;
	_ =	strace $0x9FFFFFFF  }
0xc4: {  	(tm) =	ssettm $0x7FFFFFFF  }
0xc5: {  	_ =	shalt  }
tec
execute0_lowered:
.L_overlay_start_1:
0x0: {  	(tag) =	ssettag $0x1  }
0x1: {  	s10 =	stileid.u32  }
0x2: {  	s0 =	srdreg.scid;
	s20 =	smul.u32 $0x32000, s10  }
0x3: {  	s1 =	rddreg [dreg:$0x0];
	s0 =	sand.u32 $0x1, s0;
	s23 =	smul.u32 $0xC8, s10  }
0x4: {  	s3 =	rddreg [dreg:$0x1];
	s2 =	sshll.u32 s10, $0x1;
	s25 =	smul.u32 $0x64, s0  }
0x5: {  	s4 =	sor.u32 s0, s2;
	s8 =	ssub.s32 $0x2, s0;
	s0 =	smul.u32 $0x19000, s0  }
0x6: {  	s7 =	simm.s32 $0x0;
	s31 =	simm.s32 $0x4;
	s5 =	smul.u32 $0xC8000, s4  }
0x7: {  	s28 =	simm.s32 $0x7;
	[smem:$0x7FF] =	sst s7;
	s6 =	smul.u32 $0x48000, s4  }
0x8: {  	s2 =	rddreg [dreg:$0x2];
	_ =	strace $0x80000047;
	s9 =	smul.u32 $0x640, s4  }
0x9: {  	s4 =	sadd.s32 $0x400, s1;
	s14 =	sshrl.u32 s8, $0x1;
	s16 =	sadd.s32 $0x8, s2  }
0xa: {  	s1 =	ssub.s32 s8, s14;
	s29 =	sadd.s32 s25, s23;
	s0 =	sadd.s32 s0, s20  }
0xb: {  	s20 =	simm.s32 $0x80;
	s13 =	sand.u32 $0x1F80000, s5;
	s6 =	sand.u32 $0x78000, s6  }
0xc: {  	s3 =	sadd.s32 s3, s9;
	s5 =	sshrl.u32 s5, $0x3;
	[dreg:$0x10] =	wrdreg s0  }
0xd: {  	s1 =	smax.u32 s1, $0x1;
	s30 =	sadd.s32 $0x9, s29;
	[dreg:$0x4] =	wrdreg s3  }
0xe: {  	s19 =	sadd.s32 s2, s5;
	s22 =	sadd.s32 $0x18000, s5;
	[dreg:$0xf] =	wrdreg s1  }
0xf: {  	s21 =	sadd.s32 s16, s5;
	[dreg:$0x11] =	wrdreg s30;
	s24 =	sadd.s32 s2, s22  }
0x10: {  	s5 =	sadd.s32 $0x18800, s5;
	s8 =	sadd.s32 s22, s16;
	[dreg:$0xb] =	wrdreg s24  }
0x11: {  	s6 =	sor.u32 s6, s13;
	s26 =	sadd.s32 s2, s5;
	[dreg:$0xc] =	wrdreg s8  }
0x12: {  	s6 =	sshrl.u32 s6, $0x3;
	s3 =	sadd.s32 s5, s16;
	[dreg:$0xd] =	wrdreg s26  }
0x13: {  	s23 =	simm.s32 $0x6;
	s15 =	sadd.s32 s2, s6;
	[dreg:$0xe] =	wrdreg s3  }
0x14: {  	s17 =	sor.u32 $0x800, s6;
	s6 =	sadd.s32 s6, s16;
	[dreg:$0x5] =	wrdreg s15  }
0x15: {  	s0 =	simm.s32 $0x0;
	[dreg:$0x6] =	wrdreg s6;
	s18 =	sadd.s32 s2, s17  }
0x16: {  	s5 =	simm.s32 $0x8;
	s7 =	sadd.s32 s17, s16;
	[dreg:$0x7] =	wrdreg s18  }
0x17: {  	s26 =	simm.s32 $0x40;
	s6 =	sadd.s32 $0x1000, s19;
	[dreg:$0x8] =	wrdreg s7  }
0x18: {  	s3 =	simm.s32 $0x5;
	[dreg:$0x9] =	wrdreg s6;
	s7 =	sadd.s32 $0x17800, s21  }
0x19: {  	s6 =	simm.s32 $0x9;
	[dreg:$0xa] =	wrdreg s7;
	s7 =	simm.s32 $0xA  }
.LBB2_1:
0x1a: {  	[dreg:$0x12] =	wrdreg s0  }
0x1b: {  	s8 =	simm.s32 $0x0;
	s9 =	rddreg [dreg:$0x4];
	s14 =	simm.s32 $0xB  }
0x1c: {  	[tilespmem:s8], [sflag:$0xB] =	stream.linear.gather [hbm4b:s9+s8], $0x3200, $0x38;
	[tilespmem:$0xD200] =	vst v63  }
0x1d: {  	_ =	swait.ge [sflag:s14], $0x3200  }
0x1e: {  	[sflag:s14] =	ssyncset.done $0x0  }
0x1f: {  	s21 =	simm.s32 $0x3200;
	[sflag:s14] =	ssyncadd.s32 $0xFFFFCE00  }
0x20: {  	[tilespmem:s21], [sflag:$0x1] =	stream.indirect.gather [hbm4b:s4+s20], $0x40, s8, s20, $0xb8;
	[tilespmem:$0xD200] =	vst v63  }
0x21: {  	s18 =	simm.s32 $0x5200  }
0x22: {  	[tilespmem:s18], [sflag:$0x2] =	stream.indirect.gather [hbm4b:s4+s20], $0x40, s20, s20, $0xb8;
	[tilespmem:$0xD200] =	vst v63  }
0x23: {  	s1 =	simm.s32 $0x100;
	s22 =	simm.s32 $0x7200  }
0x24: {  	[tilespmem:s22], [sflag:$0x3] =	stream.indirect.gather [hbm4b:s4+s20], $0x40, s1, s20, $0xb8;
	[tilespmem:$0xD200] =	vst v63  }
0x25: {  	s1 =	simm.s32 $0x1  }
0x26: {  	_ =	swait.ge [sflag:s1], $0x2000  }
0x27: {  	[sflag:s1] =	ssyncset.done $0x0  }
0x28: {  	s15 =	rddreg [dreg:$0x5];
	[sflag:s1] =	ssyncadd.s32 $0xFFFFE000  }
0x29: {  	[hbm4b:s15+s26] =	stream.strided.scatter [tilespmem:s21], [sflag:$0x6], $0x2000, s20, s26, $0x38;
	[tilespmem:$0xD200] =	vst v63  }
0x2a: {  	s16 =	simm.s32 $0x180;
	s25 =	simm.s32 $0x9200;
	s29 =	simm.s32 $0x2  }
0x2b: {  	[tilespmem:s25], [sflag:$0x4] =	stream.indirect.gather [hbm4b:s4+s20], $0x40, s16, s20, $0xb8;
	[tilespmem:$0xD200] =	vst v63  }
0x2c: {  	_ =	swait.ge [sflag:s29], $0x2000  }
0x2d: {  	[sflag:s29] =	ssyncset.done $0x0  }
0x2e: {  	s17 =	rddreg [dreg:$0x6];
	[sflag:s29] =	ssyncadd.s32 $0xFFFFE000  }
0x2f: {  	[hbm4b:s17+s26] =	stream.strided.scatter [tilespmem:s18], [sflag:$0x7], $0x2000, s20, s26, $0x38;
	[tilespmem:$0xD200] =	vst v63  }
0x30: {  	s19 =	simm.s32 $0x200;
	s30 =	simm.s32 $0xB200;
	s0 =	simm.s32 $0x3  }
0x31: {  	[tilespmem:s30], [sflag:$0x5] =	stream.indirect.gather [hbm4b:s4+s20], $0x40, s19, s20, $0xb8;
	[tilespmem:$0xD200] =	vst v63  }
0x32: {  	_ =	swait.ge [sflag:s0], $0x2000  }
0x33: {  	[sflag:s0] =	ssyncset.done $0x0  }
0x34: {  	s24 =	rddreg [dreg:$0x7];
	[sflag:s0] =	ssyncadd.s32 $0xFFFFE000  }
0x35: {  	[hbm4b:s24+s26] =	stream.strided.scatter [tilespmem:s22], [sflag:$0x8], $0x2000, s20, s26, $0x38;
	[tilespmem:$0xD200] =	vst v63  }
0x36: {  	_ =	swait.ge [sflag:s23], $0x2000  }
0x37: {  	[sflag:s23] =	ssyncset.done $0x0  }
0x38: {  	s9 =	simm.s32 $0x280;
	[sflag:s23] =	ssyncadd.s32 $0xFFFFE000  }
0x39: {  	[tilespmem:s21], [sflag:$0x1] =	stream.indirect.gather [hbm4b:s4+s20], $0x40, s9, s20, $0xb8;
	[tilespmem:$0xD200] =	vst v63  }
0x3a: {  	_ =	swait.ge [sflag:s31], $0x2000  }
0x3b: {  	[sflag:s31] =	ssyncset.done $0x0  }
0x3c: {  	s10 =	rddreg [dreg:$0x8];
	[sflag:s31] =	ssyncadd.s32 $0xFFFFE000  }
0x3d: {  	[hbm4b:s10+s26] =	stream.strided.scatter [tilespmem:s25], [sflag:$0x9], $0x2000, s20, s26, $0x38;
	[tilespmem:$0xD200] =	vst v63  }
0x3e: {  	_ =	swait.ge [sflag:s28], $0x2000  }
0x3f: {  	[sflag:s28] =	ssyncset.done $0x0  }
0x40: {  	s11 =	simm.s32 $0x300;
	[sflag:s28] =	ssyncadd.s32 $0xFFFFE000  }
0x41: {  	[tilespmem:s18], [sflag:$0x2] =	stream.indirect.gather [hbm4b:s4+s20], $0x40, s11, s20, $0xb8;
	[tilespmem:$0xD200] =	vst v63  }
0x42: {  	_ =	swait.ge [sflag:s3], $0x2000  }
0x43: {  	[sflag:s3] =	ssyncset.done $0x0  }
0x44: {  	s12 =	rddreg [dreg:$0x9];
	[sflag:s3] =	ssyncadd.s32 $0xFFFFE000  }
0x45: {  	[hbm4b:s12+s26] =	stream.strided.scatter [tilespmem:s30], [sflag:$0xA], $0x2000, s20, s26, $0x38;
	[tilespmem:$0xD200] =	vst v63  }
0x46: {  	_ =	swait.ge [sflag:s5], $0x2000  }
0x47: {  	[sflag:s5] =	ssyncset.done $0x0;
	s19 =	rddreg [dreg:$0x11]  }
0x48: {  	s13 =	simm.s32 $0x380;
	s24 =	rddreg [dreg:$0x10];
	[sflag:s5] =	ssyncadd.s32 $0xFFFFE000  }
0x49: {  	s14 =	sadd.s32 $0xFFFFFFFC, s19;
	s12 =	sadd.s32 $0x1400, s24;
	s11 =	sshll.u32 s19, $0x3  }
0x4a: {  	[tilespmem:s22], [sflag:$0x3] =	stream.indirect.gather [hbm4b:s4+s20], $0x40, s13, s20, $0xb8;
	[tilespmem:$0xD200] =	vst v63  }
0x4b: {  	s16 =	sadd.s32 $0x1800, s24;
	s17 =	sadd.s32 $0x1C00, s24;
	s15 =	sshll.u32 s14, $0xA  }
0x4c: {  	s8 =	sshll.u32 s14, $0x3;
	s10 =	sand.u32 $0xFFF0000, s12;
	s13 =	simm.s32 $0x1400  }
0x4d: {  	s14 =	simm.s32 $0x0;
	s9 =	sand.u32 $0xF800, s15;
	s8 =	sand.u32 $0x8, s8  }
0x4e: {  	_ =	swait.ge [sflag:s1], $0x2000;
	s9 =	sor.u32 s9, s10;
	s8 =	sadd.s32 s2, s8  }
0x4f: {  	s15 =	sadd.s32 $0xFFFFFFFD, s19;
	[sflag:s1] =	ssyncset.done $0x0;
	s8 =	sadd.s32 s9, s8  }
0x50: {  	s9 =	sand.u32 $0xFFF0000, s16;
	s16 =	sshll.u32 s15, $0x3;
	s15 =	sshll.u32 s15, $0xA  }
0x51: {  	[sflag:s1] =	ssyncadd.s32 $0xFFFFE000;
	s16 =	sand.u32 $0x8, s16;
	s15 =	sand.u32 $0xF800, s15  }
0x52: {  	[hbm4b:s8+s26] =	stream.strided.scatter [tilespmem:s21], [sflag:$0x6], $0x2000, s20, s26, $0x38;
	[tilespmem:$0xD200] =	vst v63  }
0x53: {  	s10 =	simm.s32 $0xA00;
	s16 =	sadd.s32 s2, s16;
	s9 =	sor.u32 s15, s9  }
0x54: {  	s15 =	sadd.s32 $0xFFFFFFFE, s19;
	_ =	swait.ge [sflag:s6], $0x2000;
	s8 =	sadd.s32 s9, s16  }
0x55: {  	s9 =	sand.u32 $0xFFF0000, s17;
	s1 =	sshll.u32 s15, $0xA;
	[sflag:s6] =	ssyncset.done $0x0  }
0x56: {  	s15 =	sshll.u32 s15, $0x3;
	s17 =	simm.s32 $0x400;
	[sflag:s6] =	ssyncadd.s32 $0xFFFFE000  }
0x57: {  	[tilespmem:s25], [sflag:$0x4] =	stream.indirect.gather [hbm4b:s4+s20], $0x40, s17, s20, $0xb8;
	[tilespmem:$0xD200] =	vst v63  }
0x58: {  	s16 =	sand.u32 $0xF800, s1;
	s15 =	sand.u32 $0x8, s15;
	_ =	swait.ge [sflag:s29], $0x2000  }
0x59: {  	s1 =	simm.s32 $0x480;
	s9 =	sor.u32 s16, s9;
	[sflag:s29] =	ssyncset.done $0x0  }
0x5a: {  	s15 =	sadd.s32 s2, s15;
	s17 =	sadd.s32 $0xFFFFFFFF, s19;
	[sflag:s29] =	ssyncadd.s32 $0xFFFFE000  }
0x5b: {  	[hbm4b:s8+s26] =	stream.strided.scatter [tilespmem:s18], [sflag:$0x7], $0x2000, s20, s26, $0x38;
	[tilespmem:$0xD200] =	vst v63  }
0x5c: {  	s9 =	sadd.s32 s9, s15;
	s25 =	sshll.u32 s17, $0xA;
	_ =	swait.ge [sflag:s7], $0x2000  }
0x5d: {  	s18 =	sadd.s32 $0x2000, s24;
	s8 =	sshll.u32 s17, $0x3;
	[sflag:s7] =	ssyncset.done $0x0  }
0x5e: {  	s17 =	sand.u32 $0xF800, s25;
	s15 =	sand.u32 $0xFFF0000, s18;
	[sflag:s7] =	ssyncadd.s32 $0xFFFFE000  }
0x5f: {  	[tilespmem:s30], [sflag:$0x5] =	stream.indirect.gather [hbm4b:s4+s20], $0x40, s1, s20, $0xb8;
	[tilespmem:$0xD200] =	vst v63  }
0x60: {  	s8 =	sand.u32 $0x8, s8;
	s15 =	sor.u32 s17, s15;
	_ =	swait.ge [sflag:s0], $0x2000  }
0x61: {  	s8 =	sadd.s32 s2, s8;
	s17 =	sand.u32 $0x8, s11;
	[sflag:s0] =	ssyncset.done $0x0  }
0x62: {  	s18 =	sadd.s32 s15, s8;
	s17 =	sadd.s32 s2, s17;
	[sflag:s0] =	ssyncadd.s32 $0xFFFFE000  }
0x63: {  	[hbm4b:s9+s26] =	stream.strided.scatter [tilespmem:s22], [sflag:$0x8], $0x2000, s20, s26, $0x38;
	[tilespmem:$0xD200] =	vst v63  }
0x64: {  	s8 =	simm.s32 $0x580;
	s15 =	sadd.s32 $0x1400, s12;
	_ =	swait.ge [sflag:s23], $0x2000  }
0x65: {  	s1 =	simm.s32 $0x500;
	s30 =	sadd.s32 $0x2400, s24;
	[sflag:s23] =	ssyncset.done $0x0  }
0x66: {  	s24 =	sand.u32 $0xFFF0000, s30;
	s9 =	sadd.s32 $0x5, s19;
	[sflag:s23] =	ssyncadd.s32 $0xFFFFE000  }
0x67: {  	[tilespmem:s21], [sflag:$0x1] =	stream.indirect.gather [hbm4b:s4+s20], $0x40, s1, s20, $0xb8;
	[tilespmem:$0xD200] =	vst v63  }
0x68: {  	s19 =	sshll.u32 s19, $0xA;
	s25 =	sadd.s32 $0xFFFFFFFC, s9;
	_ =	swait.ge [sflag:s31], $0x2000  }
0x69: {  	s11 =	sshll.u32 s9, $0x3;
	s29 =	sand.u32 $0xF800, s19;
	[sflag:s31] =	ssyncset.done $0x0  }
0x6a: {  	s22 =	sshll.u32 s25, $0x3;
	s21 =	sshll.u32 s25, $0xA;
	[sflag:s31] =	ssyncadd.s32 $0xFFFFE000  }
.LBB2_2:
0x6b: {  	s30 =	simm.s32 $0x9200;
	s19 =	smov.u32 s9;
	s16 =	smov.u32 s12  }
0x6c: {  	s12 =	sand.u32 $0xF800, s21;
	s21 =	sand.u32 $0x8, s22;
	s22 =	sand.u32 $0xFFF0000, s15  }
0x6d: {  	[hbm4b:s18+s26] =	stream.strided.scatter [tilespmem:s30], [sflag:$0x9], $0x2000, s20, s26, $0x38;
	[tilespmem:$0xD200] =	vst v63  }
0x6e: {  	s24 =	sor.u32 s29, s24;
	s1 =	simm.s32 $0x5200;
	s18 =	smov.u32 s13  }
0x6f: {  	p0 =	sne.s32 s13, $0xAA00;
	s0 =	simm.s32 $0xB200;
	_ =	swait.ge [sflag:s28], $0x2000  }
0x70: {  	s14 =	sadd.s32 $0x600, s14;
	s25 =	simm.s32 $0x7200;
	[sflag:s28] =	ssyncset.done $0x0  }
0x71: {  	s12 =	sor.u32 s12, s22;
	s21 =	sadd.s32 s2, s21;
	[sflag:s28] =	ssyncadd.s32 $0xFFFFE000  }
0x72: {  	[tilespmem:s1], [sflag:$0x2] =	stream.indirect.gather [hbm4b:s4+s20], $0x40, s8, s20, $0xb8;
	[tilespmem:$0xD200] =	vst v63  }
0x73: {  	s8 =	sadd.s32 s12, s21;
	s12 =	sadd.s32 s24, s17;
	_ =	swait.ge [sflag:s3], $0x2000  }
0x74: {  	s29 =	simm.s32 $0x3200;
	s13 =	sadd.s32 $0xA00, s13;
	[sflag:s3] =	ssyncset.done $0x0  }
0x75: {  	s17 =	sshra.s32 s10, $0x2;
	s21 =	sadd.s32 $0x1800, s16;
	[sflag:s3] =	ssyncadd.s32 $0xFFFFE000  }
0x76: {  	[hbm4b:s12+s26] =	stream.strided.scatter [tilespmem:s0], [sflag:$0xA], $0x2000, s20, s26, $0x38;
	[tilespmem:$0xD200] =	vst v63  }
0x77: {  	s10 =	smov.u32 s18;
	s12 =	sadd.s32 $0xFFFFFFFD, s9;
	_ =	swait.ge [sflag:s5], $0x2000  }
0x78: {  	s22 =	simm.s32 $0x1;
	s18 =	sand.u32 $0xFFF0000, s21;
	s21 =	sshll.u32 s12, $0x3  }
0x79: {  	s12 =	sshll.u32 s12, $0xA;
	s21 =	sand.u32 $0x8, s21;
	[sflag:s5] =	ssyncset.done $0x0  }
0x7a: {  	s12 =	sand.u32 $0xF800, s12;
	s21 =	sadd.s32 s2, s21;
	[sflag:s5] =	ssyncadd.s32 $0xFFFFE000  }
0x7b: {  	[tilespmem:s25], [sflag:$0x3] =	stream.indirect.gather [hbm4b:s4+s20], $0x40, s14, s20, $0xb8;
	[tilespmem:$0xD200] =	vst v63  }
0x7c: {  	s12 =	sor.u32 s12, s18;
	s14 =	sadd.s32 $0xFFFFFFFE, s9;
	_ =	swait.ge [sflag:s22], $0x2000  }
0x7d: {  	s18 =	sadd.s32 s12, s21;
	s12 =	sadd.s32 $0x1C00, s16;
	[sflag:s22] =	ssyncset.done $0x0  }
0x7e: {  	s21 =	sadd.s32 $0x480, s17;
	s12 =	sand.u32 $0xFFF0000, s12;
	[sflag:s22] =	ssyncadd.s32 $0xFFFFE000  }
0x7f: {  	[hbm4b:s8+s26] =	stream.strided.scatter [tilespmem:s29], [sflag:$0x6], $0x2000, s20, s26, $0x38;
	[tilespmem:$0xD200] =	vst v63  }
0x80: {  	s8 =	sshll.u32 s14, $0xA;
	s14 =	sshll.u32 s14, $0x3;
	_ =	swait.ge [sflag:s6], $0x2000  }
0x81: {  	s22 =	sadd.s32 $0x400, s17;
	s8 =	sand.u32 $0xF800, s8;
	[sflag:s6] =	ssyncset.done $0x0  }
0x82: {  	s8 =	sor.u32 s8, s12;
	s12 =	sand.u32 $0x8, s14;
	[sflag:s6] =	ssyncadd.s32 $0xFFFFE000  }
0x83: {  	[tilespmem:s30], [sflag:$0x4] =	stream.indirect.gather [hbm4b:s4+s20], $0x40, s22, s20, $0xb8;
	[tilespmem:$0xD200] =	vst v63  }
0x84: {  	s22 =	simm.s32 $0x2  }
0x85: {  	s14 =	smov.u32 s17;
	s12 =	sadd.s32 s2, s12;
	_ =	swait.ge [sflag:s22], $0x2000  }
0x86: {  	s8 =	sadd.s32 s8, s12;
	s12 =	smov.u32 s15;
	[sflag:s22] =	ssyncset.done $0x0  }
0x87: {  	s17 =	sadd.s32 $0xFFFFFFFF, s9;
	[sflag:s22] =	ssyncadd.s32 $0xFFFFE000;
	s22 =	sadd.s32 $0x2000, s16  }
0x88: {  	[hbm4b:s18+s26] =	stream.strided.scatter [tilespmem:s1], [sflag:$0x7], $0x2000, s20, s26, $0x38;
	[tilespmem:$0xD200] =	vst v63  }
0x89: {  	s18 =	sshll.u32 s17, $0xA;
	s17 =	sshll.u32 s17, $0x3;
	_ =	swait.ge [sflag:s7], $0x2000  }
0x8a: {  	s22 =	sand.u32 $0xFFF0000, s22;
	s18 =	sand.u32 $0xF800, s18;
	[sflag:s7] =	ssyncset.done $0x0  }
0x8b: {  	s24 =	sadd.s32 $0x500, s14;
	s18 =	sor.u32 s18, s22;
	[sflag:s7] =	ssyncadd.s32 $0xFFFFE000  }
0x8c: {  	[tilespmem:s0], [sflag:$0x5] =	stream.indirect.gather [hbm4b:s4+s20], $0x40, s21, s20, $0xb8;
	[tilespmem:$0xD200] =	vst v63  }
0x8d: {  	s0 =	simm.s32 $0x3  }
0x8e: {  	s17 =	sand.u32 $0x8, s17;
	_ =	swait.ge [sflag:s0], $0x2000  }
0x8f: {  	s11 =	sand.u32 $0x8, s11;
	s17 =	sadd.s32 s2, s17;
	[sflag:s0] =	ssyncset.done $0x0  }
0x90: {  	s19 =	sshll.u32 s19, $0xA;
	s18 =	sadd.s32 s18, s17;
	[sflag:s0] =	ssyncadd.s32 $0xFFFFE000  }
0x91: {  	[hbm4b:s8+s26] =	stream.strided.scatter [tilespmem:s25], [sflag:$0x8], $0x2000, s20, s26, $0x38;
	[tilespmem:$0xD200] =	vst v63  }
0x92: {  	s9 =	sadd.s32 $0x5, s9;
	s17 =	sadd.s32 s2, s11;
	_ =	swait.ge [sflag:s23], $0x2000  }
0x93: {  	s22 =	sadd.s32 $0xFFFFFFFC, s9;
	s11 =	sshll.u32 s9, $0x3;
	[sflag:s23] =	ssyncset.done $0x0  }
.Ltmp0:
0x94: {  	s8 =	sadd.s32 $0x580, s14;
	[sflag:s23] =	ssyncadd.s32 $0xFFFFE000;
	(pc) =	sbr.rel @p0 .LBB2_2-.Ltmp0, $4  }
0x95: {  	[tilespmem:s29], [sflag:$0x1] =	stream.indirect.gather [hbm4b:s4+s20], $0x40, s24, s20, $0xb8;
	[tilespmem:$0xD200] =	vst v63  }
0x96: {  	s21 =	sshll.u32 s22, $0xA;
	s22 =	sshll.u32 s22, $0x3;
	_ =	swait.ge [sflag:s31], $0x2000  }
0x97: {  	s15 =	sadd.s32 $0x1400, s15;
	s16 =	sadd.s32 $0x2400, s16;
	[sflag:s31] =	ssyncset.done $0x0  }
0x98: {  	s24 =	sand.u32 $0xFFF0000, s16;
	s29 =	sand.u32 $0xF800, s19;
	[sflag:s31] =	ssyncadd.s32 $0xFFFFE000  }
0x99: {  	s19 =	simm.s32 $0x9200  }
0x9a: {  	[hbm4b:s18+s26] =	stream.strided.scatter [tilespmem:s19], [sflag:$0x9], $0x2000, s20, s26, $0x38;
	[tilespmem:$0xD200] =	vst v63  }
0x9b: {  	_ =	swait.ge [sflag:s28], $0x2000  }
0x9c: {  	[sflag:s28] =	ssyncset.done $0x0  }
0x9d: {  	s16 =	simm.s32 $0x5200;
	[sflag:s28] =	ssyncadd.s32 $0xFFFFE000  }
0x9e: {  	[tilespmem:s16], [sflag:$0x2] =	stream.indirect.gather [hbm4b:s4+s20], $0x40, s8, s20, $0xb8;
	[tilespmem:$0xD200] =	vst v63  }
0x9f: {  	_ =	swait.ge [sflag:s3], $0x2000  }
0xa0: {  	s13 =	sor.u32 s29, s24;
	[sflag:s3] =	ssyncset.done $0x0  }
0xa1: {  	s24 =	simm.s32 $0xB200;
	s8 =	sadd.s32 s13, s17;
	[sflag:s3] =	ssyncadd.s32 $0xFFFFE000  }
0xa2: {  	[hbm4b:s8+s26] =	stream.strided.scatter [tilespmem:s24], [sflag:$0xA], $0x2000, s20, s26, $0x38;
	[tilespmem:$0xD200] =	vst v63  }
0xa3: {  	_ =	swait.ge [sflag:s5], $0x2000  }
0xa4: {  	s1 =	simm.s32 $0x7200;
	[sflag:s5] =	ssyncset.done $0x0  }
0xa5: {  	s10 =	sshra.s32 s10, $0x2;
	s17 =	sadd.s32 $0x600, s14;
	[sflag:s5] =	ssyncadd.s32 $0xFFFFE000  }
0xa6: {  	[tilespmem:s1], [sflag:$0x3] =	stream.indirect.gather [hbm4b:s4+s20], $0x40, s17, s20, $0xb8;
	[tilespmem:$0xD200] =	vst v63  }
0xa7: {  	s25 =	sadd.s32 $0xFFFFFFFD, s9;
	s18 =	sand.u32 $0xF800, s21;
	s17 =	simm.s32 $0x1  }
0xa8: {  	s21 =	sand.u32 $0xFFF0000, s15;
	s13 =	sand.u32 $0x8, s22;
	_ =	swait.ge [sflag:s17], $0x2000  }
0xa9: {  	s13 =	sadd.s32 s2, s13;
	s8 =	sor.u32 s18, s21;
	[sflag:s17] =	ssyncset.done $0x0  }
0xaa: {  	s15 =	simm.s32 $0x3200;
	s8 =	sadd.s32 s8, s13;
	[sflag:s17] =	ssyncadd.s32 $0xFFFFE000  }
0xab: {  	[hbm4b:s8+s26] =	stream.strided.scatter [tilespmem:s15], [sflag:$0x6], $0x2000, s20, s26, $0x38;
	[tilespmem:$0xD200] =	vst v63  }
0xac: {  	s29 =	sadd.s32 $0x400, s10;
	s30 =	sshll.u32 s25, $0x3;
	_ =	swait.ge [sflag:s6], $0x2000  }
0xad: {  	s22 =	sadd.s32 $0x1800, s12;
	s14 =	sand.u32 $0x8, s30;
	[sflag:s6] =	ssyncset.done $0x0  }
0xae: {  	s18 =	simm.s32 $0x2;
	s13 =	sshll.u32 s25, $0xA;
	[sflag:s6] =	ssyncadd.s32 $0xFFFFE000  }
0xaf: {  	[tilespmem:s19], [sflag:$0x4] =	stream.indirect.gather [hbm4b:s4+s20], $0x40, s29, s20, $0xb8;
	[tilespmem:$0xD200] =	vst v63  }
0xb0: {  	s13 =	sand.u32 $0xF800, s13;
	s8 =	sand.u32 $0xFFF0000, s22;
	_ =	swait.ge [sflag:s18], $0x2000  }
0xb1: {  	s14 =	sadd.s32 s2, s14;
	s8 =	sor.u32 s13, s8;
	[sflag:s18] =	ssyncset.done $0x0  }
0xb2: {  	s0 =	sadd.s32 $0xFFFFFFFE, s9;
	s8 =	sadd.s32 s8, s14;
	[sflag:s18] =	ssyncadd.s32 $0xFFFFE000  }
0xb3: {  	[hbm4b:s8+s26] =	stream.strided.scatter [tilespmem:s16], [sflag:$0x7], $0x2000, s20, s26, $0x38;
	[tilespmem:$0xD200] =	vst v63  }
0xb4: {  	s21 =	sadd.s32 $0x1C00, s12;
	s25 =	sshll.u32 s0, $0xA;
	_ =	swait.ge [sflag:s7], $0x2000  }
0xb5: {  	s22 =	sadd.s32 $0x480, s10;
	s13 =	sand.u32 $0xFFF0000, s21;
	[sflag:s7] =	ssyncset.done $0x0  }
0xb6: {  	s8 =	sshll.u32 s0, $0x3;
	s0 =	simm.s32 $0x3;
	[sflag:s7] =	ssyncadd.s32 $0xFFFFE000  }
0xb7: {  	[tilespmem:s24], [sflag:$0x5] =	stream.indirect.gather [hbm4b:s4+s20], $0x40, s22, s20, $0xb8;
	[tilespmem:$0xD200] =	vst v63  }
0xb8: {  	s14 =	sand.u32 $0xF800, s25;
	s8 =	sand.u32 $0x8, s8;
	_ =	swait.ge [sflag:s0], $0x2000  }
0xb9: {  	s13 =	sor.u32 s14, s13;
	s8 =	sadd.s32 s2, s8;
	[sflag:s0] =	ssyncset.done $0x0  }
0xba: {  	s8 =	sadd.s32 s13, s8;
	[sflag:s0] =	ssyncadd.s32 $0xFFFFE000  }
0xbb: {  	[hbm4b:s8+s26] =	stream.strided.scatter [tilespmem:s1], [sflag:$0x8], $0x2000, s20, s26, $0x38;
	[tilespmem:$0xD200] =	vst v63  }
0xbc: {  	s30 =	sadd.s32 $0x2000, s12;
	s21 =	sadd.s32 $0x500, s10;
	_ =	swait.ge [sflag:s23], $0x2000  }
0xbd: {  	s29 =	sadd.s32 $0xFFFFFFFF, s9;
	s13 =	sand.u32 $0xFFF0000, s30;
	[sflag:s23] =	ssyncset.done $0x0  }
0xbe: {  	s22 =	sshll.u32 s29, $0xA;
	s8 =	sshll.u32 s29, $0x3;
	[sflag:s23] =	ssyncadd.s32 $0xFFFFE000  }
0xbf: {  	[tilespmem:s15], [sflag:$0x1] =	stream.indirect.gather [hbm4b:s4+s20], $0x40, s21, s20, $0xb8;
	[tilespmem:$0xD200] =	vst v63  }
0xc0: {  	s14 =	sand.u32 $0xF800, s22;
	s8 =	sand.u32 $0x8, s8;
	_ =	swait.ge [sflag:s31], $0x2000  }
0xc1: {  	s13 =	sor.u32 s14, s13;
	s8 =	sadd.s32 s2, s8;
	[sflag:s31] =	ssyncset.done $0x0  }
0xc2: {  	s8 =	sadd.s32 s13, s8;
	[sflag:s31] =	ssyncadd.s32 $0xFFFFE000  }
0xc3: {  	[hbm4b:s8+s26] =	stream.strided.scatter [tilespmem:s19], [sflag:$0x9], $0x2000, s20, s26, $0x38;
	[tilespmem:$0xD200] =	vst v63  }
0xc4: {  	_ =	swait.ge [sflag:s28], $0x2000  }
0xc5: {  	s12 =	sadd.s32 $0x2400, s12;
	s30 =	sshll.u32 s9, $0xA;
	[sflag:s28] =	ssyncset.done $0x0  }
0xc6: {  	s25 =	sadd.s32 $0x580, s10;
	s9 =	sand.u32 $0xF800, s30;
	[sflag:s28] =	ssyncadd.s32 $0xFFFFE000  }
0xc7: {  	[tilespmem:s16], [sflag:$0x2] =	stream.indirect.gather [hbm4b:s4+s20], $0x40, s25, s20, $0xb8;
	[tilespmem:$0xD200] =	vst v63  }
0xc8: {  	s29 =	sand.u32 $0x8, s11;
	s11 =	sand.u32 $0xFFF0000, s12;
	_ =	swait.ge [sflag:s3], $0x2000  }
0xc9: {  	s9 =	sor.u32 s9, s11;
	s8 =	sadd.s32 s2, s29;
	[sflag:s3] =	ssyncset.done $0x0  }
0xca: {  	s8 =	sadd.s32 s9, s8;
	[sflag:s3] =	ssyncadd.s32 $0xFFFFE000  }
0xcb: {  	[hbm4b:s8+s26] =	stream.strided.scatter [tilespmem:s24], [sflag:$0xA], $0x2000, s20, s26, $0x38;
	[tilespmem:$0xD200] =	vst v63  }
0xcc: {  	_ =	swait.ge [sflag:s5], $0x2000  }
0xcd: {  	[sflag:s5] =	ssyncset.done $0x0  }
0xce: {  	s13 =	sadd.s32 $0x600, s10;
	[sflag:s5] =	ssyncadd.s32 $0xFFFFE000  }
0xcf: {  	[tilespmem:s1], [sflag:$0x3] =	stream.indirect.gather [hbm4b:s4+s20], $0x40, s13, s20, $0xb8;
	[tilespmem:$0xD200] =	vst v63  }
0xd0: {  	_ =	swait.ge [sflag:s17], $0x2000  }
0xd1: {  	[sflag:s17] =	ssyncset.done $0x0  }
0xd2: {  	s14 =	rddreg [dreg:$0xa];
	[sflag:s17] =	ssyncadd.s32 $0xFFFFE000  }
0xd3: {  	[hbm4b:s14+s26] =	stream.strided.scatter [tilespmem:s15], [sflag:$0x6], $0x2000, s20, s26, $0x38;
	[tilespmem:$0xD200] =	vst v63  }
0xd4: {  	_ =	swait.ge [sflag:s6], $0x2000  }
0xd5: {  	[sflag:s6] =	ssyncset.done $0x0  }
0xd6: {  	s15 =	simm.s32 $0x3100;
	[sflag:s6] =	ssyncadd.s32 $0xFFFFE000  }
0xd7: {  	[tilespmem:s19], [sflag:$0x4] =	stream.indirect.gather [hbm4b:s4+s20], $0x40, s15, s20, $0xb8;
	[tilespmem:$0xD200] =	vst v63  }
0xd8: {  	_ =	swait.ge [sflag:s18], $0x2000  }
0xd9: {  	[sflag:s18] =	ssyncset.done $0x0  }
0xda: {  	s17 =	rddreg [dreg:$0xb];
	[sflag:s18] =	ssyncadd.s32 $0xFFFFE000  }
0xdb: {  	[hbm4b:s17+s26] =	stream.strided.scatter [tilespmem:s16], [sflag:$0x7], $0x2000, s20, s26, $0x38;
	[tilespmem:$0xD200] =	vst v63  }
0xdc: {  	_ =	swait.ge [sflag:s7], $0x2000  }
0xdd: {  	[sflag:s7] =	ssyncset.done $0x0  }
0xde: {  	s18 =	simm.s32 $0x3180;
	[sflag:s7] =	ssyncadd.s32 $0xFFFFE000  }
0xdf: {  	[tilespmem:s24], [sflag:$0x5] =	stream.indirect.gather [hbm4b:s4+s20], $0x40, s18, s20, $0xb8;
	[tilespmem:$0xD200] =	vst v63  }
0xe0: {  	_ =	swait.ge [sflag:s0], $0x2000  }
0xe1: {  	[sflag:s0] =	ssyncset.done $0x0  }
0xe2: {  	s21 =	rddreg [dreg:$0xc];
	[sflag:s0] =	ssyncadd.s32 $0xFFFFE000  }
0xe3: {  	[hbm4b:s21+s26] =	stream.strided.scatter [tilespmem:s1], [sflag:$0x8], $0x2000, s20, s26, $0x38;
	[tilespmem:$0xD200] =	vst v63  }
0xe4: {  	_ =	swait.ge [sflag:s31], $0x2000  }
0xe5: {  	[sflag:s31] =	ssyncset.done $0x0  }
0xe6: {  	s22 =	rddreg [dreg:$0xd];
	[sflag:s31] =	ssyncadd.s32 $0xFFFFE000  }
0xe7: {  	[hbm4b:s22+s26] =	stream.strided.scatter [tilespmem:s19], [sflag:$0x9], $0x2000, s20, s26, $0x38;
	[tilespmem:$0xD200] =	vst v63  }
0xe8: {  	_ =	swait.ge [sflag:s3], $0x2000  }
0xe9: {  	[sflag:s3] =	ssyncset.done $0x0  }
0xea: {  	s25 =	rddreg [dreg:$0xe];
	[sflag:s3] =	ssyncadd.s32 $0xFFFFE000  }
0xeb: {  	[hbm4b:s25+s26] =	stream.strided.scatter [tilespmem:s24], [sflag:$0xA], $0x2000, s20, s26, $0x38;
	[tilespmem:$0xD200] =	vst v63  }
0xec: {  	_ =	swait.ge [sflag:s23], $0x2000  }
0xed: {  	[sflag:s23] =	ssyncset.done $0x0  }
0xee: {  	[sflag:s23] =	ssyncadd.s32 $0xFFFFE000  }
0xef: {  	_ =	swait.ge [sflag:s28], $0x2000  }
0xf0: {  	[sflag:s28] =	ssyncset.done $0x0  }
0xf1: {  	[sflag:s28] =	ssyncadd.s32 $0xFFFFE000  }
0xf2: {  	_ =	swait.ge [sflag:s5], $0x2000  }
0xf3: {  	[sflag:s5] =	ssyncset.done $0x0  }
0xf4: {  	[sflag:s5] =	ssyncadd.s32 $0xFFFFE000  }
0xf5: {  	_ =	swait.ge [sflag:s6], $0x2000  }
0xf6: {  	[sflag:s6] =	ssyncset.done $0x0  }
0xf7: {  	[sflag:s6] =	ssyncadd.s32 $0xFFFFE000  }
0xf8: {  	_ =	swait.ge [sflag:s7], $0x2000  }
0xf9: {  	s29 =	rddreg [dreg:$0x12]  }
0xfa: {  	s30 =	rddreg [dreg:$0xf];
	s0 =	sadd.s32 $0x1, s29  }
0xfb: {  	p0 =	sne.s32 s0, s30  }
.Ltmp1:
0xfc: {  	_ = 	snop;
	(pc) =	sbr.rel @p0 .LBB2_1-.Ltmp1, $3  }
0xfd: {  	_ =	sdelay $0x1  }
0xfe: {  	[sflag:s7] =	ssyncset.done $0x0  }
0xff: {  	[sflag:s7] =	ssyncadd.s32 $0xFFFFE000  }
0x100: {  	_ =	sfence.sel $0x180000  }
0x101: {  	[bflag:$0x0] =	sbarrier.arrive $0xFFFF  }
0x102: {  	_ =	strace $0x90000047  }
0x103: {  	s0 =	stileid.u32;
	[bflag:$0x2] =	sbarrier.arrive $0xFFFF  }
0x104: {  	p0 =	sne.s32 s0, $0x0;
	s0 =	rddreg [dreg:$0x3]  }
0x105: {  	s0 =	sadd.s32 @!p0 $0x100000, s0  }
0x106: {  	[sflag:s0] =	ssyncadd.tile.s32 @!p0 $0x1;
	_ =	shalt  }
.Lfunc_end2:
_tile_overlayer_lowered:
.L_overlay_start_2:
0x107: {  	(tag) =	ssettag $0x2  }
0x108: {  	s0 =	rddreg [dreg:$0x0];
	s2 =	stileid.u32  }
0x109: {  	s1 =	rddreg [dreg:$0x1];
	p0 =	sne.s32 s2, $0x0  }
0x10a: {  	s3 =	rddreg [dreg:$0x2];
	[bflag:$0x3] =	sbarrier.arrive $0xFFFF;
	s2 =	simm.s32 @!p0 $0x1C0B  }
0x10b: {  	[timem:s3], [sflag:s2] =	dma.local @!p0 [hbm:s0], s1  }
0x10c: {  	s0 =	simm.s32 @!p0 $0xB  }
0x10d: {  	_ =	swait.ge @!p0 [sflag:s0], s1  }
0x10e: {  	s1 =	ssub.s32 @!p0 $0x0, s1;
	[sflag:s0] =	ssyncset.done @!p0 $0x0  }
0x10f: {  	[sflag:s0] =	ssyncadd.s32 @!p0 s1  }
0x110: {  	[bflag:$0x3] =	sbarrier.arrive $0xFFFF  }
0x111: {  	_ =	shalt  }

</sc_bundles>
